<compile_context>
chip_gen: v7x
topology: tpu7x:2x2x1
jax: 0.10.2.dev20260603
libtpu: 0.0.44.dev20260713+nightly
codegen_flags: <defaults>
</compile_context>

<pallas_src>
import functools

import jax
import jax.numpy as jnp
from jax import lax
from jax.experimental import pallas as pl
from jax.experimental.pallas import tpu as pltpu
from jax.experimental.pallas import tpu_sc as plsc

N = 10000
E = 320000
D = 128
G = 64

NC = 2
NS = 16
NW = NC * NS
C = 128
SR = 8
NBLK = 10
CH = SR * NBLK
NBUF = 2
HS = 1
CS = C // HS
EPT = CH * C
EP = NW * EPT
NP = 10112
RPT = NP // NS
DEGW = 128
RB = 1264
NB = NP // RB

_sc_mesh = plsc.VectorSubcoreMesh(core_axis_name="c", subcore_axis_name="s")


@functools.partial(
    pl.kernel,
    out_type=jax.ShapeDtypeStruct((NC, NP, DEGW), jnp.float32),
    mesh=_sc_mesh,
    scratch_types=[
        pltpu.VMEM((CH, C), jnp.int32),
        pltpu.VMEM((C, DEGW), jnp.float32),
        pltpu.VMEM_SHARED((NP, DEGW), jnp.float32),
    ],
)
def _sc_degree(dst3, ones, zeros, out, dst_v, ones_v, acc):
    c = lax.axis_index("c")
    s = lax.axis_index("s")
    wid = c * NS + s
    pltpu.sync_copy(dst3.at[wid], dst_v)
    pltpu.sync_copy(ones, ones_v)
    pltpu.sync_copy(zeros, acc.at[pl.ds(s * RPT, RPT)])
    plsc.subcore_barrier()

    def body(j, carry):
        pltpu.sync_copy(ones_v, acc.at[dst_v.at[j]], add=True)
        return carry

    lax.fori_loop(0, CH, body, 0)
    plsc.subcore_barrier()
    pltpu.sync_copy(acc.at[pl.ds(s * RPT, RPT)], out.at[c, pl.ds(s * RPT, RPT)])


@functools.partial(
    pl.kernel,
    out_type=jax.ShapeDtypeStruct((NC, NP, D), jnp.float32),
    mesh=_sc_mesh,
    scratch_types=(
        [pltpu.VMEM((2, SR, C), jnp.int32),
         pltpu.VMEM((2, SR, C), jnp.int32)]
        + [pltpu.VMEM((C, D), jnp.float32) for _ in range(NBUF)]
        + [pltpu.VMEM_SHARED((NP, D), jnp.float32)]
        + [pltpu.SemaphoreType.DMA for _ in range(NBUF)]
        + [pltpu.SemaphoreType.DMA]
    ),
)
def _sc_edge_agg(table, src4, dst4, zeros, out, sblk, dblk, *rest):
    rows = rest[:NBUF]
    acc = rest[NBUF]
    gsem = rest[NBUF + 1:NBUF + 1 + NBUF]
    isem = rest[NBUF + 1 + NBUF]
    c = lax.axis_index("c")
    s = lax.axis_index("s")
    wid = c * NS + s

    def gather(slot, k, b):
        for h in range(HS):
            pltpu.async_copy(
                table.at[sblk.at[slot, k, pl.ds(h * CS, CS)]],
                rows[b].at[pl.ds(h * CS, CS)], gsem[b])

    pltpu.sync_copy(zeros, acc.at[pl.ds(s * RPT, RPT)])
    pltpu.sync_copy(src4.at[wid, 0], sblk.at[0])
    pltpu.sync_copy(dst4.at[wid, 0], dblk.at[0])
    pltpu.async_copy(src4.at[wid, 1], sblk.at[1], isem)
    pltpu.async_copy(dst4.at[wid, 1], dblk.at[1], isem)
    plsc.subcore_barrier()
    for b in range(NBUF):
        gather(0, b, b)

    def body(r, carry):
        p = r % 2
        q = 1 - p
        for k in range(SR):
            b = k % NBUF
            pltpu.make_async_copy(zeros.at[pl.ds(0, C)], rows[b], gsem[b]).wait()
            pltpu.sync_copy(rows[b], acc.at[dblk.at[p, k]], add=True)
            if k == SR - NBUF:
                @pl.when(r + 1 < NBLK)
                def _():
                    pltpu.make_async_copy(src4.at[wid, 0], sblk.at[q], isem).wait()
                    pltpu.make_async_copy(dst4.at[wid, 0], dblk.at[q], isem).wait()
            if k < SR - NBUF:
                gather(p, k + NBUF, b)
            else:
                @pl.when(r + 1 < NBLK)
                def _():
                    gather(q, k + NBUF - SR, b)
        @pl.when(r + 2 < NBLK)
        def _():
            pltpu.async_copy(src4.at[wid, r + 2], sblk.at[p], isem)
            pltpu.async_copy(dst4.at[wid, r + 2], dblk.at[p], isem)
        return carry

    lax.fori_loop(0, NBLK, body, 0)
    plsc.subcore_barrier()
    pltpu.sync_copy(acc.at[pl.ds(s * RPT, RPT)], out.at[c, pl.ds(s * RPT, RPT)])


def _dinv(degp_ref):
    deg = degp_ref[0, :, 0:1] + degp_ref[1, :, 0:1] + 1.0
    return lax.rsqrt(deg)


def _mm_scale_body(x_ref, w_ref, degp_ref, o_ref):
    h = jnp.dot(x_ref[...], w_ref[...], preferred_element_type=jnp.float32)
    o_ref[...] = h * _dinv(degp_ref)


def _mm_scale(x, w, degp):
    return pl.pallas_call(
        _mm_scale_body,
        grid=(NB,),
        in_specs=[
            pl.BlockSpec((RB, D), lambda i: (i, 0)),
            pl.BlockSpec((D, D), lambda i: (0, 0)),
            pl.BlockSpec((NC, RB, DEGW), lambda i: (0, i, 0)),
        ],
        out_specs=pl.BlockSpec((RB, D), lambda i: (i, 0)),
        out_shape=jax.ShapeDtypeStruct((NP, D), jnp.float32),
    )(x, w, degp)


def _combine_mm_body(parts_ref, hs_ref, degp_ref, b_ref, w_ref, o_ref):
    dinv = _dinv(degp_ref)
    agg = parts_ref[0] + parts_ref[1] + hs_ref[...]
    z = jnp.maximum(agg * dinv + b_ref[...], 0.0)
    o_ref[...] = jnp.dot(z, w_ref[...], preferred_element_type=jnp.float32) * dinv


def _combine_mm(parts, hs, degp, b, w):
    return pl.pallas_call(
        _combine_mm_body,
        grid=(NB,),
        in_specs=[
            pl.BlockSpec((NC, RB, D), lambda i: (0, i, 0)),
            pl.BlockSpec((RB, D), lambda i: (i, 0)),
            pl.BlockSpec((NC, RB, DEGW), lambda i: (0, i, 0)),
            pl.BlockSpec((1, D), lambda i: (0, 0)),
            pl.BlockSpec((D, D), lambda i: (0, 0)),
        ],
        out_specs=pl.BlockSpec((RB, D), lambda i: (i, 0)),
        out_shape=jax.ShapeDtypeStruct((NP, D), jnp.float32),
    )(parts, hs, degp, b, w)


def _combine_pool_body(parts_ref, hs_ref, degp_ref, b_ref, bid_ref, o_ref,
                       sum_sc, cnt_sc):
    i = pl.program_id(0)

    @pl.when(i == 0)
    def _():
        sum_sc[...] = jnp.zeros_like(sum_sc)
        cnt_sc[...] = jnp.zeros_like(cnt_sc)

    dinv = _dinv(degp_ref)
    agg = parts_ref[0] + parts_ref[1] + hs_ref[...]
    z = jnp.maximum(agg * dinv + b_ref[...], 0.0)
    oh = (bid_ref[...] == lax.broadcasted_iota(jnp.int32, (RB, G), 1))
    oh = oh.astype(jnp.float32)
    sum_sc[...] += lax.dot_general(oh, z, (((0,), (0,)), ((), ())),
                                   preferred_element_type=jnp.float32)
    cnt_sc[...] += jnp.broadcast_to(jnp.sum(oh, axis=0)[:, None], (G, D))

    @pl.when(i == NB - 1)
    def _():
        o_ref[...] = sum_sc[...] / jnp.maximum(cnt_sc[...], 1.0)


def _combine_pool(parts, hs, degp, b, bid):
    return pl.pallas_call(
        _combine_pool_body,
        grid=(NB,),
        in_specs=[
            pl.BlockSpec((NC, RB, D), lambda i: (0, i, 0)),
            pl.BlockSpec((RB, D), lambda i: (i, 0)),
            pl.BlockSpec((NC, RB, DEGW), lambda i: (0, i, 0)),
            pl.BlockSpec((1, D), lambda i: (0, 0)),
            pl.BlockSpec((RB, G), lambda i: (i, 0)),
        ],
        out_specs=pl.BlockSpec((G, D), lambda i: (0, 0)),
        out_shape=jax.ShapeDtypeStruct((G, D), jnp.float32),
        scratch_shapes=[
            pltpu.VMEM((G, D), jnp.float32),
            pltpu.VMEM((G, D), jnp.float32),
        ],
    )(parts, hs, degp, b, bid)


def kernel(x, edge_index, batch, W1, b1, W2, b2):
    src = edge_index[0]
    dst = edge_index[1]
    pad_e = EP - E
    srcp = jnp.concatenate(
        [src, jnp.full((pad_e,), N, jnp.int32)]).reshape(NW, NBLK, SR, C)
    dstp = jnp.concatenate(
        [dst, jnp.full((pad_e,), N, jnp.int32)]).reshape(NW, NBLK, SR, C)
    dst3 = dstp.reshape(NW, CH, C)
    xp = jnp.pad(x, ((0, NP - N), (0, 0)))
    zeros_agg = jnp.zeros((RPT, D), jnp.float32)
    ones_deg = jnp.ones((C, DEGW), jnp.float32)
    batch_pad = jnp.concatenate([batch, jnp.full((NP - N,), G, jnp.int32)])
    bid = jnp.broadcast_to(batch_pad[:, None], (NP, G))

    degp = _sc_degree(dst3, ones_deg, zeros_agg)
    hs1 = _mm_scale(xp, W1, degp)
    parts1 = _sc_edge_agg(hs1, srcp, dstp, zeros_agg)
    hs2 = _combine_mm(parts1, hs1, degp, b1.reshape(1, D), W2)
    parts2 = _sc_edge_agg(hs2, srcp, dstp, zeros_agg)
    pooled = _combine_pool(parts2, hs2, degp, b2.reshape(1, D), bid)
    return pooled

# --- scband reference (transcript-rebuilt; emitter-appended) ---
"""Pipeline reference for scband-graph-encoder-33749853012495 (READ-ONLY COPY).

The authoritative reference and input builder live on the scoring server;
editing this copy changes nothing except your own understanding.
"""

import jax, jax.numpy as jnp
import numpy as np

N = 10000
E = 320000
D = 128
G = 64


def setup_inputs(seed: int = 0) -> dict:
    key = jax.random.key(seed)
    k1, k2, k3, k4, k5, k6, k7 = jax.random.split(key, 7)
    x = jax.random.normal(k1, (N, D), dtype=jnp.float32)
    edge_index = jax.random.randint(k2, (2, E), 0, N, dtype=jnp.int32)
    batch = jnp.sort(jax.random.randint(k3, (N,), 0, G, dtype=jnp.int32))
    scale = 1.0 / np.sqrt(D)
    W1 = jax.random.normal(k4, (D, D), dtype=jnp.float32) * scale
    b1 = jax.random.normal(k5, (D,), dtype=jnp.float32) * 0.01
    W2 = jax.random.normal(k6, (D, D), dtype=jnp.float32) * scale
    b2 = jax.random.normal(k7, (D,), dtype=jnp.float32) * 0.01
    return {"x": x, "edge_index": edge_index, "batch": batch, "W1": W1, "b1": b1, "W2": W2, "b2": b2}


def _gcn_conv(x, src, dst, W, b):
    # GCNConv: D^{-1/2} (A + I) D^{-1/2} X W + b
    loop = jnp.arange(N, dtype=src.dtype)
    s = jnp.concatenate([src, loop])
    d = jnp.concatenate([dst, loop])
    deg = jax.ops.segment_sum(jnp.ones_like(s, dtype=jnp.float32), d, num_segments=N)
    dinv = jnp.where(deg > 0, deg ** -0.5, 0.0)
    h = x @ W
    norm = (dinv[s] * dinv[d])[:, None]
    msg = jnp.take(h, s, axis=0) * norm
    out = jax.ops.segment_sum(msg, d, num_segments=N)
    return out + b


def reference(x, edge_index, batch, W1, b1, W2, b2):
    src, dst = edge_index[0], edge_index[1]
    h = jax.nn.relu(_gcn_conv(x, src, dst, W1, b1))
    h = jax.nn.relu(_gcn_conv(h, src, dst, W2, b2))
    # global_mean_pool over batch ids
    cnt = jax.ops.segment_sum(jnp.ones((N,), dtype=jnp.float32), batch, num_segments=G)
    summed = jax.ops.segment_sum(h, batch, num_segments=G)
    pooled = summed / jnp.clip(cnt, 1.0)[:, None]
    return pooled

if __name__ == "__main__":
    import jax
    _d = setup_inputs()
    print(jax.jit(kernel)(*tuple(_d.values())))

</pallas_src>

<mosaic_0001>
#map = affine_map<(d0, d1) -> (0, 0, 0)>
#map1 = affine_map<(d0, d1) -> (0, 0)>
module attributes {stable_mosaic.version = 14 : i64} {
  func.func @_sc_degree(%arg0: i32, %arg1: i32, %arg2: memref<32x80x128xi32, #tpu.memory_space<hbm>>, %arg3: memref<128x128xf32, #tpu.memory_space<hbm>>, %arg4: memref<632x128xf32, #tpu.memory_space<hbm>>, %arg5: memref<2x10112x128xf32, #tpu.memory_space<hbm>>, %arg6: memref<80x128xi32, #tpu.memory_space<vmem>>, %arg7: memref<128x128xf32, #tpu.memory_space<vmem>>, %arg8: memref<10112x128xf32, #tpu.memory_space<vmem_shared>>) attributes {dimension_semantics = [#tpu.dimension_semantics<core_parallel>, #tpu.dimension_semantics<subcore_parallel>], iteration_bounds = array<i64: 2, 16>, scalar_prefetch = 0 : i64, scratch_operands = 3 : i64, tpu.core_type = #tpu.core_type<sc_vector_subcore>, window_params = [{transform_indices = #map}, {transform_indices = #map1}, {transform_indices = #map1}, {transform_indices = #map}]} {
    %mul3A = arith.constant 16 : i32
    %mul3A_0 = arith.muli %arg0, %mul3A : i32
    %add3A = arith.addi %mul3A_0, %arg1 : i32
    "tpu.region"() ({
      %run_scoped3A = tpu.sem_alloc : memref<!tpu.dma_semaphore, #tpu.memory_space<semaphore_mem>>
      %dma_start3A = arith.constant 0 : i32
      %dma_start3A_13 = arith.constant 0 : i32
      %dma_start3A_14 = tpu.memref_slice %arg2[%add3A, %dma_start3A, %dma_start3A_13] : memref<32x80x128xi32, #tpu.memory_space<hbm>> -> memref<1x80x128xi32, #tpu.memory_space<hbm>>
      %dma_start3A_15 = tpu.memref_squeeze %dma_start3A_14 : memref<1x80x128xi32, #tpu.memory_space<hbm>> -> memref<80x128xi32, #tpu.memory_space<hbm>>
      %dma_start3A_16 = arith.constant 0 : i32
      %dma_start3A_17 = arith.constant 0 : i32
      %dma_start3A_18 = tpu.memref_slice %arg2[%add3A, %dma_start3A_16, %dma_start3A_17] : memref<32x80x128xi32, #tpu.memory_space<hbm>> -> memref<1x80x128xi32, #tpu.memory_space<hbm>>
      %dma_start3A_19 = tpu.memref_squeeze %dma_start3A_18 : memref<1x80x128xi32, #tpu.memory_space<hbm>> -> memref<80x128xi32, #tpu.memory_space<hbm>>
      tpu.enqueue_dma source(%dma_start3A_19 : memref<80x128xi32, #tpu.memory_space<hbm>>) target(%arg6 : memref<80x128xi32, #tpu.memory_space<vmem>>) target_semaphore(%run_scoped3A : memref<!tpu.dma_semaphore, #tpu.memory_space<semaphore_mem>>)
      %dma_wait3A = arith.constant 0 : i32
      %dma_wait3A_20 = arith.constant 0 : i32
      %dma_wait3A_21 = tpu.memref_slice %arg2[%add3A, %dma_wait3A, %dma_wait3A_20] : memref<32x80x128xi32, #tpu.memory_space<hbm>> -> memref<1x80x128xi32, #tpu.memory_space<hbm>>
      %dma_wait3A_22 = tpu.memref_squeeze %dma_wait3A_21 : memref<1x80x128xi32, #tpu.memory_space<hbm>> -> memref<80x128xi32, #tpu.memory_space<hbm>>
      %dma_wait3A_23 = arith.constant 0 : i32
      %dma_wait3A_24 = arith.constant 0 : i32
      %dma_wait3A_25 = tpu.memref_slice %arg2[%add3A, %dma_wait3A_23, %dma_wait3A_24] : memref<32x80x128xi32, #tpu.memory_space<hbm>> -> memref<1x80x128xi32, #tpu.memory_space<hbm>>
      %dma_wait3A_26 = tpu.memref_squeeze %dma_wait3A_25 : memref<1x80x128xi32, #tpu.memory_space<hbm>> -> memref<80x128xi32, #tpu.memory_space<hbm>>
      tpu.wait_dma2 semaphore(%run_scoped3A : memref<!tpu.dma_semaphore, #tpu.memory_space<semaphore_mem>>) src(%dma_wait3A_26 : memref<80x128xi32, #tpu.memory_space<hbm>>) dst(%arg6 : memref<80x128xi32, #tpu.memory_space<vmem>>)
      tpu.yield
    }) : () -> ()
    "tpu.region"() ({
      %run_scoped3A = tpu.sem_alloc : memref<!tpu.dma_semaphore, #tpu.memory_space<semaphore_mem>>
      tpu.enqueue_dma source(%arg3 : memref<128x128xf32, #tpu.memory_space<hbm>>) target(%arg7 : memref<128x128xf32, #tpu.memory_space<vmem>>) target_semaphore(%run_scoped3A : memref<!tpu.dma_semaphore, #tpu.memory_space<semaphore_mem>>)
      tpu.wait_dma2 semaphore(%run_scoped3A : memref<!tpu.dma_semaphore, #tpu.memory_space<semaphore_mem>>) src(%arg3 : memref<128x128xf32, #tpu.memory_space<hbm>>) dst(%arg7 : memref<128x128xf32, #tpu.memory_space<vmem>>)
      tpu.yield
    }) : () -> ()
    %mul3A_1 = arith.constant 632 : i32
    %mul3A_2 = arith.muli %arg1, %mul3A_1 : i32
    "tpu.region"() ({
      %run_scoped3A = tpu.sem_alloc : memref<!tpu.dma_semaphore, #tpu.memory_space<semaphore_mem>>
      %dma_start3A = arith.constant 0 : i32
      %dma_start3A_13 = tpu.memref_slice %arg8[%mul3A_2, %dma_start3A] : memref<10112x128xf32, #tpu.memory_space<vmem_shared>> -> memref<632x128xf32, #tpu.memory_space<vmem_shared>>
      tpu.enqueue_dma source(%arg4 : memref<632x128xf32, #tpu.memory_space<hbm>>) target(%dma_start3A_13 : memref<632x128xf32, #tpu.memory_space<vmem_shared>>) target_semaphore(%run_scoped3A : memref<!tpu.dma_semaphore, #tpu.memory_space<semaphore_mem>>)
      %dma_wait3A = arith.constant 0 : i32
      %dma_wait3A_14 = tpu.memref_slice %arg8[%mul3A_2, %dma_wait3A] : memref<10112x128xf32, #tpu.memory_space<vmem_shared>> -> memref<632x128xf32, #tpu.memory_space<vmem_shared>>
      tpu.wait_dma2 semaphore(%run_scoped3A : memref<!tpu.dma_semaphore, #tpu.memory_space<semaphore_mem>>) src(%arg4 : memref<632x128xf32, #tpu.memory_space<hbm>>) dst(%dma_wait3A_14 : memref<632x128xf32, #tpu.memory_space<vmem_shared>>)
      tpu.yield
    }) : () -> ()
    %barrier3A = arith.constant 0 : index
    tpu.barrier barrier_id(%barrier3A)
    %scan3A = arith.constant 0 : i32
    %scan3A_3 = arith.constant 0 : i32
    %scan3A_4 = arith.constant 80 : i32
    %scan3A_5 = arith.addi %scan3A_3, %scan3A_4 : i32
    %scan3A_6 = arith.constant 1 : i32
    scf.for %scan3A_13 = %scan3A_3 to %scan3A_5 step %scan3A_6  : i32 {
      "tpu.region"() ({
        %run_scoped3A = tpu.sem_alloc : memref<!tpu.dma_semaphore, #tpu.memory_space<semaphore_mem>>
        %dma_start3A = arith.constant 0 : i32
        %dma_start3A_14 = tpu.memref_slice %arg6[%scan3A_13, %dma_start3A] : memref<80x128xi32, #tpu.memory_space<vmem>> -> memref<1x128xi32, #tpu.memory_space<vmem>>
        %dma_start3A_15 = tpu.memref_squeeze %dma_start3A_14 : memref<1x128xi32, #tpu.memory_space<vmem>> -> memref<128xi32, #tpu.memory_space<vmem>>
        %dma_start3A_16 = arith.constant 0 : i32
        %dma_start3A_17 = arith.constant 0 : i32
        %dma_start3A_18 = tpu.memref_slice %arg8[%dma_start3A_16, %dma_start3A_17] : memref<10112x128xf32, #tpu.memory_space<vmem_shared>> -> memref<10112x128xf32, #tpu.memory_space<vmem_shared>>
        tpu.enqueue_indirect_dma source(%arg7 : memref<128x128xf32, #tpu.memory_space<vmem>>) target(%dma_start3A_18 : memref<10112x128xf32, #tpu.memory_space<vmem_shared>>) offsets(%dma_start3A_15 : memref<128xi32, #tpu.memory_space<vmem>>) semaphore(%run_scoped3A : memref<!tpu.dma_semaphore, #tpu.memory_space<semaphore_mem>>) {add = true}
        %dma_wait3A = arith.constant 0 : i32
        %dma_wait3A_19 = tpu.memref_slice %arg6[%scan3A_13, %dma_wait3A] : memref<80x128xi32, #tpu.memory_space<vmem>> -> memref<1x128xi32, #tpu.memory_space<vmem>>
        %dma_wait3A_20 = tpu.memref_squeeze %dma_wait3A_19 : memref<1x128xi32, #tpu.memory_space<vmem>> -> memref<128xi32, #tpu.memory_space<vmem>>
        %dma_wait3A_21 = arith.constant 0 : i32
        %dma_wait3A_22 = arith.constant 0 : i32
        %dma_wait3A_23 = tpu.memref_slice %arg8[%dma_wait3A_21, %dma_wait3A_22] : memref<10112x128xf32, #tpu.memory_space<vmem_shared>> -> memref<10112x128xf32, #tpu.memory_space<vmem_shared>>
        tpu.wait_indirect_dma semaphore(%run_scoped3A : memref<!tpu.dma_semaphore, #tpu.memory_space<semaphore_mem>>) src(%arg7 : memref<128x128xf32, #tpu.memory_space<vmem>>) dst(%dma_wait3A_23 : memref<10112x128xf32, #tpu.memory_space<vmem_shared>>)
        tpu.yield
      }) : () -> ()
    }
    %scan3A_7 = arith.constant 80 : i32
    %barrier3A_8 = arith.constant 0 : index
    tpu.barrier barrier_id(%barrier3A_8)
    %mul3A_9 = arith.constant 632 : i32
    %mul3A_10 = arith.muli %arg1, %mul3A_9 : i32
    %mul3A_11 = arith.constant 632 : i32
    %mul3A_12 = arith.muli %arg1, %mul3A_11 : i32
    "tpu.region"() ({
      %run_scoped3A = tpu.sem_alloc : memref<!tpu.dma_semaphore, #tpu.memory_space<semaphore_mem>>
      %dma_start3A = arith.constant 0 : i32
      %dma_start3A_13 = tpu.memref_slice %arg5[%arg0, %mul3A_12, %dma_start3A] : memref<2x10112x128xf32, #tpu.memory_space<hbm>> -> memref<1x632x128xf32, #tpu.memory_space<hbm>>
      %dma_start3A_14 = tpu.memref_squeeze %dma_start3A_13 : memref<1x632x128xf32, #tpu.memory_space<hbm>> -> memref<632x128xf32, #tpu.memory_space<hbm>>
      %dma_start3A_15 = arith.constant 0 : i32
      %dma_start3A_16 = tpu.memref_slice %arg8[%mul3A_10, %dma_start3A_15] : memref<10112x128xf32, #tpu.memory_space<vmem_shared>> -> memref<632x128xf32, #tpu.memory_space<vmem_shared>>
      tpu.enqueue_dma source(%dma_start3A_16 : memref<632x128xf32, #tpu.memory_space<vmem_shared>>) target(%dma_start3A_14 : memref<632x128xf32, #tpu.memory_space<hbm>>) target_semaphore(%run_scoped3A : memref<!tpu.dma_semaphore, #tpu.memory_space<semaphore_mem>>)
      %dma_wait3A = arith.constant 0 : i32
      %dma_wait3A_17 = tpu.memref_slice %arg5[%arg0, %mul3A_12, %dma_wait3A] : memref<2x10112x128xf32, #tpu.memory_space<hbm>> -> memref<1x632x128xf32, #tpu.memory_space<hbm>>
      %dma_wait3A_18 = tpu.memref_squeeze %dma_wait3A_17 : memref<1x632x128xf32, #tpu.memory_space<hbm>> -> memref<632x128xf32, #tpu.memory_space<hbm>>
      %dma_wait3A_19 = arith.constant 0 : i32
      %dma_wait3A_20 = tpu.memref_slice %arg8[%mul3A_10, %dma_wait3A_19] : memref<10112x128xf32, #tpu.memory_space<vmem_shared>> -> memref<632x128xf32, #tpu.memory_space<vmem_shared>>
      tpu.wait_dma2 semaphore(%run_scoped3A : memref<!tpu.dma_semaphore, #tpu.memory_space<semaphore_mem>>) src(%dma_wait3A_20 : memref<632x128xf32, #tpu.memory_space<vmem_shared>>) dst(%dma_wait3A_18 : memref<632x128xf32, #tpu.memory_space<hbm>>)
      tpu.yield
    }) : () -> ()
    return
  }
}

#map = affine_map<(d0, d1) -> (0, 0)>
#map1 = affine_map<(d0, d1) -> (0, 0, 0, 0)>
#map2 = affine_map<(d0, d1) -> (0, 0, 0)>
module attributes {stable_mosaic.version = 14 : i64} {
  func.func @_sc_edge_agg(%arg0: i32, %arg1: i32, %arg2: memref<10112x128xf32, #tpu.memory_space<hbm>>, %arg3: memref<32x10x8x128xi32, #tpu.memory_space<hbm>>, %arg4: memref<32x10x8x128xi32, #tpu.memory_space<hbm>>, %arg5: memref<632x128xf32, #tpu.memory_space<hbm>>, %arg6: memref<2x10112x128xf32, #tpu.memory_space<hbm>>, %arg7: memref<2x8x128xi32, #tpu.memory_space<vmem>>, %arg8: memref<2x8x128xi32, #tpu.memory_space<vmem>>, %arg9: memref<128x128xf32, #tpu.memory_space<vmem>>, %arg10: memref<128x128xf32, #tpu.memory_space<vmem>>, %arg11: memref<10112x128xf32, #tpu.memory_space<vmem_shared>>, %arg12: memref<!tpu.dma_semaphore, #tpu.memory_space<semaphore_mem>>, %arg13: memref<!tpu.dma_semaphore, #tpu.memory_space<semaphore_mem>>, %arg14: memref<!tpu.dma_semaphore, #tpu.memory_space<semaphore_mem>>) attributes {dimension_semantics = [#tpu.dimension_semantics<core_parallel>, #tpu.dimension_semantics<subcore_parallel>], iteration_bounds = array<i64: 2, 16>, scalar_prefetch = 0 : i64, scratch_operands = 8 : i64, tpu.core_type = #tpu.core_type<sc_vector_subcore>, window_params = [{transform_indices = #map}, {transform_indices = #map1}, {transform_indices = #map1}, {transform_indices = #map}, {transform_indices = #map2}]} {
    %mul3A = arith.constant 16 : i32
    %mul3A_0 = arith.muli %arg0, %mul3A : i32
    %add3A = arith.addi %mul3A_0, %arg1 : i32
    %mul3A_1 = arith.constant 632 : i32
    %mul3A_2 = arith.muli %arg1, %mul3A_1 : i32
    "tpu.region"() ({
      %run_scoped3A_73 = tpu.sem_alloc : memref<!tpu.dma_semaphore, #tpu.memory_space<semaphore_mem>>
      %dma_start3A_74 = arith.constant 0 : i32
      %dma_start3A_75 = tpu.memref_slice %arg11[%mul3A_2, %dma_start3A_74] : memref<10112x128xf32, #tpu.memory_space<vmem_shared>> -> memref<632x128xf32, #tpu.memory_space<vmem_shared>>
      tpu.enqueue_dma source(%arg5 : memref<632x128xf32, #tpu.memory_space<hbm>>) target(%dma_start3A_75 : memref<632x128xf32, #tpu.memory_space<vmem_shared>>) target_semaphore(%run_scoped3A_73 : memref<!tpu.dma_semaphore, #tpu.memory_space<semaphore_mem>>)
      %dma_wait3A = arith.constant 0 : i32
      %dma_wait3A_76 = tpu.memref_slice %arg11[%mul3A_2, %dma_wait3A] : memref<10112x128xf32, #tpu.memory_space<vmem_shared>> -> memref<632x128xf32, #tpu.memory_space<vmem_shared>>
      tpu.wait_dma2 semaphore(%run_scoped3A_73 : memref<!tpu.dma_semaphore, #tpu.memory_space<semaphore_mem>>) src(%arg5 : memref<632x128xf32, #tpu.memory_space<hbm>>) dst(%dma_wait3A_76 : memref<632x128xf32, #tpu.memory_space<vmem_shared>>)
      tpu.yield
    }) : () -> ()
    %run_scoped3A = arith.constant 0 : i32
    %run_scoped3A_3 = arith.constant 0 : i32
    "tpu.region"() ({
      %run_scoped3A_73 = tpu.sem_alloc : memref<!tpu.dma_semaphore, #tpu.memory_space<semaphore_mem>>
      %dma_start3A_74 = arith.constant 0 : i32
      %dma_start3A_75 = arith.constant 0 : i32
      %dma_start3A_76 = tpu.memref_slice %arg7[%run_scoped3A_3, %dma_start3A_74, %dma_start3A_75] : memref<2x8x128xi32, #tpu.memory_space<vmem>> -> memref<1x8x128xi32, #tpu.memory_space<vmem>>
      %dma_start3A_77 = tpu.memref_squeeze %dma_start3A_76 : memref<1x8x128xi32, #tpu.memory_space<vmem>> -> memref<8x128xi32, #tpu.memory_space<vmem>>
      %dma_start3A_78 = arith.constant 0 : i32
      %dma_start3A_79 = arith.constant 0 : i32
      %dma_start3A_80 = tpu.memref_slice %arg3[%add3A, %run_scoped3A, %dma_start3A_78, %dma_start3A_79] : memref<32x10x8x128xi32, #tpu.memory_space<hbm>> -> memref<1x1x8x128xi32, #tpu.memory_space<hbm>>
      %dma_start3A_81 = tpu.memref_squeeze %dma_start3A_80 : memref<1x1x8x128xi32, #tpu.memory_space<hbm>> -> memref<8x128xi32, #tpu.memory_space<hbm>>
      %dma_start3A_82 = arith.constant 0 : i32
      %dma_start3A_83 = arith.constant 0 : i32
      %dma_start3A_84 = tpu.memref_slice %arg7[%run_scoped3A_3, %dma_start3A_82, %dma_start3A_83] : memref<2x8x128xi32, #tpu.memory_space<vmem>> -> memref<1x8x128xi32, #tpu.memory_space<vmem>>
      %dma_start3A_85 = tpu.memref_squeeze %dma_start3A_84 : memref<1x8x128xi32, #tpu.memory_space<vmem>> -> memref<8x128xi32, #tpu.memory_space<vmem>>
      %dma_start3A_86 = arith.constant 0 : i32
      %dma_start3A_87 = arith.constant 0 : i32
      %dma_start3A_88 = tpu.memref_slice %arg3[%add3A, %run_scoped3A, %dma_start3A_86, %dma_start3A_87] : memref<32x10x8x128xi32, #tpu.memory_space<hbm>> -> memref<1x1x8x128xi32, #tpu.memory_space<hbm>>
      %dma_start3A_89 = tpu.memref_squeeze %dma_start3A_88 : memref<1x1x8x128xi32, #tpu.memory_space<hbm>> -> memref<8x128xi32, #tpu.memory_space<hbm>>
      tpu.enqueue_dma source(%dma_start3A_89 : memref<8x128xi32, #tpu.memory_space<hbm>>) target(%dma_start3A_85 : memref<8x128xi32, #tpu.memory_space<vmem>>) target_semaphore(%run_scoped3A_73 : memref<!tpu.dma_semaphore, #tpu.memory_space<semaphore_mem>>)
      %dma_wait3A = arith.constant 0 : i32
      %dma_wait3A_90 = arith.constant 0 : i32
      %dma_wait3A_91 = tpu.memref_slice %arg7[%run_scoped3A_3, %dma_wait3A, %dma_wait3A_90] : memref<2x8x128xi32, #tpu.memory_space<vmem>> -> memref<1x8x128xi32, #tpu.memory_space<vmem>>
      %dma_wait3A_92 = tpu.memref_squeeze %dma_wait3A_91 : memref<1x8x128xi32, #tpu.memory_space<vmem>> -> memref<8x128xi32, #tpu.memory_space<vmem>>
      %dma_wait3A_93 = arith.constant 0 : i32
      %dma_wait3A_94 = arith.constant 0 : i32
      %dma_wait3A_95 = tpu.memref_slice %arg3[%add3A, %run_scoped3A, %dma_wait3A_93, %dma_wait3A_94] : memref<32x10x8x128xi32, #tpu.memory_space<hbm>> -> memref<1x1x8x128xi32, #tpu.memory_space<hbm>>
      %dma_wait3A_96 = tpu.memref_squeeze %dma_wait3A_95 : memref<1x1x8x128xi32, #tpu.memory_space<hbm>> -> memref<8x128xi32, #tpu.memory_space<hbm>>
      %dma_wait3A_97 = arith.constant 0 : i32
      %dma_wait3A_98 = arith.constant 0 : i32
      %dma_wait3A_99 = tpu.memref_slice %arg7[%run_scoped3A_3, %dma_wait3A_97, %dma_wait3A_98] : memref<2x8x128xi32, #tpu.memory_space<vmem>> -> memref<1x8x128xi32, #tpu.memory_space<vmem>>
      %dma_wait3A_100 = tpu.memref_squeeze %dma_wait3A_99 : memref<1x8x128xi32, #tpu.memory_space<vmem>> -> memref<8x128xi32, #tpu.memory_space<vmem>>
      %dma_wait3A_101 = arith.constant 0 : i32
      %dma_wait3A_102 = arith.constant 0 : i32
      %dma_wait3A_103 = tpu.memref_slice %arg3[%add3A, %run_scoped3A, %dma_wait3A_101, %dma_wait3A_102] : memref<32x10x8x128xi32, #tpu.memory_space<hbm>> -> memref<1x1x8x128xi32, #tpu.memory_space<hbm>>
      %dma_wait3A_104 = tpu.memref_squeeze %dma_wait3A_103 : memref<1x1x8x128xi32, #tpu.memory_space<hbm>> -> memref<8x128xi32, #tpu.memory_space<hbm>>
      tpu.wait_dma2 semaphore(%run_scoped3A_73 : memref<!tpu.dma_semaphore, #tpu.memory_space<semaphore_mem>>) src(%dma_wait3A_104 : memref<8x128xi32, #tpu.memory_space<hbm>>) dst(%dma_wait3A_100 : memref<8x128xi32, #tpu.memory_space<vmem>>)
      tpu.yield
    }) : () -> ()
    %run_scoped3A_4 = arith.constant 0 : i32
    %run_scoped3A_5 = arith.constant 0 : i32
    "tpu.region"() ({
      %run_scoped3A_73 = tpu.sem_alloc : memref<!tpu.dma_semaphore, #tpu.memory_space<semaphore_mem>>
      %dma_start3A_74 = arith.constant 0 : i32
      %dma_start3A_75 = arith.constant 0 : i32
      %dma_start3A_76 = tpu.memref_slice %arg8[%run_scoped3A_5, %dma_start3A_74, %dma_start3A_75] : memref<2x8x128xi32, #tpu.memory_space<vmem>> -> memref<1x8x128xi32, #tpu.memory_space<vmem>>
      %dma_start3A_77 = tpu.memref_squeeze %dma_start3A_76 : memref<1x8x128xi32, #tpu.memory_space<vmem>> -> memref<8x128xi32, #tpu.memory_space<vmem>>
      %dma_start3A_78 = arith.constant 0 : i32
      %dma_start3A_79 = arith.constant 0 : i32
      %dma_start3A_80 = tpu.memref_slice %arg4[%add3A, %run_scoped3A_4, %dma_start3A_78, %dma_start3A_79] : memref<32x10x8x128xi32, #tpu.memory_space<hbm>> -> memref<1x1x8x128xi32, #tpu.memory_space<hbm>>
      %dma_start3A_81 = tpu.memref_squeeze %dma_start3A_80 : memref<1x1x8x128xi32, #tpu.memory_space<hbm>> -> memref<8x128xi32, #tpu.memory_space<hbm>>
      %dma_start3A_82 = arith.constant 0 : i32
      %dma_start3A_83 = arith.constant 0 : i32
      %dma_start3A_84 = tpu.memref_slice %arg8[%run_scoped3A_5, %dma_start3A_82, %dma_start3A_83] : memref<2x8x128xi32, #tpu.memory_space<vmem>> -> memref<1x8x128xi32, #tpu.memory_space<vmem>>
      %dma_start3A_85 = tpu.memref_squeeze %dma_start3A_84 : memref<1x8x128xi32, #tpu.memory_space<vmem>> -> memref<8x128xi32, #tpu.memory_space<vmem>>
      %dma_start3A_86 = arith.constant 0 : i32
      %dma_start3A_87 = arith.constant 0 : i32
      %dma_start3A_88 = tpu.memref_slice %arg4[%add3A, %run_scoped3A_4, %dma_start3A_86, %dma_start3A_87] : memref<32x10x8x128xi32, #tpu.memory_space<hbm>> -> memref<1x1x8x128xi32, #tpu.memory_space<hbm>>
      %dma_start3A_89 = tpu.memref_squeeze %dma_start3A_88 : memref<1x1x8x128xi32, #tpu.memory_space<hbm>> -> memref<8x128xi32, #tpu.memory_space<hbm>>
      tpu.enqueue_dma source(%dma_start3A_89 : memref<8x128xi32, #tpu.memory_space<hbm>>) target(%dma_start3A_85 : memref<8x128xi32, #tpu.memory_space<vmem>>) target_semaphore(%run_scoped3A_73 : memref<!tpu.dma_semaphore, #tpu.memory_space<semaphore_mem>>)
      %dma_wait3A = arith.constant 0 : i32
      %dma_wait3A_90 = arith.constant 0 : i32
      %dma_wait3A_91 = tpu.memref_slice %arg8[%run_scoped3A_5, %dma_wait3A, %dma_wait3A_90] : memref<2x8x128xi32, #tpu.memory_space<vmem>> -> memref<1x8x128xi32, #tpu.memory_space<vmem>>
      %dma_wait3A_92 = tpu.memref_squeeze %dma_wait3A_91 : memref<1x8x128xi32, #tpu.memory_space<vmem>> -> memref<8x128xi32, #tpu.memory_space<vmem>>
      %dma_wait3A_93 = arith.constant 0 : i32
      %dma_wait3A_94 = arith.constant 0 : i32
      %dma_wait3A_95 = tpu.memref_slice %arg4[%add3A, %run_scoped3A_4, %dma_wait3A_93, %dma_wait3A_94] : memref<32x10x8x128xi32, #tpu.memory_space<hbm>> -> memref<1x1x8x128xi32, #tpu.memory_space<hbm>>
      %dma_wait3A_96 = tpu.memref_squeeze %dma_wait3A_95 : memref<1x1x8x128xi32, #tpu.memory_space<hbm>> -> memref<8x128xi32, #tpu.memory_space<hbm>>
      %dma_wait3A_97 = arith.constant 0 : i32
      %dma_wait3A_98 = arith.constant 0 : i32
      %dma_wait3A_99 = tpu.memref_slice %arg8[%run_scoped3A_5, %dma_wait3A_97, %dma_wait3A_98] : memref<2x8x128xi32, #tpu.memory_space<vmem>> -> memref<1x8x128xi32, #tpu.memory_space<vmem>>
      %dma_wait3A_100 = tpu.memref_squeeze %dma_wait3A_99 : memref<1x8x128xi32, #tpu.memory_space<vmem>> -> memref<8x128xi32, #tpu.memory_space<vmem>>
      %dma_wait3A_101 = arith.constant 0 : i32
      %dma_wait3A_102 = arith.constant 0 : i32
      %dma_wait3A_103 = tpu.memref_slice %arg4[%add3A, %run_scoped3A_4, %dma_wait3A_101, %dma_wait3A_102] : memref<32x10x8x128xi32, #tpu.memory_space<hbm>> -> memref<1x1x8x128xi32, #tpu.memory_space<hbm>>
      %dma_wait3A_104 = tpu.memref_squeeze %dma_wait3A_103 : memref<1x1x8x128xi32, #tpu.memory_space<hbm>> -> memref<8x128xi32, #tpu.memory_space<hbm>>
      tpu.wait_dma2 semaphore(%run_scoped3A_73 : memref<!tpu.dma_semaphore, #tpu.memory_space<semaphore_mem>>) src(%dma_wait3A_104 : memref<8x128xi32, #tpu.memory_space<hbm>>) dst(%dma_wait3A_100 : memref<8x128xi32, #tpu.memory_space<vmem>>)
      tpu.yield
    }) : () -> ()
    %dma_start3A = arith.constant 1 : i32
    %dma_start3A_6 = arith.constant 1 : i32
    %dma_start3A_7 = arith.constant 0 : i32
    %dma_start3A_8 = arith.constant 0 : i32
    %dma_start3A_9 = tpu.memref_slice %arg7[%dma_start3A_6, %dma_start3A_7, %dma_start3A_8] : memref<2x8x128xi32, #tpu.memory_space<vmem>> -> memref<1x8x128xi32, #tpu.memory_space<vmem>>
    %dma_start3A_10 = tpu.memref_squeeze %dma_start3A_9 : memref<1x8x128xi32, #tpu.memory_space<vmem>> -> memref<8x128xi32, #tpu.memory_space<vmem>>
    %dma_start3A_11 = arith.constant 0 : i32
    %dma_start3A_12 = arith.constant 0 : i32
    %dma_start3A_13 = tpu.memref_slice %arg3[%add3A, %dma_start3A, %dma_start3A_11, %dma_start3A_12] : memref<32x10x8x128xi32, #tpu.memory_space<hbm>> -> memref<1x1x8x128xi32, #tpu.memory_space<hbm>>
    %dma_start3A_14 = tpu.memref_squeeze %dma_start3A_13 : memref<1x1x8x128xi32, #tpu.memory_space<hbm>> -> memref<8x128xi32, #tpu.memory_space<hbm>>
    %dma_start3A_15 = arith.constant 0 : i32
    %dma_start3A_16 = arith.constant 0 : i32
    %dma_start3A_17 = tpu.memref_slice %arg7[%dma_start3A_6, %dma_start3A_15, %dma_start3A_16] : memref<2x8x128xi32, #tpu.memory_space<vmem>> -> memref<1x8x128xi32, #tpu.memory_space<vmem>>
    %dma_start3A_18 = tpu.memref_squeeze %dma_start3A_17 : memref<1x8x128xi32, #tpu.memory_space<vmem>> -> memref<8x128xi32, #tpu.memory_space<vmem>>
    %dma_start3A_19 = arith.constant 0 : i32
    %dma_start3A_20 = arith.constant 0 : i32
    %dma_start3A_21 = tpu.memref_slice %arg3[%add3A, %dma_start3A, %dma_start3A_19, %dma_start3A_20] : memref<32x10x8x128xi32, #tpu.memory_space<hbm>> -> memref<1x1x8x128xi32, #tpu.memory_space<hbm>>
    %dma_start3A_22 = tpu.memref_squeeze %dma_start3A_21 : memref<1x1x8x128xi32, #tpu.memory_space<hbm>> -> memref<8x128xi32, #tpu.memory_space<hbm>>
    tpu.enqueue_dma source(%dma_start3A_22 : memref<8x128xi32, #tpu.memory_space<hbm>>) target(%dma_start3A_18 : memref<8x128xi32, #tpu.memory_space<vmem>>) target_semaphore(%arg14 : memref<!tpu.dma_semaphore, #tpu.memory_space<semaphore_mem>>)
    %dma_start3A_23 = arith.constant 1 : i32
    %dma_start3A_24 = arith.constant 1 : i32
    %dma_start3A_25 = arith.constant 0 : i32
    %dma_start3A_26 = arith.constant 0 : i32
    %dma_start3A_27 = tpu.memref_slice %arg8[%dma_start3A_24, %dma_start3A_25, %dma_start3A_26] : memref<2x8x128xi32, #tpu.memory_space<vmem>> -> memref<1x8x128xi32, #tpu.memory_space<vmem>>
    %dma_start3A_28 = tpu.memref_squeeze %dma_start3A_27 : memref<1x8x128xi32, #tpu.memory_space<vmem>> -> memref<8x128xi32, #tpu.memory_space<vmem>>
    %dma_start3A_29 = arith.constant 0 : i32
    %dma_start3A_30 = arith.constant 0 : i32
    %dma_start3A_31 = tpu.memref_slice %arg4[%add3A, %dma_start3A_23, %dma_start3A_29, %dma_start3A_30] : memref<32x10x8x128xi32, #tpu.memory_space<hbm>> -> memref<1x1x8x128xi32, #tpu.memory_space<hbm>>
    %dma_start3A_32 = tpu.memref_squeeze %dma_start3A_31 : memref<1x1x8x128xi32, #tpu.memory_space<hbm>> -> memref<8x128xi32, #tpu.memory_space<hbm>>
    %dma_start3A_33 = arith.constant 0 : i32
    %dma_start3A_34 = arith.constant 0 : i32
    %dma_start3A_35 = tpu.memref_slice %arg8[%dma_start3A_24, %dma_start3A_33, %dma_start3A_34] : memref<2x8x128xi32, #tpu.memory_space<vmem>> -> memref<1x8x128xi32, #tpu.memory_space<vmem>>
    %dma_start3A_36 = tpu.memref_squeeze %dma_start3A_35 : memref<1x8x128xi32, #tpu.memory_space<vmem>> -> memref<8x128xi32, #tpu.memory_space<vmem>>
    %dma_start3A_37 = arith.constant 0 : i32
    %dma_start3A_38 = arith.constant 0 : i32
    %dma_start3A_39 = tpu.memref_slice %arg4[%add3A, %dma_start3A_23, %dma_start3A_37, %dma_start3A_38] : memref<32x10x8x128xi32, #tpu.memory_space<hbm>> -> memref<1x1x8x128xi32, #tpu.memory_space<hbm>>
    %dma_start3A_40 = tpu.memref_squeeze %dma_start3A_39 : memref<1x1x8x128xi32, #tpu.memory_space<hbm>> -> memref<8x128xi32, #tpu.memory_space<hbm>>
    tpu.enqueue_dma source(%dma_start3A_40 : memref<8x128xi32, #tpu.memory_space<hbm>>) target(%dma_start3A_36 : memref<8x128xi32, #tpu.memory_space<vmem>>) target_semaphore(%arg14 : memref<!tpu.dma_semaphore, #tpu.memory_space<semaphore_mem>>)
    %barrier3A = arith.constant 0 : index
    tpu.barrier barrier_id(%barrier3A)
    %dma_start3A_41 = arith.constant 0 : i32
    %dma_start3A_42 = arith.constant 0 : i32
    %dma_start3A_43 = arith.constant 0 : i32
    %dma_start3A_44 = arith.constant 0 : i32
    %dma_start3A_45 = tpu.memref_slice %arg9[%dma_start3A_43, %dma_start3A_44] : memref<128x128xf32, #tpu.memory_space<vmem>> -> memref<128x128xf32, #tpu.memory_space<vmem>>
    %dma_start3A_46 = arith.constant 0 : i32
    %dma_start3A_47 = tpu.memref_slice %arg7[%dma_start3A_41, %dma_start3A_42, %dma_start3A_46] : memref<2x8x128xi32, #tpu.memory_space<vmem>> -> memref<1x1x128xi32, #tpu.memory_space<vmem>>
    %dma_start3A_48 = tpu.memref_squeeze %dma_start3A_47 : memref<1x1x128xi32, #tpu.memory_space<vmem>> -> memref<128xi32, #tpu.memory_space<vmem>>
    %dma_start3A_49 = arith.constant 0 : i32
    %dma_start3A_50 = arith.constant 0 : i32
    %dma_start3A_51 = tpu.memref_slice %arg2[%dma_start3A_49, %dma_start3A_50] : memref<10112x128xf32, #tpu.memory_space<hbm>> -> memref<10112x128xf32, #tpu.memory_space<hbm>>
    tpu.enqueue_indirect_dma source(%dma_start3A_51 : memref<10112x128xf32, #tpu.memory_space<hbm>>) target(%dma_start3A_45 : memref<128x128xf32, #tpu.memory_space<vmem>>) offsets(%dma_start3A_48 : memref<128xi32, #tpu.memory_space<vmem>>) semaphore(%arg12 : memref<!tpu.dma_semaphore, #tpu.memory_space<semaphore_mem>>)
    %dma_start3A_52 = arith.constant 0 : i32
    %dma_start3A_53 = arith.constant 1 : i32
    %dma_start3A_54 = arith.constant 0 : i32
    %dma_start3A_55 = arith.constant 0 : i32
    %dma_start3A_56 = tpu.memref_slice %arg10[%dma_start3A_54, %dma_start3A_55] : memref<128x128xf32, #tpu.memory_space<vmem>> -> memref<128x128xf32, #tpu.memory_space<vmem>>
    %dma_start3A_57 = arith.constant 0 : i32
    %dma_start3A_58 = tpu.memref_slice %arg7[%dma_start3A_52, %dma_start3A_53, %dma_start3A_57] : memref<2x8x128xi32, #tpu.memory_space<vmem>> -> memref<1x1x128xi32, #tpu.memory_space<vmem>>
    %dma_start3A_59 = tpu.memref_squeeze %dma_start3A_58 : memref<1x1x128xi32, #tpu.memory_space<vmem>> -> memref<128xi32, #tpu.memory_space<vmem>>
    %dma_start3A_60 = arith.constant 0 : i32
    %dma_start3A_61 = arith.constant 0 : i32
    %dma_start3A_62 = tpu.memref_slice %arg2[%dma_start3A_60, %dma_start3A_61] : memref<10112x128xf32, #tpu.memory_space<hbm>> -> memref<10112x128xf32, #tpu.memory_space<hbm>>
    tpu.enqueue_indirect_dma source(%dma_start3A_62 : memref<10112x128xf32, #tpu.memory_space<hbm>>) target(%dma_start3A_56 : memref<128x128xf32, #tpu.memory_space<vmem>>) offsets(%dma_start3A_59 : memref<128xi32, #tpu.memory_space<vmem>>) semaphore(%arg13 : memref<!tpu.dma_semaphore, #tpu.memory_space<semaphore_mem>>)
    %scan3A = arith.constant 0 : i32
    %scan3A_63 = arith.constant 0 : i32
    %scan3A_64 = arith.constant 10 : i32
    %scan3A_65 = arith.addi %scan3A_63, %scan3A_64 : i32
    %scan3A_66 = arith.constant 1 : i32
    scf.for %scan3A_73 = %scan3A_63 to %scan3A_65 step %scan3A_66  : i32 {
      %jit3A = arith.constant 2 : i32
      %eq3A = arith.constant 0 : i32
      %eq3A_74 = arith.cmpi eq, %jit3A, %eq3A : i32
      %jit3A_75 = arith.constant 1 : i32
      %select_n3A = arith.select %eq3A_74, %jit3A_75, %jit3A : i32
      %rem3A = arith.remsi %scan3A_73, %select_n3A : i32
      %ne3A = arith.constant 0 : i32
      %ne3A_76 = arith.cmpi ne, %rem3A, %ne3A : i32
      %lt3A = arith.constant 0 : i32
      %lt3A_77 = arith.cmpi slt, %rem3A, %lt3A : i32
      %lt3A_78 = arith.constant 0 : i32
      %lt3A_79 = arith.cmpi slt, %select_n3A, %lt3A_78 : i32
      %ne3A_80 = arith.xori %lt3A_77, %lt3A_79 : i1
      %and3A = arith.andi %ne3A_80, %ne3A_76 : i1
      %add3A_81 = arith.addi %rem3A, %select_n3A : i32
      %select_n3A_82 = arith.select %and3A, %add3A_81, %rem3A : i32
      %sub3A = arith.constant 1 : i32
      %sub3A_83 = arith.subi %sub3A, %select_n3A_82 : i32
      %dma_wait3A = arith.constant 0 : i32
      %dma_wait3A_84 = arith.constant 0 : i32
      %dma_wait3A_85 = tpu.memref_slice %arg5[%dma_wait3A, %dma_wait3A_84] : memref<632x128xf32, #tpu.memory_space<hbm>> -> memref<128x128xf32, #tpu.memory_space<hbm>>
      %dma_wait3A_86 = arith.constant 0 : i32
      %dma_wait3A_87 = arith.constant 0 : i32
      %dma_wait3A_88 = tpu.memref_slice %arg5[%dma_wait3A_86, %dma_wait3A_87] : memref<632x128xf32, #tpu.memory_space<hbm>> -> memref<128x128xf32, #tpu.memory_space<hbm>>
      tpu.wait_dma2 semaphore(%arg12 : memref<!tpu.dma_semaphore, #tpu.memory_space<semaphore_mem>>) src(%dma_wait3A_88 : memref<128x128xf32, #tpu.memory_space<hbm>>) dst(%arg9 : memref<128x128xf32, #tpu.memory_space<vmem>>)
      %run_scoped3A_89 = arith.constant 0 : i32
      "tpu.region"() ({
        %run_scoped3A_225 = tpu.sem_alloc : memref<!tpu.dma_semaphore, #tpu.memory_space<semaphore_mem>>
        %dma_start3A_226 = arith.constant 0 : i32
        %dma_start3A_227 = tpu.memref_slice %arg8[%select_n3A_82, %run_scoped3A_89, %dma_start3A_226] : memref<2x8x128xi32, #tpu.memory_space<vmem>> -> memref<1x1x128xi32, #tpu.memory_space<vmem>>
        %dma_start3A_228 = tpu.memref_squeeze %dma_start3A_227 : memref<1x1x128xi32, #tpu.memory_space<vmem>> -> memref<128xi32, #tpu.memory_space<vmem>>
        %dma_start3A_229 = arith.constant 0 : i32
        %dma_start3A_230 = arith.constant 0 : i32
        %dma_start3A_231 = tpu.memref_slice %arg11[%dma_start3A_229, %dma_start3A_230] : memref<10112x128xf32, #tpu.memory_space<vmem_shared>> -> memref<10112x128xf32, #tpu.memory_space<vmem_shared>>
        tpu.enqueue_indirect_dma source(%arg9 : memref<128x128xf32, #tpu.memory_space<vmem>>) target(%dma_start3A_231 : memref<10112x128xf32, #tpu.memory_space<vmem_shared>>) offsets(%dma_start3A_228 : memref<128xi32, #tpu.memory_space<vmem>>) semaphore(%run_scoped3A_225 : memref<!tpu.dma_semaphore, #tpu.memory_space<semaphore_mem>>) {add = true}
        %dma_wait3A_232 = arith.constant 0 : i32
        %dma_wait3A_233 = tpu.memref_slice %arg8[%select_n3A_82, %run_scoped3A_89, %dma_wait3A_232] : memref<2x8x128xi32, #tpu.memory_space<vmem>> -> memref<1x1x128xi32, #tpu.memory_space<vmem>>
        %dma_wait3A_234 = tpu.memref_squeeze %dma_wait3A_233 : memref<1x1x128xi32, #tpu.memory_space<vmem>> -> memref<128xi32, #tpu.memory_space<vmem>>
        %dma_wait3A_235 = arith.constant 0 : i32
        %dma_wait3A_236 = arith.constant 0 : i32
        %dma_wait3A_237 = tpu.memref_slice %arg11[%dma_wait3A_235, %dma_wait3A_236] : memref<10112x128xf32, #tpu.memory_space<vmem_shared>> -> memref<10112x128xf32, #tpu.memory_space<vmem_shared>>
        tpu.wait_indirect_dma semaphore(%run_scoped3A_225 : memref<!tpu.dma_semaphore, #tpu.memory_space<semaphore_mem>>) src(%arg9 : memref<128x128xf32, #tpu.memory_space<vmem>>) dst(%dma_wait3A_237 : memref<10112x128xf32, #tpu.memory_space<vmem_shared>>)
        tpu.yield
      }) : () -> ()
      %dma_start3A_90 = arith.constant 2 : i32
      %dma_start3A_91 = arith.constant 0 : i32
      %dma_start3A_92 = arith.constant 0 : i32
      %dma_start3A_93 = tpu.memref_slice %arg9[%dma_start3A_91, %dma_start3A_92] : memref<128x128xf32, #tpu.memory_space<vmem>> -> memref<128x128xf32, #tpu.memory_space<vmem>>
      %dma_start3A_94 = arith.constant 0 : i32
      %dma_start3A_95 = tpu.memref_slice %arg7[%select_n3A_82, %dma_start3A_90, %dma_start3A_94] : memref<2x8x128xi32, #tpu.memory_space<vmem>> -> memref<1x1x128xi32, #tpu.memory_space<vmem>>
      %dma_start3A_96 = tpu.memref_squeeze %dma_start3A_95 : memref<1x1x128xi32, #tpu.memory_space<vmem>> -> memref<128xi32, #tpu.memory_space<vmem>>
      %dma_start3A_97 = arith.constant 0 : i32
      %dma_start3A_98 = arith.constant 0 : i32
      %dma_start3A_99 = tpu.memref_slice %arg2[%dma_start3A_97, %dma_start3A_98] : memref<10112x128xf32, #tpu.memory_space<hbm>> -> memref<10112x128xf32, #tpu.memory_space<hbm>>
      tpu.enqueue_indirect_dma source(%dma_start3A_99 : memref<10112x128xf32, #tpu.memory_space<hbm>>) target(%dma_start3A_93 : memref<128x128xf32, #tpu.memory_space<vmem>>) offsets(%dma_start3A_96 : memref<128xi32, #tpu.memory_space<vmem>>) semaphore(%arg12 : memref<!tpu.dma_semaphore, #tpu.memory_space<semaphore_mem>>)
      %dma_wait3A_100 = arith.constant 0 : i32
      %dma_wait3A_101 = arith.constant 0 : i32
      %dma_wait3A_102 = tpu.memref_slice %arg5[%dma_wait3A_100, %dma_wait3A_101] : memref<632x128xf32, #tpu.memory_space<hbm>> -> memref<128x128xf32, #tpu.memory_space<hbm>>
      %dma_wait3A_103 = arith.constant 0 : i32
      %dma_wait3A_104 = arith.constant 0 : i32
      %dma_wait3A_105 = tpu.memref_slice %arg5[%dma_wait3A_103, %dma_wait3A_104] : memref<632x128xf32, #tpu.memory_space<hbm>> -> memref<128x128xf32, #tpu.memory_space<hbm>>
      tpu.wait_dma2 semaphore(%arg13 : memref<!tpu.dma_semaphore, #tpu.memory_space<semaphore_mem>>) src(%dma_wait3A_105 : memref<128x128xf32, #tpu.memory_space<hbm>>) dst(%arg10 : memref<128x128xf32, #tpu.memory_space<vmem>>)
      %run_scoped3A_106 = arith.constant 1 : i32
      "tpu.region"() ({
        %run_scoped3A_225 = tpu.sem_alloc : memref<!tpu.dma_semaphore, #tpu.memory_space<semaphore_mem>>
        %dma_start3A_226 = arith.constant 0 : i32
        %dma_start3A_227 = tpu.memref_slice %arg8[%select_n3A_82, %run_scoped3A_106, %dma_start3A_226] : memref<2x8x128xi32, #tpu.memory_space<vmem>> -> memref<1x1x128xi32, #tpu.memory_space<vmem>>
        %dma_start3A_228 = tpu.memref_squeeze %dma_start3A_227 : memref<1x1x128xi32, #tpu.memory_space<vmem>> -> memref<128xi32, #tpu.memory_space<vmem>>
        %dma_start3A_229 = arith.constant 0 : i32
        %dma_start3A_230 = arith.constant 0 : i32
        %dma_start3A_231 = tpu.memref_slice %arg11[%dma_start3A_229, %dma_start3A_230] : memref<10112x128xf32, #tpu.memory_space<vmem_shared>> -> memref<10112x128xf32, #tpu.memory_space<vmem_shared>>
        tpu.enqueue_indirect_dma source(%arg10 : memref<128x128xf32, #tpu.memory_space<vmem>>) target(%dma_start3A_231 : memref<10112x128xf32, #tpu.memory_space<vmem_shared>>) offsets(%dma_start3A_228 : memref<128xi32, #tpu.memory_space<vmem>>) semaphore(%run_scoped3A_225 : memref<!tpu.dma_semaphore, #tpu.memory_space<semaphore_mem>>) {add = true}
        %dma_wait3A_232 = arith.constant 0 : i32
        %dma_wait3A_233 = tpu.memref_slice %arg8[%select_n3A_82, %run_scoped3A_106, %dma_wait3A_232] : memref<2x8x128xi32, #tpu.memory_space<vmem>> -> memref<1x1x128xi32, #tpu.memory_space<vmem>>
        %dma_wait3A_234 = tpu.memref_squeeze %dma_wait3A_233 : memref<1x1x128xi32, #tpu.memory_space<vmem>> -> memref<128xi32, #tpu.memory_space<vmem>>
        %dma_wait3A_235 = arith.constant 0 : i32
        %dma_wait3A_236 = arith.constant 0 : i32
        %dma_wait3A_237 = tpu.memref_slice %arg11[%dma_wait3A_235, %dma_wait3A_236] : memref<10112x128xf32, #tpu.memory_space<vmem_shared>> -> memref<10112x128xf32, #tpu.memory_space<vmem_shared>>
        tpu.wait_indirect_dma semaphore(%run_scoped3A_225 : memref<!tpu.dma_semaphore, #tpu.memory_space<semaphore_mem>>) src(%arg10 : memref<128x128xf32, #tpu.memory_space<vmem>>) dst(%dma_wait3A_237 : memref<10112x128xf32, #tpu.memory_space<vmem_shared>>)
        tpu.yield
      }) : () -> ()
      %dma_start3A_107 = arith.constant 3 : i32
      %dma_start3A_108 = arith.constant 0 : i32
      %dma_start3A_109 = arith.constant 0 : i32
      %dma_start3A_110 = tpu.memref_slice %arg10[%dma_start3A_108, %dma_start3A_109] : memref<128x128xf32, #tpu.memory_space<vmem>> -> memref<128x128xf32, #tpu.memory_space<vmem>>
      %dma_start3A_111 = arith.constant 0 : i32
      %dma_start3A_112 = tpu.memref_slice %arg7[%select_n3A_82, %dma_start3A_107, %dma_start3A_111] : memref<2x8x128xi32, #tpu.memory_space<vmem>> -> memref<1x1x128xi32, #tpu.memory_space<vmem>>
      %dma_start3A_113 = tpu.memref_squeeze %dma_start3A_112 : memref<1x1x128xi32, #tpu.memory_space<vmem>> -> memref<128xi32, #tpu.memory_space<vmem>>
      %dma_start3A_114 = arith.constant 0 : i32
      %dma_start3A_115 = arith.constant 0 : i32
      %dma_start3A_116 = tpu.memref_slice %arg2[%dma_start3A_114, %dma_start3A_115] : memref<10112x128xf32, #tpu.memory_space<hbm>> -> memref<10112x128xf32, #tpu.memory_space<hbm>>
      tpu.enqueue_indirect_dma source(%dma_start3A_116 : memref<10112x128xf32, #tpu.memory_space<hbm>>) target(%dma_start3A_110 : memref<128x128xf32, #tpu.memory_space<vmem>>) offsets(%dma_start3A_113 : memref<128xi32, #tpu.memory_space<vmem>>) semaphore(%arg13 : memref<!tpu.dma_semaphore, #tpu.memory_space<semaphore_mem>>)
      %dma_wait3A_117 = arith.constant 0 : i32
      %dma_wait3A_118 = arith.constant 0 : i32
      %dma_wait3A_119 = tpu.memref_slice %arg5[%dma_wait3A_117, %dma_wait3A_118] : memref<632x128xf32, #tpu.memory_space<hbm>> -> memref<128x128xf32, #tpu.memory_space<hbm>>
      %dma_wait3A_120 = arith.constant 0 : i32
      %dma_wait3A_121 = arith.constant 0 : i32
      %dma_wait3A_122 = tpu.memref_slice %arg5[%dma_wait3A_120, %dma_wait3A_121] : memref<632x128xf32, #tpu.memory_space<hbm>> -> memref<128x128xf32, #tpu.memory_space<hbm>>
      tpu.wait_dma2 semaphore(%arg12 : memref<!tpu.dma_semaphore, #tpu.memory_space<semaphore_mem>>) src(%dma_wait3A_122 : memref<128x128xf32, #tpu.memory_space<hbm>>) dst(%arg9 : memref<128x128xf32, #tpu.memory_space<vmem>>)
      %run_scoped3A_123 = arith.constant 2 : i32
      "tpu.region"() ({
        %run_scoped3A_225 = tpu.sem_alloc : memref<!tpu.dma_semaphore, #tpu.memory_space<semaphore_mem>>
        %dma_start3A_226 = arith.constant 0 : i32
        %dma_start3A_227 = tpu.memref_slice %arg8[%select_n3A_82, %run_scoped3A_123, %dma_start3A_226] : memref<2x8x128xi32, #tpu.memory_space<vmem>> -> memref<1x1x128xi32, #tpu.memory_space<vmem>>
        %dma_start3A_228 = tpu.memref_squeeze %dma_start3A_227 : memref<1x1x128xi32, #tpu.memory_space<vmem>> -> memref<128xi32, #tpu.memory_space<vmem>>
        %dma_start3A_229 = arith.constant 0 : i32
        %dma_start3A_230 = arith.constant 0 : i32
        %dma_start3A_231 = tpu.memref_slice %arg11[%dma_start3A_229, %dma_start3A_230] : memref<10112x128xf32, #tpu.memory_space<vmem_shared>> -> memref<10112x128xf32, #tpu.memory_space<vmem_shared>>
        tpu.enqueue_indirect_dma source(%arg9 : memref<128x128xf32, #tpu.memory_space<vmem>>) target(%dma_start3A_231 : memref<10112x128xf32, #tpu.memory_space<vmem_shared>>) offsets(%dma_start3A_228 : memref<128xi32, #tpu.memory_space<vmem>>) semaphore(%run_scoped3A_225 : memref<!tpu.dma_semaphore, #tpu.memory_space<semaphore_mem>>) {add = true}
        %dma_wait3A_232 = arith.constant 0 : i32
        %dma_wait3A_233 = tpu.memref_slice %arg8[%select_n3A_82, %run_scoped3A_123, %dma_wait3A_232] : memref<2x8x128xi32, #tpu.memory_space<vmem>> -> memref<1x1x128xi32, #tpu.memory_space<vmem>>
        %dma_wait3A_234 = tpu.memref_squeeze %dma_wait3A_233 : memref<1x1x128xi32, #tpu.memory_space<vmem>> -> memref<128xi32, #tpu.memory_space<vmem>>
        %dma_wait3A_235 = arith.constant 0 : i32
        %dma_wait3A_236 = arith.constant 0 : i32
        %dma_wait3A_237 = tpu.memref_slice %arg11[%dma_wait3A_235, %dma_wait3A_236] : memref<10112x128xf32, #tpu.memory_space<vmem_shared>> -> memref<10112x128xf32, #tpu.memory_space<vmem_shared>>
        tpu.wait_indirect_dma semaphore(%run_scoped3A_225 : memref<!tpu.dma_semaphore, #tpu.memory_space<semaphore_mem>>) src(%arg9 : memref<128x128xf32, #tpu.memory_space<vmem>>) dst(%dma_wait3A_237 : memref<10112x128xf32, #tpu.memory_space<vmem_shared>>)
        tpu.yield
      }) : () -> ()
      %dma_start3A_124 = arith.constant 4 : i32
      %dma_start3A_125 = arith.constant 0 : i32
      %dma_start3A_126 = arith.constant 0 : i32
      %dma_start3A_127 = tpu.memref_slice %arg9[%dma_start3A_125, %dma_start3A_126] : memref<128x128xf32, #tpu.memory_space<vmem>> -> memref<128x128xf32, #tpu.memory_space<vmem>>
      %dma_start3A_128 = arith.constant 0 : i32
      %dma_start3A_129 = tpu.memref_slice %arg7[%select_n3A_82, %dma_start3A_124, %dma_start3A_128] : memref<2x8x128xi32, #tpu.memory_space<vmem>> -> memref<1x1x128xi32, #tpu.memory_space<vmem>>
      %dma_start3A_130 = tpu.memref_squeeze %dma_start3A_129 : memref<1x1x128xi32, #tpu.memory_space<vmem>> -> memref<128xi32, #tpu.memory_space<vmem>>
      %dma_start3A_131 = arith.constant 0 : i32
      %dma_start3A_132 = arith.constant 0 : i32
      %dma_start3A_133 = tpu.memref_slice %arg2[%dma_start3A_131, %dma_start3A_132] : memref<10112x128xf32, #tpu.memory_space<hbm>> -> memref<10112x128xf32, #tpu.memory_space<hbm>>
      tpu.enqueue_indirect_dma source(%dma_start3A_133 : memref<10112x128xf32, #tpu.memory_space<hbm>>) target(%dma_start3A_127 : memref<128x128xf32, #tpu.memory_space<vmem>>) offsets(%dma_start3A_130 : memref<128xi32, #tpu.memory_space<vmem>>) semaphore(%arg12 : memref<!tpu.dma_semaphore, #tpu.memory_space<semaphore_mem>>)
      %dma_wait3A_134 = arith.constant 0 : i32
      %dma_wait3A_135 = arith.constant 0 : i32
      %dma_wait3A_136 = tpu.memref_slice %arg5[%dma_wait3A_134, %dma_wait3A_135] : memref<632x128xf32, #tpu.memory_space<hbm>> -> memref<128x128xf32, #tpu.memory_space<hbm>>
      %dma_wait3A_137 = arith.constant 0 : i32
      %dma_wait3A_138 = arith.constant 0 : i32
      %dma_wait3A_139 = tpu.memref_slice %arg5[%dma_wait3A_137, %dma_wait3A_138] : memref<632x128xf32, #tpu.memory_space<hbm>> -> memref<128x128xf32, #tpu.memory_space<hbm>>
      tpu.wait_dma2 semaphore(%arg13 : memref<!tpu.dma_semaphore, #tpu.memory_space<semaphore_mem>>) src(%dma_wait3A_139 : memref<128x128xf32, #tpu.memory_space<hbm>>) dst(%arg10 : memref<128x128xf32, #tpu.memory_space<vmem>>)
      %run_scoped3A_140 = arith.constant 3 : i32
      "tpu.region"() ({
        %run_scoped3A_225 = tpu.sem_alloc : memref<!tpu.dma_semaphore, #tpu.memory_space<semaphore_mem>>
        %dma_start3A_226 = arith.constant 0 : i32
        %dma_start3A_227 = tpu.memref_slice %arg8[%select_n3A_82, %run_scoped3A_140, %dma_start3A_226] : memref<2x8x128xi32, #tpu.memory_space<vmem>> -> memref<1x1x128xi32, #tpu.memory_space<vmem>>
        %dma_start3A_228 = tpu.memref_squeeze %dma_start3A_227 : memref<1x1x128xi32, #tpu.memory_space<vmem>> -> memref<128xi32, #tpu.memory_space<vmem>>
        %dma_start3A_229 = arith.constant 0 : i32
        %dma_start3A_230 = arith.constant 0 : i32
        %dma_start3A_231 = tpu.memref_slice %arg11[%dma_start3A_229, %dma_start3A_230] : memref<10112x128xf32, #tpu.memory_space<vmem_shared>> -> memref<10112x128xf32, #tpu.memory_space<vmem_shared>>
        tpu.enqueue_indirect_dma source(%arg10 : memref<128x128xf32, #tpu.memory_space<vmem>>) target(%dma_start3A_231 : memref<10112x128xf32, #tpu.memory_space<vmem_shared>>) offsets(%dma_start3A_228 : memref<128xi32, #tpu.memory_space<vmem>>) semaphore(%run_scoped3A_225 : memref<!tpu.dma_semaphore, #tpu.memory_space<semaphore_mem>>) {add = true}
        %dma_wait3A_232 = arith.constant 0 : i32
        %dma_wait3A_233 = tpu.memref_slice %arg8[%select_n3A_82, %run_scoped3A_140, %dma_wait3A_232] : memref<2x8x128xi32, #tpu.memory_space<vmem>> -> memref<1x1x128xi32, #tpu.memory_space<vmem>>
        %dma_wait3A_234 = tpu.memref_squeeze %dma_wait3A_233 : memref<1x1x128xi32, #tpu.memory_space<vmem>> -> memref<128xi32, #tpu.memory_space<vmem>>
        %dma_wait3A_235 = arith.constant 0 : i32
        %dma_wait3A_236 = arith.constant 0 : i32
        %dma_wait3A_237 = tpu.memref_slice %arg11[%dma_wait3A_235, %dma_wait3A_236] : memref<10112x128xf32, #tpu.memory_space<vmem_shared>> -> memref<10112x128xf32, #tpu.memory_space<vmem_shared>>
        tpu.wait_indirect_dma semaphore(%run_scoped3A_225 : memref<!tpu.dma_semaphore, #tpu.memory_space<semaphore_mem>>) src(%arg10 : memref<128x128xf32, #tpu.memory_space<vmem>>) dst(%dma_wait3A_237 : memref<10112x128xf32, #tpu.memory_space<vmem_shared>>)
        tpu.yield
      }) : () -> ()
      %dma_start3A_141 = arith.constant 5 : i32
      %dma_start3A_142 = arith.constant 0 : i32
      %dma_start3A_143 = arith.constant 0 : i32
      %dma_start3A_144 = tpu.memref_slice %arg10[%dma_start3A_142, %dma_start3A_143] : memref<128x128xf32, #tpu.memory_space<vmem>> -> memref<128x128xf32, #tpu.memory_space<vmem>>
      %dma_start3A_145 = arith.constant 0 : i32
      %dma_start3A_146 = tpu.memref_slice %arg7[%select_n3A_82, %dma_start3A_141, %dma_start3A_145] : memref<2x8x128xi32, #tpu.memory_space<vmem>> -> memref<1x1x128xi32, #tpu.memory_space<vmem>>
      %dma_start3A_147 = tpu.memref_squeeze %dma_start3A_146 : memref<1x1x128xi32, #tpu.memory_space<vmem>> -> memref<128xi32, #tpu.memory_space<vmem>>
      %dma_start3A_148 = arith.constant 0 : i32
      %dma_start3A_149 = arith.constant 0 : i32
      %dma_start3A_150 = tpu.memref_slice %arg2[%dma_start3A_148, %dma_start3A_149] : memref<10112x128xf32, #tpu.memory_space<hbm>> -> memref<10112x128xf32, #tpu.memory_space<hbm>>
      tpu.enqueue_indirect_dma source(%dma_start3A_150 : memref<10112x128xf32, #tpu.memory_space<hbm>>) target(%dma_start3A_144 : memref<128x128xf32, #tpu.memory_space<vmem>>) offsets(%dma_start3A_147 : memref<128xi32, #tpu.memory_space<vmem>>) semaphore(%arg13 : memref<!tpu.dma_semaphore, #tpu.memory_space<semaphore_mem>>)
      %dma_wait3A_151 = arith.constant 0 : i32
      %dma_wait3A_152 = arith.constant 0 : i32
      %dma_wait3A_153 = tpu.memref_slice %arg5[%dma_wait3A_151, %dma_wait3A_152] : memref<632x128xf32, #tpu.memory_space<hbm>> -> memref<128x128xf32, #tpu.memory_space<hbm>>
      %dma_wait3A_154 = arith.constant 0 : i32
      %dma_wait3A_155 = arith.constant 0 : i32
      %dma_wait3A_156 = tpu.memref_slice %arg5[%dma_wait3A_154, %dma_wait3A_155] : memref<632x128xf32, #tpu.memory_space<hbm>> -> memref<128x128xf32, #tpu.memory_space<hbm>>
      tpu.wait_dma2 semaphore(%arg12 : memref<!tpu.dma_semaphore, #tpu.memory_space<semaphore_mem>>) src(%dma_wait3A_156 : memref<128x128xf32, #tpu.memory_space<hbm>>) dst(%arg9 : memref<128x128xf32, #tpu.memory_space<vmem>>)
      %run_scoped3A_157 = arith.constant 4 : i32
      "tpu.region"() ({
        %run_scoped3A_225 = tpu.sem_alloc : memref<!tpu.dma_semaphore, #tpu.memory_space<semaphore_mem>>
        %dma_start3A_226 = arith.constant 0 : i32
        %dma_start3A_227 = tpu.memref_slice %arg8[%select_n3A_82, %run_scoped3A_157, %dma_start3A_226] : memref<2x8x128xi32, #tpu.memory_space<vmem>> -> memref<1x1x128xi32, #tpu.memory_space<vmem>>
        %dma_start3A_228 = tpu.memref_squeeze %dma_start3A_227 : memref<1x1x128xi32, #tpu.memory_space<vmem>> -> memref<128xi32, #tpu.memory_space<vmem>>
        %dma_start3A_229 = arith.constant 0 : i32
        %dma_start3A_230 = arith.constant 0 : i32
        %dma_start3A_231 = tpu.memref_slice %arg11[%dma_start3A_229, %dma_start3A_230] : memref<10112x128xf32, #tpu.memory_space<vmem_shared>> -> memref<10112x128xf32, #tpu.memory_space<vmem_shared>>
        tpu.enqueue_indirect_dma source(%arg9 : memref<128x128xf32, #tpu.memory_space<vmem>>) target(%dma_start3A_231 : memref<10112x128xf32, #tpu.memory_space<vmem_shared>>) offsets(%dma_start3A_228 : memref<128xi32, #tpu.memory_space<vmem>>) semaphore(%run_scoped3A_225 : memref<!tpu.dma_semaphore, #tpu.memory_space<semaphore_mem>>) {add = true}
        %dma_wait3A_232 = arith.constant 0 : i32
        %dma_wait3A_233 = tpu.memref_slice %arg8[%select_n3A_82, %run_scoped3A_157, %dma_wait3A_232] : memref<2x8x128xi32, #tpu.memory_space<vmem>> -> memref<1x1x128xi32, #tpu.memory_space<vmem>>
        %dma_wait3A_234 = tpu.memref_squeeze %dma_wait3A_233 : memref<1x1x128xi32, #tpu.memory_space<vmem>> -> memref<128xi32, #tpu.memory_space<vmem>>
        %dma_wait3A_235 = arith.constant 0 : i32
        %dma_wait3A_236 = arith.constant 0 : i32
        %dma_wait3A_237 = tpu.memref_slice %arg11[%dma_wait3A_235, %dma_wait3A_236] : memref<10112x128xf32, #tpu.memory_space<vmem_shared>> -> memref<10112x128xf32, #tpu.memory_space<vmem_shared>>
        tpu.wait_indirect_dma semaphore(%run_scoped3A_225 : memref<!tpu.dma_semaphore, #tpu.memory_space<semaphore_mem>>) src(%arg9 : memref<128x128xf32, #tpu.memory_space<vmem>>) dst(%dma_wait3A_237 : memref<10112x128xf32, #tpu.memory_space<vmem_shared>>)
        tpu.yield
      }) : () -> ()
      %dma_start3A_158 = arith.constant 6 : i32
      %dma_start3A_159 = arith.constant 0 : i32
      %dma_start3A_160 = arith.constant 0 : i32
      %dma_start3A_161 = tpu.memref_slice %arg9[%dma_start3A_159, %dma_start3A_160] : memref<128x128xf32, #tpu.memory_space<vmem>> -> memref<128x128xf32, #tpu.memory_space<vmem>>
      %dma_start3A_162 = arith.constant 0 : i32
      %dma_start3A_163 = tpu.memref_slice %arg7[%select_n3A_82, %dma_start3A_158, %dma_start3A_162] : memref<2x8x128xi32, #tpu.memory_space<vmem>> -> memref<1x1x128xi32, #tpu.memory_space<vmem>>
      %dma_start3A_164 = tpu.memref_squeeze %dma_start3A_163 : memref<1x1x128xi32, #tpu.memory_space<vmem>> -> memref<128xi32, #tpu.memory_space<vmem>>
      %dma_start3A_165 = arith.constant 0 : i32
      %dma_start3A_166 = arith.constant 0 : i32
      %dma_start3A_167 = tpu.memref_slice %arg2[%dma_start3A_165, %dma_start3A_166] : memref<10112x128xf32, #tpu.memory_space<hbm>> -> memref<10112x128xf32, #tpu.memory_space<hbm>>
      tpu.enqueue_indirect_dma source(%dma_start3A_167 : memref<10112x128xf32, #tpu.memory_space<hbm>>) target(%dma_start3A_161 : memref<128x128xf32, #tpu.memory_space<vmem>>) offsets(%dma_start3A_164 : memref<128xi32, #tpu.memory_space<vmem>>) semaphore(%arg12 : memref<!tpu.dma_semaphore, #tpu.memory_space<semaphore_mem>>)
      %dma_wait3A_168 = arith.constant 0 : i32
      %dma_wait3A_169 = arith.constant 0 : i32
      %dma_wait3A_170 = tpu.memref_slice %arg5[%dma_wait3A_168, %dma_wait3A_169] : memref<632x128xf32, #tpu.memory_space<hbm>> -> memref<128x128xf32, #tpu.memory_space<hbm>>
      %dma_wait3A_171 = arith.constant 0 : i32
      %dma_wait3A_172 = arith.constant 0 : i32
      %dma_wait3A_173 = tpu.memref_slice %arg5[%dma_wait3A_171, %dma_wait3A_172] : memref<632x128xf32, #tpu.memory_space<hbm>> -> memref<128x128xf32, #tpu.memory_space<hbm>>
      tpu.wait_dma2 semaphore(%arg13 : memref<!tpu.dma_semaphore, #tpu.memory_space<semaphore_mem>>) src(%dma_wait3A_173 : memref<128x128xf32, #tpu.memory_space<hbm>>) dst(%arg10 : memref<128x128xf32, #tpu.memory_space<vmem>>)
      %run_scoped3A_174 = arith.constant 5 : i32
      "tpu.region"() ({
        %run_scoped3A_225 = tpu.sem_alloc : memref<!tpu.dma_semaphore, #tpu.memory_space<semaphore_mem>>
        %dma_start3A_226 = arith.constant 0 : i32
        %dma_start3A_227 = tpu.memref_slice %arg8[%select_n3A_82, %run_scoped3A_174, %dma_start3A_226] : memref<2x8x128xi32, #tpu.memory_space<vmem>> -> memref<1x1x128xi32, #tpu.memory_space<vmem>>
        %dma_start3A_228 = tpu.memref_squeeze %dma_start3A_227 : memref<1x1x128xi32, #tpu.memory_space<vmem>> -> memref<128xi32, #tpu.memory_space<vmem>>
        %dma_start3A_229 = arith.constant 0 : i32
        %dma_start3A_230 = arith.constant 0 : i32
        %dma_start3A_231 = tpu.memref_slice %arg11[%dma_start3A_229, %dma_start3A_230] : memref<10112x128xf32, #tpu.memory_space<vmem_shared>> -> memref<10112x128xf32, #tpu.memory_space<vmem_shared>>
        tpu.enqueue_indirect_dma source(%arg10 : memref<128x128xf32, #tpu.memory_space<vmem>>) target(%dma_start3A_231 : memref<10112x128xf32, #tpu.memory_space<vmem_shared>>) offsets(%dma_start3A_228 : memref<128xi32, #tpu.memory_space<vmem>>) semaphore(%run_scoped3A_225 : memref<!tpu.dma_semaphore, #tpu.memory_space<semaphore_mem>>) {add = true}
        %dma_wait3A_232 = arith.constant 0 : i32
        %dma_wait3A_233 = tpu.memref_slice %arg8[%select_n3A_82, %run_scoped3A_174, %dma_wait3A_232] : memref<2x8x128xi32, #tpu.memory_space<vmem>> -> memref<1x1x128xi32, #tpu.memory_space<vmem>>
        %dma_wait3A_234 = tpu.memref_squeeze %dma_wait3A_233 : memref<1x1x128xi32, #tpu.memory_space<vmem>> -> memref<128xi32, #tpu.memory_space<vmem>>
        %dma_wait3A_235 = arith.constant 0 : i32
        %dma_wait3A_236 = arith.constant 0 : i32
        %dma_wait3A_237 = tpu.memref_slice %arg11[%dma_wait3A_235, %dma_wait3A_236] : memref<10112x128xf32, #tpu.memory_space<vmem_shared>> -> memref<10112x128xf32, #tpu.memory_space<vmem_shared>>
        tpu.wait_indirect_dma semaphore(%run_scoped3A_225 : memref<!tpu.dma_semaphore, #tpu.memory_space<semaphore_mem>>) src(%arg10 : memref<128x128xf32, #tpu.memory_space<vmem>>) dst(%dma_wait3A_237 : memref<10112x128xf32, #tpu.memory_space<vmem_shared>>)
        tpu.yield
      }) : () -> ()
      %dma_start3A_175 = arith.constant 7 : i32
      %dma_start3A_176 = arith.constant 0 : i32
      %dma_start3A_177 = arith.constant 0 : i32
      %dma_start3A_178 = tpu.memref_slice %arg10[%dma_start3A_176, %dma_start3A_177] : memref<128x128xf32, #tpu.memory_space<vmem>> -> memref<128x128xf32, #tpu.memory_space<vmem>>
      %dma_start3A_179 = arith.constant 0 : i32
      %dma_start3A_180 = tpu.memref_slice %arg7[%select_n3A_82, %dma_start3A_175, %dma_start3A_179] : memref<2x8x128xi32, #tpu.memory_space<vmem>> -> memref<1x1x128xi32, #tpu.memory_space<vmem>>
      %dma_start3A_181 = tpu.memref_squeeze %dma_start3A_180 : memref<1x1x128xi32, #tpu.memory_space<vmem>> -> memref<128xi32, #tpu.memory_space<vmem>>
      %dma_start3A_182 = arith.constant 0 : i32
      %dma_start3A_183 = arith.constant 0 : i32
      %dma_start3A_184 = tpu.memref_slice %arg2[%dma_start3A_182, %dma_start3A_183] : memref<10112x128xf32, #tpu.memory_space<hbm>> -> memref<10112x128xf32, #tpu.memory_space<hbm>>
      tpu.enqueue_indirect_dma source(%dma_start3A_184 : memref<10112x128xf32, #tpu.memory_space<hbm>>) target(%dma_start3A_178 : memref<128x128xf32, #tpu.memory_space<vmem>>) offsets(%dma_start3A_181 : memref<128xi32, #tpu.memory_space<vmem>>) semaphore(%arg13 : memref<!tpu.dma_semaphore, #tpu.memory_space<semaphore_mem>>)
      %dma_wait3A_185 = arith.constant 0 : i32
      %dma_wait3A_186 = arith.constant 0 : i32
      %dma_wait3A_187 = tpu.memref_slice %arg5[%dma_wait3A_185, %dma_wait3A_186] : memref<632x128xf32, #tpu.memory_space<hbm>> -> memref<128x128xf32, #tpu.memory_space<hbm>>
      %dma_wait3A_188 = arith.constant 0 : i32
      %dma_wait3A_189 = arith.constant 0 : i32
      %dma_wait3A_190 = tpu.memref_slice %arg5[%dma_wait3A_188, %dma_wait3A_189] : memref<632x128xf32, #tpu.memory_space<hbm>> -> memref<128x128xf32, #tpu.memory_space<hbm>>
      tpu.wait_dma2 semaphore(%arg12 : memref<!tpu.dma_semaphore, #tpu.memory_space<semaphore_mem>>) src(%dma_wait3A_190 : memref<128x128xf32, #tpu.memory_space<hbm>>) dst(%arg9 : memref<128x128xf32, #tpu.memory_space<vmem>>)
      %run_scoped3A_191 = arith.constant 6 : i32
      "tpu.region"() ({
        %run_scoped3A_225 = tpu.sem_alloc : memref<!tpu.dma_semaphore, #tpu.memory_space<semaphore_mem>>
        %dma_start3A_226 = arith.constant 0 : i32
        %dma_start3A_227 = tpu.memref_slice %arg8[%select_n3A_82, %run_scoped3A_191, %dma_start3A_226] : memref<2x8x128xi32, #tpu.memory_space<vmem>> -> memref<1x1x128xi32, #tpu.memory_space<vmem>>
        %dma_start3A_228 = tpu.memref_squeeze %dma_start3A_227 : memref<1x1x128xi32, #tpu.memory_space<vmem>> -> memref<128xi32, #tpu.memory_space<vmem>>
        %dma_start3A_229 = arith.constant 0 : i32
        %dma_start3A_230 = arith.constant 0 : i32
        %dma_start3A_231 = tpu.memref_slice %arg11[%dma_start3A_229, %dma_start3A_230] : memref<10112x128xf32, #tpu.memory_space<vmem_shared>> -> memref<10112x128xf32, #tpu.memory_space<vmem_shared>>
        tpu.enqueue_indirect_dma source(%arg9 : memref<128x128xf32, #tpu.memory_space<vmem>>) target(%dma_start3A_231 : memref<10112x128xf32, #tpu.memory_space<vmem_shared>>) offsets(%dma_start3A_228 : memref<128xi32, #tpu.memory_space<vmem>>) semaphore(%run_scoped3A_225 : memref<!tpu.dma_semaphore, #tpu.memory_space<semaphore_mem>>) {add = true}
        %dma_wait3A_232 = arith.constant 0 : i32
        %dma_wait3A_233 = tpu.memref_slice %arg8[%select_n3A_82, %run_scoped3A_191, %dma_wait3A_232] : memref<2x8x128xi32, #tpu.memory_space<vmem>> -> memref<1x1x128xi32, #tpu.memory_space<vmem>>
        %dma_wait3A_234 = tpu.memref_squeeze %dma_wait3A_233 : memref<1x1x128xi32, #tpu.memory_space<vmem>> -> memref<128xi32, #tpu.memory_space<vmem>>
        %dma_wait3A_235 = arith.constant 0 : i32
        %dma_wait3A_236 = arith.constant 0 : i32
        %dma_wait3A_237 = tpu.memref_slice %arg11[%dma_wait3A_235, %dma_wait3A_236] : memref<10112x128xf32, #tpu.memory_space<vmem_shared>> -> memref<10112x128xf32, #tpu.memory_space<vmem_shared>>
        tpu.wait_indirect_dma semaphore(%run_scoped3A_225 : memref<!tpu.dma_semaphore, #tpu.memory_space<semaphore_mem>>) src(%arg9 : memref<128x128xf32, #tpu.memory_space<vmem>>) dst(%dma_wait3A_237 : memref<10112x128xf32, #tpu.memory_space<vmem_shared>>)
        tpu.yield
      }) : () -> ()
      %add3A_192 = arith.constant 1 : i32
      %add3A_193 = arith.addi %scan3A_73, %add3A_192 : i32
      %lt3A_194 = arith.constant 10 : i32
      %lt3A_195 = arith.cmpi slt, %add3A_193, %lt3A_194 : i32
      %convert_element_type3A = arith.extui %lt3A_195 : i1 to i32
      %cond3A = arith.constant 0 : i32
      %cond3A_196 = arith.cmpi ne, %convert_element_type3A, %cond3A : i32
      scf.if %cond3A_196 {
        %dma_wait3A_225 = arith.constant 0 : i32
        %dma_wait3A_226 = arith.constant 0 : i32
        %dma_wait3A_227 = arith.constant 0 : i32
        %dma_wait3A_228 = tpu.memref_slice %arg7[%sub3A_83, %dma_wait3A_226, %dma_wait3A_227] : memref<2x8x128xi32, #tpu.memory_space<vmem>> -> memref<1x8x128xi32, #tpu.memory_space<vmem>>
        %dma_wait3A_229 = tpu.memref_squeeze %dma_wait3A_228 : memref<1x8x128xi32, #tpu.memory_space<vmem>> -> memref<8x128xi32, #tpu.memory_space<vmem>>
        %dma_wait3A_230 = arith.constant 0 : i32
        %dma_wait3A_231 = arith.constant 0 : i32
        %dma_wait3A_232 = tpu.memref_slice %arg3[%add3A, %dma_wait3A_225, %dma_wait3A_230, %dma_wait3A_231] : memref<32x10x8x128xi32, #tpu.memory_space<hbm>> -> memref<1x1x8x128xi32, #tpu.memory_space<hbm>>
        %dma_wait3A_233 = tpu.memref_squeeze %dma_wait3A_232 : memref<1x1x8x128xi32, #tpu.memory_space<hbm>> -> memref<8x128xi32, #tpu.memory_space<hbm>>
        %dma_wait3A_234 = arith.constant 0 : i32
        %dma_wait3A_235 = arith.constant 0 : i32
        %dma_wait3A_236 = tpu.memref_slice %arg7[%sub3A_83, %dma_wait3A_234, %dma_wait3A_235] : memref<2x8x128xi32, #tpu.memory_space<vmem>> -> memref<1x8x128xi32, #tpu.memory_space<vmem>>
        %dma_wait3A_237 = tpu.memref_squeeze %dma_wait3A_236 : memref<1x8x128xi32, #tpu.memory_space<vmem>> -> memref<8x128xi32, #tpu.memory_space<vmem>>
        %dma_wait3A_238 = arith.constant 0 : i32
        %dma_wait3A_239 = arith.constant 0 : i32
        %dma_wait3A_240 = tpu.memref_slice %arg3[%add3A, %dma_wait3A_225, %dma_wait3A_238, %dma_wait3A_239] : memref<32x10x8x128xi32, #tpu.memory_space<hbm>> -> memref<1x1x8x128xi32, #tpu.memory_space<hbm>>
        %dma_wait3A_241 = tpu.memref_squeeze %dma_wait3A_240 : memref<1x1x8x128xi32, #tpu.memory_space<hbm>> -> memref<8x128xi32, #tpu.memory_space<hbm>>
        tpu.wait_dma2 semaphore(%arg14 : memref<!tpu.dma_semaphore, #tpu.memory_space<semaphore_mem>>) src(%dma_wait3A_241 : memref<8x128xi32, #tpu.memory_space<hbm>>) dst(%dma_wait3A_237 : memref<8x128xi32, #tpu.memory_space<vmem>>)
        %dma_wait3A_242 = arith.constant 0 : i32
        %dma_wait3A_243 = arith.constant 0 : i32
        %dma_wait3A_244 = arith.constant 0 : i32
        %dma_wait3A_245 = tpu.memref_slice %arg8[%sub3A_83, %dma_wait3A_243, %dma_wait3A_244] : memref<2x8x128xi32, #tpu.memory_space<vmem>> -> memref<1x8x128xi32, #tpu.memory_space<vmem>>
        %dma_wait3A_246 = tpu.memref_squeeze %dma_wait3A_245 : memref<1x8x128xi32, #tpu.memory_space<vmem>> -> memref<8x128xi32, #tpu.memory_space<vmem>>
        %dma_wait3A_247 = arith.constant 0 : i32
        %dma_wait3A_248 = arith.constant 0 : i32
        %dma_wait3A_249 = tpu.memref_slice %arg4[%add3A, %dma_wait3A_242, %dma_wait3A_247, %dma_wait3A_248] : memref<32x10x8x128xi32, #tpu.memory_space<hbm>> -> memref<1x1x8x128xi32, #tpu.memory_space<hbm>>
        %dma_wait3A_250 = tpu.memref_squeeze %dma_wait3A_249 : memref<1x1x8x128xi32, #tpu.memory_space<hbm>> -> memref<8x128xi32, #tpu.memory_space<hbm>>
        %dma_wait3A_251 = arith.constant 0 : i32
        %dma_wait3A_252 = arith.constant 0 : i32
        %dma_wait3A_253 = tpu.memref_slice %arg8[%sub3A_83, %dma_wait3A_251, %dma_wait3A_252] : memref<2x8x128xi32, #tpu.memory_space<vmem>> -> memref<1x8x128xi32, #tpu.memory_space<vmem>>
        %dma_wait3A_254 = tpu.memref_squeeze %dma_wait3A_253 : memref<1x8x128xi32, #tpu.memory_space<vmem>> -> memref<8x128xi32, #tpu.memory_space<vmem>>
        %dma_wait3A_255 = arith.constant 0 : i32
        %dma_wait3A_256 = arith.constant 0 : i32
        %dma_wait3A_257 = tpu.memref_slice %arg4[%add3A, %dma_wait3A_242, %dma_wait3A_255, %dma_wait3A_256] : memref<32x10x8x128xi32, #tpu.memory_space<hbm>> -> memref<1x1x8x128xi32, #tpu.memory_space<hbm>>
        %dma_wait3A_258 = tpu.memref_squeeze %dma_wait3A_257 : memref<1x1x8x128xi32, #tpu.memory_space<hbm>> -> memref<8x128xi32, #tpu.memory_space<hbm>>
        tpu.wait_dma2 semaphore(%arg14 : memref<!tpu.dma_semaphore, #tpu.memory_space<semaphore_mem>>) src(%dma_wait3A_258 : memref<8x128xi32, #tpu.memory_space<hbm>>) dst(%dma_wait3A_254 : memref<8x128xi32, #tpu.memory_space<vmem>>)
      } else {
      }
      %add3A_197 = arith.constant 1 : i32
      %add3A_198 = arith.addi %scan3A_73, %add3A_197 : i32
      %lt3A_199 = arith.constant 10 : i32
      %lt3A_200 = arith.cmpi slt, %add3A_198, %lt3A_199 : i32
      %convert_element_type3A_201 = arith.extui %lt3A_200 : i1 to i32
      %cond3A_202 = arith.constant 0 : i32
      %cond3A_203 = arith.cmpi ne, %convert_element_type3A_201, %cond3A_202 : i32
      scf.if %cond3A_203 {
        %dma_start3A_225 = arith.constant 0 : i32
        %dma_start3A_226 = arith.constant 0 : i32
        %dma_start3A_227 = arith.constant 0 : i32
        %dma_start3A_228 = tpu.memref_slice %arg9[%dma_start3A_226, %dma_start3A_227] : memref<128x128xf32, #tpu.memory_space<vmem>> -> memref<128x128xf32, #tpu.memory_space<vmem>>
        %dma_start3A_229 = arith.constant 0 : i32
        %dma_start3A_230 = tpu.memref_slice %arg7[%sub3A_83, %dma_start3A_225, %dma_start3A_229] : memref<2x8x128xi32, #tpu.memory_space<vmem>> -> memref<1x1x128xi32, #tpu.memory_space<vmem>>
        %dma_start3A_231 = tpu.memref_squeeze %dma_start3A_230 : memref<1x1x128xi32, #tpu.memory_space<vmem>> -> memref<128xi32, #tpu.memory_space<vmem>>
        %dma_start3A_232 = arith.constant 0 : i32
        %dma_start3A_233 = arith.constant 0 : i32
        %dma_start3A_234 = tpu.memref_slice %arg2[%dma_start3A_232, %dma_start3A_233] : memref<10112x128xf32, #tpu.memory_space<hbm>> -> memref<10112x128xf32, #tpu.memory_space<hbm>>
        tpu.enqueue_indirect_dma source(%dma_start3A_234 : memref<10112x128xf32, #tpu.memory_space<hbm>>) target(%dma_start3A_228 : memref<128x128xf32, #tpu.memory_space<vmem>>) offsets(%dma_start3A_231 : memref<128xi32, #tpu.memory_space<vmem>>) semaphore(%arg12 : memref<!tpu.dma_semaphore, #tpu.memory_space<semaphore_mem>>)
      } else {
      }
      %dma_wait3A_204 = arith.constant 0 : i32
      %dma_wait3A_205 = arith.constant 0 : i32
      %dma_wait3A_206 = tpu.memref_slice %arg5[%dma_wait3A_204, %dma_wait3A_205] : memref<632x128xf32, #tpu.memory_space<hbm>> -> memref<128x128xf32, #tpu.memory_space<hbm>>
      %dma_wait3A_207 = arith.constant 0 : i32
      %dma_wait3A_208 = arith.constant 0 : i32
      %dma_wait3A_209 = tpu.memref_slice %arg5[%dma_wait3A_207, %dma_wait3A_208] : memref<632x128xf32, #tpu.memory_space<hbm>> -> memref<128x128xf32, #tpu.memory_space<hbm>>
      tpu.wait_dma2 semaphore(%arg13 : memref<!tpu.dma_semaphore, #tpu.memory_space<semaphore_mem>>) src(%dma_wait3A_209 : memref<128x128xf32, #tpu.memory_space<hbm>>) dst(%arg10 : memref<128x128xf32, #tpu.memory_space<vmem>>)
      %run_scoped3A_210 = arith.constant 7 : i32
      "tpu.region"() ({
        %run_scoped3A_225 = tpu.sem_alloc : memref<!tpu.dma_semaphore, #tpu.memory_space<semaphore_mem>>
        %dma_start3A_226 = arith.constant 0 : i32
        %dma_start3A_227 = tpu.memref_slice %arg8[%select_n3A_82, %run_scoped3A_210, %dma_start3A_226] : memref<2x8x128xi32, #tpu.memory_space<vmem>> -> memref<1x1x128xi32, #tpu.memory_space<vmem>>
        %dma_start3A_228 = tpu.memref_squeeze %dma_start3A_227 : memref<1x1x128xi32, #tpu.memory_space<vmem>> -> memref<128xi32, #tpu.memory_space<vmem>>
        %dma_start3A_229 = arith.constant 0 : i32
        %dma_start3A_230 = arith.constant 0 : i32
        %dma_start3A_231 = tpu.memref_slice %arg11[%dma_start3A_229, %dma_start3A_230] : memref<10112x128xf32, #tpu.memory_space<vmem_shared>> -> memref<10112x128xf32, #tpu.memory_space<vmem_shared>>
        tpu.enqueue_indirect_dma source(%arg10 : memref<128x128xf32, #tpu.memory_space<vmem>>) target(%dma_start3A_231 : memref<10112x128xf32, #tpu.memory_space<vmem_shared>>) offsets(%dma_start3A_228 : memref<128xi32, #tpu.memory_space<vmem>>) semaphore(%run_scoped3A_225 : memref<!tpu.dma_semaphore, #tpu.memory_space<semaphore_mem>>) {add = true}
        %dma_wait3A_232 = arith.constant 0 : i32
        %dma_wait3A_233 = tpu.memref_slice %arg8[%select_n3A_82, %run_scoped3A_210, %dma_wait3A_232] : memref<2x8x128xi32, #tpu.memory_space<vmem>> -> memref<1x1x128xi32, #tpu.memory_space<vmem>>
        %dma_wait3A_234 = tpu.memref_squeeze %dma_wait3A_233 : memref<1x1x128xi32, #tpu.memory_space<vmem>> -> memref<128xi32, #tpu.memory_space<vmem>>
        %dma_wait3A_235 = arith.constant 0 : i32
        %dma_wait3A_236 = arith.constant 0 : i32
        %dma_wait3A_237 = tpu.memref_slice %arg11[%dma_wait3A_235, %dma_wait3A_236] : memref<10112x128xf32, #tpu.memory_space<vmem_shared>> -> memref<10112x128xf32, #tpu.memory_space<vmem_shared>>
        tpu.wait_indirect_dma semaphore(%run_scoped3A_225 : memref<!tpu.dma_semaphore, #tpu.memory_space<semaphore_mem>>) src(%arg10 : memref<128x128xf32, #tpu.memory_space<vmem>>) dst(%dma_wait3A_237 : memref<10112x128xf32, #tpu.memory_space<vmem_shared>>)
        tpu.yield
      }) : () -> ()
      %add3A_211 = arith.constant 1 : i32
      %add3A_212 = arith.addi %scan3A_73, %add3A_211 : i32
      %lt3A_213 = arith.constant 10 : i32
      %lt3A_214 = arith.cmpi slt, %add3A_212, %lt3A_213 : i32
      %convert_element_type3A_215 = arith.extui %lt3A_214 : i1 to i32
      %cond3A_216 = arith.constant 0 : i32
      %cond3A_217 = arith.cmpi ne, %convert_element_type3A_215, %cond3A_216 : i32
      scf.if %cond3A_217 {
        %dma_start3A_225 = arith.constant 1 : i32
        %dma_start3A_226 = arith.constant 0 : i32
        %dma_start3A_227 = arith.constant 0 : i32
        %dma_start3A_228 = tpu.memref_slice %arg10[%dma_start3A_226, %dma_start3A_227] : memref<128x128xf32, #tpu.memory_space<vmem>> -> memref<128x128xf32, #tpu.memory_space<vmem>>
        %dma_start3A_229 = arith.constant 0 : i32
        %dma_start3A_230 = tpu.memref_slice %arg7[%sub3A_83, %dma_start3A_225, %dma_start3A_229] : memref<2x8x128xi32, #tpu.memory_space<vmem>> -> memref<1x1x128xi32, #tpu.memory_space<vmem>>
        %dma_start3A_231 = tpu.memref_squeeze %dma_start3A_230 : memref<1x1x128xi32, #tpu.memory_space<vmem>> -> memref<128xi32, #tpu.memory_space<vmem>>
        %dma_start3A_232 = arith.constant 0 : i32
        %dma_start3A_233 = arith.constant 0 : i32
        %dma_start3A_234 = tpu.memref_slice %arg2[%dma_start3A_232, %dma_start3A_233] : memref<10112x128xf32, #tpu.memory_space<hbm>> -> memref<10112x128xf32, #tpu.memory_space<hbm>>
        tpu.enqueue_indirect_dma source(%dma_start3A_234 : memref<10112x128xf32, #tpu.memory_space<hbm>>) target(%dma_start3A_228 : memref<128x128xf32, #tpu.memory_space<vmem>>) offsets(%dma_start3A_231 : memref<128xi32, #tpu.memory_space<vmem>>) semaphore(%arg13 : memref<!tpu.dma_semaphore, #tpu.memory_space<semaphore_mem>>)
      } else {
      }
      %add3A_218 = arith.constant 2 : i32
      %add3A_219 = arith.addi %scan3A_73, %add3A_218 : i32
      %lt3A_220 = arith.constant 10 : i32
      %lt3A_221 = arith.cmpi slt, %add3A_219, %lt3A_220 : i32
      %convert_element_type3A_222 = arith.extui %lt3A_221 : i1 to i32
      %cond3A_223 = arith.constant 0 : i32
      %cond3A_224 = arith.cmpi ne, %convert_element_type3A_222, %cond3A_223 : i32
      scf.if %cond3A_224 {
        %add3A_225 = arith.constant 2 : i32
        %add3A_226 = arith.addi %scan3A_73, %add3A_225 : i32
        %dma_start3A_227 = arith.constant 0 : i32
        %dma_start3A_228 = arith.constant 0 : i32
        %dma_start3A_229 = tpu.memref_slice %arg7[%select_n3A_82, %dma_start3A_227, %dma_start3A_228] : memref<2x8x128xi32, #tpu.memory_space<vmem>> -> memref<1x8x128xi32, #tpu.memory_space<vmem>>
        %dma_start3A_230 = tpu.memref_squeeze %dma_start3A_229 : memref<1x8x128xi32, #tpu.memory_space<vmem>> -> memref<8x128xi32, #tpu.memory_space<vmem>>
        %dma_start3A_231 = arith.constant 0 : i32
        %dma_start3A_232 = arith.constant 0 : i32
        %dma_start3A_233 = tpu.memref_slice %arg3[%add3A, %add3A_226, %dma_start3A_231, %dma_start3A_232] : memref<32x10x8x128xi32, #tpu.memory_space<hbm>> -> memref<1x1x8x128xi32, #tpu.memory_space<hbm>>
        %dma_start3A_234 = tpu.memref_squeeze %dma_start3A_233 : memref<1x1x8x128xi32, #tpu.memory_space<hbm>> -> memref<8x128xi32, #tpu.memory_space<hbm>>
        %dma_start3A_235 = arith.constant 0 : i32
        %dma_start3A_236 = arith.constant 0 : i32
        %dma_start3A_237 = tpu.memref_slice %arg7[%select_n3A_82, %dma_start3A_235, %dma_start3A_236] : memref<2x8x128xi32, #tpu.memory_space<vmem>> -> memref<1x8x128xi32, #tpu.memory_space<vmem>>
        %dma_start3A_238 = tpu.memref_squeeze %dma_start3A_237 : memref<1x8x128xi32, #tpu.memory_space<vmem>> -> memref<8x128xi32, #tpu.memory_space<vmem>>
        %dma_start3A_239 = arith.constant 0 : i32
        %dma_start3A_240 = arith.constant 0 : i32
        %dma_start3A_241 = tpu.memref_slice %arg3[%add3A, %add3A_226, %dma_start3A_239, %dma_start3A_240] : memref<32x10x8x128xi32, #tpu.memory_space<hbm>> -> memref<1x1x8x128xi32, #tpu.memory_space<hbm>>
        %dma_start3A_242 = tpu.memref_squeeze %dma_start3A_241 : memref<1x1x8x128xi32, #tpu.memory_space<hbm>> -> memref<8x128xi32, #tpu.memory_space<hbm>>
        tpu.enqueue_dma source(%dma_start3A_242 : memref<8x128xi32, #tpu.memory_space<hbm>>) target(%dma_start3A_238 : memref<8x128xi32, #tpu.memory_space<vmem>>) target_semaphore(%arg14 : memref<!tpu.dma_semaphore, #tpu.memory_space<semaphore_mem>>)
        %add3A_243 = arith.constant 2 : i32
        %add3A_244 = arith.addi %scan3A_73, %add3A_243 : i32
        %dma_start3A_245 = arith.constant 0 : i32
        %dma_start3A_246 = arith.constant 0 : i32
        %dma_start3A_247 = tpu.memref_slice %arg8[%select_n3A_82, %dma_start3A_245, %dma_start3A_246] : memref<2x8x128xi32, #tpu.memory_space<vmem>> -> memref<1x8x128xi32, #tpu.memory_space<vmem>>
        %dma_start3A_248 = tpu.memref_squeeze %dma_start3A_247 : memref<1x8x128xi32, #tpu.memory_space<vmem>> -> memref<8x128xi32, #tpu.memory_space<vmem>>
        %dma_start3A_249 = arith.constant 0 : i32
        %dma_start3A_250 = arith.constant 0 : i32
        %dma_start3A_251 = tpu.memref_slice %arg4[%add3A, %add3A_244, %dma_start3A_249, %dma_start3A_250] : memref<32x10x8x128xi32, #tpu.memory_space<hbm>> -> memref<1x1x8x128xi32, #tpu.memory_space<hbm>>
        %dma_start3A_252 = tpu.memref_squeeze %dma_start3A_251 : memref<1x1x8x128xi32, #tpu.memory_space<hbm>> -> memref<8x128xi32, #tpu.memory_space<hbm>>
        %dma_start3A_253 = arith.constant 0 : i32
        %dma_start3A_254 = arith.constant 0 : i32
        %dma_start3A_255 = tpu.memref_slice %arg8[%select_n3A_82, %dma_start3A_253, %dma_start3A_254] : memref<2x8x128xi32, #tpu.memory_space<vmem>> -> memref<1x8x128xi32, #tpu.memory_space<vmem>>
        %dma_start3A_256 = tpu.memref_squeeze %dma_start3A_255 : memref<1x8x128xi32, #tpu.memory_space<vmem>> -> memref<8x128xi32, #tpu.memory_space<vmem>>
        %dma_start3A_257 = arith.constant 0 : i32
        %dma_start3A_258 = arith.constant 0 : i32
        %dma_start3A_259 = tpu.memref_slice %arg4[%add3A, %add3A_244, %dma_start3A_257, %dma_start3A_258] : memref<32x10x8x128xi32, #tpu.memory_space<hbm>> -> memref<1x1x8x128xi32, #tpu.memory_space<hbm>>
        %dma_start3A_260 = tpu.memref_squeeze %dma_start3A_259 : memref<1x1x8x128xi32, #tpu.memory_space<hbm>> -> memref<8x128xi32, #tpu.memory_space<hbm>>
        tpu.enqueue_dma source(%dma_start3A_260 : memref<8x128xi32, #tpu.memory_space<hbm>>) target(%dma_start3A_256 : memref<8x128xi32, #tpu.memory_space<vmem>>) target_semaphore(%arg14 : memref<!tpu.dma_semaphore, #tpu.memory_space<semaphore_mem>>)
      } else {
      }
    }
    %scan3A_67 = arith.constant 10 : i32
    %barrier3A_68 = arith.constant 0 : index
    tpu.barrier barrier_id(%barrier3A_68)
    %mul3A_69 = arith.constant 632 : i32
    %mul3A_70 = arith.muli %arg1, %mul3A_69 : i32
    %mul3A_71 = arith.constant 632 : i32
    %mul3A_72 = arith.muli %arg1, %mul3A_71 : i32
    "tpu.region"() ({
      %run_scoped3A_73 = tpu.sem_alloc : memref<!tpu.dma_semaphore, #tpu.memory_space<semaphore_mem>>
      %dma_start3A_74 = arith.constant 0 : i32
      %dma_start3A_75 = tpu.memref_slice %arg6[%arg0, %mul3A_72, %dma_start3A_74] : memref<2x10112x128xf32, #tpu.memory_space<hbm>> -> memref<1x632x128xf32, #tpu.memory_space<hbm>>
      %dma_start3A_76 = tpu.memref_squeeze %dma_start3A_75 : memref<1x632x128xf32, #tpu.memory_space<hbm>> -> memref<632x128xf32, #tpu.memory_space<hbm>>
      %dma_start3A_77 = arith.constant 0 : i32
      %dma_start3A_78 = tpu.memref_slice %arg11[%mul3A_70, %dma_start3A_77] : memref<10112x128xf32, #tpu.memory_space<vmem_shared>> -> memref<632x128xf32, #tpu.memory_space<vmem_shared>>
      tpu.enqueue_dma source(%dma_start3A_78 : memref<632x128xf32, #tpu.memory_space<vmem_shared>>) target(%dma_start3A_76 : memref<632x128xf32, #tpu.memory_space<hbm>>) target_semaphore(%run_scoped3A_73 : memref<!tpu.dma_semaphore, #tpu.memory_space<semaphore_mem>>)
      %dma_wait3A = arith.constant 0 : i32
      %dma_wait3A_79 = tpu.memref_slice %arg6[%arg0, %mul3A_72, %dma_wait3A] : memref<2x10112x128xf32, #tpu.memory_space<hbm>> -> memref<1x632x128xf32, #tpu.memory_space<hbm>>
      %dma_wait3A_80 = tpu.memref_squeeze %dma_wait3A_79 : memref<1x632x128xf32, #tpu.memory_space<hbm>> -> memref<632x128xf32, #tpu.memory_space<hbm>>
      %dma_wait3A_81 = arith.constant 0 : i32
      %dma_wait3A_82 = tpu.memref_slice %arg11[%mul3A_70, %dma_wait3A_81] : memref<10112x128xf32, #tpu.memory_space<vmem_shared>> -> memref<632x128xf32, #tpu.memory_space<vmem_shared>>
      tpu.wait_dma2 semaphore(%run_scoped3A_73 : memref<!tpu.dma_semaphore, #tpu.memory_space<semaphore_mem>>) src(%dma_wait3A_82 : memref<632x128xf32, #tpu.memory_space<vmem_shared>>) dst(%dma_wait3A_80 : memref<632x128xf32, #tpu.memory_space<hbm>>)
      tpu.yield
    }) : () -> ()
    return
  }
}

#map = affine_map<(d0, d1) -> (0, 0)>
#map1 = affine_map<(d0, d1) -> (0, 0, 0, 0)>
#map2 = affine_map<(d0, d1) -> (0, 0, 0)>
module attributes {stable_mosaic.version = 14 : i64} {
  func.func @_sc_edge_agg(%arg0: i32, %arg1: i32, %arg2: memref<10112x128xf32, #tpu.memory_space<hbm>>, %arg3: memref<32x10x8x128xi32, #tpu.memory_space<hbm>>, %arg4: memref<32x10x8x128xi32, #tpu.memory_space<hbm>>, %arg5: memref<632x128xf32, #tpu.memory_space<hbm>>, %arg6: memref<2x10112x128xf32, #tpu.memory_space<hbm>>, %arg7: memref<2x8x128xi32, #tpu.memory_space<vmem>>, %arg8: memref<2x8x128xi32, #tpu.memory_space<vmem>>, %arg9: memref<128x128xf32, #tpu.memory_space<vmem>>, %arg10: memref<128x128xf32, #tpu.memory_space<vmem>>, %arg11: memref<10112x128xf32, #tpu.memory_space<vmem_shared>>, %arg12: memref<!tpu.dma_semaphore, #tpu.memory_space<semaphore_mem>>, %arg13: memref<!tpu.dma_semaphore, #tpu.memory_space<semaphore_mem>>, %arg14: memref<!tpu.dma_semaphore, #tpu.memory_space<semaphore_mem>>) attributes {dimension_semantics = [#tpu.dimension_semantics<core_parallel>, #tpu.dimension_semantics<subcore_parallel>], iteration_bounds = array<i64: 2, 16>, scalar_prefetch = 0 : i64, scratch_operands = 8 : i64, tpu.core_type = #tpu.core_type<sc_vector_subcore>, window_params = [{transform_indices = #map}, {transform_indices = #map1}, {transform_indices = #map1}, {transform_indices = #map}, {transform_indices = #map2}]} {
    %mul3A = arith.constant 16 : i32
    %mul3A_0 = arith.muli %arg0, %mul3A : i32
    %add3A = arith.addi %mul3A_0, %arg1 : i32
    %mul3A_1 = arith.constant 632 : i32
    %mul3A_2 = arith.muli %arg1, %mul3A_1 : i32
    "tpu.region"() ({
      %run_scoped3A_73 = tpu.sem_alloc : memref<!tpu.dma_semaphore, #tpu.memory_space<semaphore_mem>>
      %dma_start3A_74 = arith.constant 0 : i32
      %dma_start3A_75 = tpu.memref_slice %arg11[%mul3A_2, %dma_start3A_74] : memref<10112x128xf32, #tpu.memory_space<vmem_shared>> -> memref<632x128xf32, #tpu.memory_space<vmem_shared>>
      tpu.enqueue_dma source(%arg5 : memref<632x128xf32, #tpu.memory_space<hbm>>) target(%dma_start3A_75 : memref<632x128xf32, #tpu.memory_space<vmem_shared>>) target_semaphore(%run_scoped3A_73 : memref<!tpu.dma_semaphore, #tpu.memory_space<semaphore_mem>>)
      %dma_wait3A = arith.constant 0 : i32
      %dma_wait3A_76 = tpu.memref_slice %arg11[%mul3A_2, %dma_wait3A] : memref<10112x128xf32, #tpu.memory_space<vmem_shared>> -> memref<632x128xf32, #tpu.memory_space<vmem_shared>>
      tpu.wait_dma2 semaphore(%run_scoped3A_73 : memref<!tpu.dma_semaphore, #tpu.memory_space<semaphore_mem>>) src(%arg5 : memref<632x128xf32, #tpu.memory_space<hbm>>) dst(%dma_wait3A_76 : memref<632x128xf32, #tpu.memory_space<vmem_shared>>)
      tpu.yield
    }) : () -> ()
    %run_scoped3A = arith.constant 0 : i32
    %run_scoped3A_3 = arith.constant 0 : i32
    "tpu.region"() ({
      %run_scoped3A_73 = tpu.sem_alloc : memref<!tpu.dma_semaphore, #tpu.memory_space<semaphore_mem>>
      %dma_start3A_74 = arith.constant 0 : i32
      %dma_start3A_75 = arith.constant 0 : i32
      %dma_start3A_76 = tpu.memref_slice %arg7[%run_scoped3A_3, %dma_start3A_74, %dma_start3A_75] : memref<2x8x128xi32, #tpu.memory_space<vmem>> -> memref<1x8x128xi32, #tpu.memory_space<vmem>>
      %dma_start3A_77 = tpu.memref_squeeze %dma_start3A_76 : memref<1x8x128xi32, #tpu.memory_space<vmem>> -> memref<8x128xi32, #tpu.memory_space<vmem>>
      %dma_start3A_78 = arith.constant 0 : i32
      %dma_start3A_79 = arith.constant 0 : i32
      %dma_start3A_80 = tpu.memref_slice %arg3[%add3A, %run_scoped3A, %dma_start3A_78, %dma_start3A_79] : memref<32x10x8x128xi32, #tpu.memory_space<hbm>> -> memref<1x1x8x128xi32, #tpu.memory_space<hbm>>
      %dma_start3A_81 = tpu.memref_squeeze %dma_start3A_80 : memref<1x1x8x128xi32, #tpu.memory_space<hbm>> -> memref<8x128xi32, #tpu.memory_space<hbm>>
      %dma_start3A_82 = arith.constant 0 : i32
      %dma_start3A_83 = arith.constant 0 : i32
      %dma_start3A_84 = tpu.memref_slice %arg7[%run_scoped3A_3, %dma_start3A_82, %dma_start3A_83] : memref<2x8x128xi32, #tpu.memory_space<vmem>> -> memref<1x8x128xi32, #tpu.memory_space<vmem>>
      %dma_start3A_85 = tpu.memref_squeeze %dma_start3A_84 : memref<1x8x128xi32, #tpu.memory_space<vmem>> -> memref<8x128xi32, #tpu.memory_space<vmem>>
      %dma_start3A_86 = arith.constant 0 : i32
      %dma_start3A_87 = arith.constant 0 : i32
      %dma_start3A_88 = tpu.memref_slice %arg3[%add3A, %run_scoped3A, %dma_start3A_86, %dma_start3A_87] : memref<32x10x8x128xi32, #tpu.memory_space<hbm>> -> memref<1x1x8x128xi32, #tpu.memory_space<hbm>>
      %dma_start3A_89 = tpu.memref_squeeze %dma_start3A_88 : memref<1x1x8x128xi32, #tpu.memory_space<hbm>> -> memref<8x128xi32, #tpu.memory_space<hbm>>
      tpu.enqueue_dma source(%dma_start3A_89 : memref<8x128xi32, #tpu.memory_space<hbm>>) target(%dma_start3A_85 : memref<8x128xi32, #tpu.memory_space<vmem>>) target_semaphore(%run_scoped3A_73 : memref<!tpu.dma_semaphore, #tpu.memory_space<semaphore_mem>>)
      %dma_wait3A = arith.constant 0 : i32
      %dma_wait3A_90 = arith.constant 0 : i32
      %dma_wait3A_91 = tpu.memref_slice %arg7[%run_scoped3A_3, %dma_wait3A, %dma_wait3A_90] : memref<2x8x128xi32, #tpu.memory_space<vmem>> -> memref<1x8x128xi32, #tpu.memory_space<vmem>>
      %dma_wait3A_92 = tpu.memref_squeeze %dma_wait3A_91 : memref<1x8x128xi32, #tpu.memory_space<vmem>> -> memref<8x128xi32, #tpu.memory_space<vmem>>
      %dma_wait3A_93 = arith.constant 0 : i32
      %dma_wait3A_94 = arith.constant 0 : i32
      %dma_wait3A_95 = tpu.memref_slice %arg3[%add3A, %run_scoped3A, %dma_wait3A_93, %dma_wait3A_94] : memref<32x10x8x128xi32, #tpu.memory_space<hbm>> -> memref<1x1x8x128xi32, #tpu.memory_space<hbm>>
      %dma_wait3A_96 = tpu.memref_squeeze %dma_wait3A_95 : memref<1x1x8x128xi32, #tpu.memory_space<hbm>> -> memref<8x128xi32, #tpu.memory_space<hbm>>
      %dma_wait3A_97 = arith.constant 0 : i32
      %dma_wait3A_98 = arith.constant 0 : i32
      %dma_wait3A_99 = tpu.memref_slice %arg7[%run_scoped3A_3, %dma_wait3A_97, %dma_wait3A_98] : memref<2x8x128xi32, #tpu.memory_space<vmem>> -> memref<1x8x128xi32, #tpu.memory_space<vmem>>
      %dma_wait3A_100 = tpu.memref_squeeze %dma_wait3A_99 : memref<1x8x128xi32, #tpu.memory_space<vmem>> -> memref<8x128xi32, #tpu.memory_space<vmem>>
      %dma_wait3A_101 = arith.constant 0 : i32
      %dma_wait3A_102 = arith.constant 0 : i32
      %dma_wait3A_103 = tpu.memref_slice %arg3[%add3A, %run_scoped3A, %dma_wait3A_101, %dma_wait3A_102] : memref<32x10x8x128xi32, #tpu.memory_space<hbm>> -> memref<1x1x8x128xi32, #tpu.memory_space<hbm>>
      %dma_wait3A_104 = tpu.memref_squeeze %dma_wait3A_103 : memref<1x1x8x128xi32, #tpu.memory_space<hbm>> -> memref<8x128xi32, #tpu.memory_space<hbm>>
      tpu.wait_dma2 semaphore(%run_scoped3A_73 : memref<!tpu.dma_semaphore, #tpu.memory_space<semaphore_mem>>) src(%dma_wait3A_104 : memref<8x128xi32, #tpu.memory_space<hbm>>) dst(%dma_wait3A_100 : memref<8x128xi32, #tpu.memory_space<vmem>>)
      tpu.yield
    }) : () -> ()
    %run_scoped3A_4 = arith.constant 0 : i32
    %run_scoped3A_5 = arith.constant 0 : i32
    "tpu.region"() ({
      %run_scoped3A_73 = tpu.sem_alloc : memref<!tpu.dma_semaphore, #tpu.memory_space<semaphore_mem>>
      %dma_start3A_74 = arith.constant 0 : i32
      %dma_start3A_75 = arith.constant 0 : i32
      %dma_start3A_76 = tpu.memref_slice %arg8[%run_scoped3A_5, %dma_start3A_74, %dma_start3A_75] : memref<2x8x128xi32, #tpu.memory_space<vmem>> -> memref<1x8x128xi32, #tpu.memory_space<vmem>>
      %dma_start3A_77 = tpu.memref_squeeze %dma_start3A_76 : memref<1x8x128xi32, #tpu.memory_space<vmem>> -> memref<8x128xi32, #tpu.memory_space<vmem>>
      %dma_start3A_78 = arith.constant 0 : i32
      %dma_start3A_79 = arith.constant 0 : i32
      %dma_start3A_80 = tpu.memref_slice %arg4[%add3A, %run_scoped3A_4, %dma_start3A_78, %dma_start3A_79] : memref<32x10x8x128xi32, #tpu.memory_space<hbm>> -> memref<1x1x8x128xi32, #tpu.memory_space<hbm>>
      %dma_start3A_81 = tpu.memref_squeeze %dma_start3A_80 : memref<1x1x8x128xi32, #tpu.memory_space<hbm>> -> memref<8x128xi32, #tpu.memory_space<hbm>>
      %dma_start3A_82 = arith.constant 0 : i32
      %dma_start3A_83 = arith.constant 0 : i32
      %dma_start3A_84 = tpu.memref_slice %arg8[%run_scoped3A_5, %dma_start3A_82, %dma_start3A_83] : memref<2x8x128xi32, #tpu.memory_space<vmem>> -> memref<1x8x128xi32, #tpu.memory_space<vmem>>
      %dma_start3A_85 = tpu.memref_squeeze %dma_start3A_84 : memref<1x8x128xi32, #tpu.memory_space<vmem>> -> memref<8x128xi32, #tpu.memory_space<vmem>>
      %dma_start3A_86 = arith.constant 0 : i32
      %dma_start3A_87 = arith.constant 0 : i32
      %dma_start3A_88 = tpu.memref_slice %arg4[%add3A, %run_scoped3A_4, %dma_start3A_86, %dma_start3A_87] : memref<32x10x8x128xi32, #tpu.memory_space<hbm>> -> memref<1x1x8x128xi32, #tpu.memory_space<hbm>>
      %dma_start3A_89 = tpu.memref_squeeze %dma_start3A_88 : memref<1x1x8x128xi32, #tpu.memory_space<hbm>> -> memref<8x128xi32, #tpu.memory_space<hbm>>
      tpu.enqueue_dma source(%dma_start3A_89 : memref<8x128xi32, #tpu.memory_space<hbm>>) target(%dma_start3A_85 : memref<8x128xi32, #tpu.memory_space<vmem>>) target_semaphore(%run_scoped3A_73 : memref<!tpu.dma_semaphore, #tpu.memory_space<semaphore_mem>>)
      %dma_wait3A = arith.constant 0 : i32
      %dma_wait3A_90 = arith.constant 0 : i32
      %dma_wait3A_91 = tpu.memref_slice %arg8[%run_scoped3A_5, %dma_wait3A, %dma_wait3A_90] : memref<2x8x128xi32, #tpu.memory_space<vmem>> -> memref<1x8x128xi32, #tpu.memory_space<vmem>>
      %dma_wait3A_92 = tpu.memref_squeeze %dma_wait3A_91 : memref<1x8x128xi32, #tpu.memory_space<vmem>> -> memref<8x128xi32, #tpu.memory_space<vmem>>
      %dma_wait3A_93 = arith.constant 0 : i32
      %dma_wait3A_94 = arith.constant 0 : i32
      %dma_wait3A_95 = tpu.memref_slice %arg4[%add3A, %run_scoped3A_4, %dma_wait3A_93, %dma_wait3A_94] : memref<32x10x8x128xi32, #tpu.memory_space<hbm>> -> memref<1x1x8x128xi32, #tpu.memory_space<hbm>>
      %dma_wait3A_96 = tpu.memref_squeeze %dma_wait3A_95 : memref<1x1x8x128xi32, #tpu.memory_space<hbm>> -> memref<8x128xi32, #tpu.memory_space<hbm>>
      %dma_wait3A_97 = arith.constant 0 : i32
      %dma_wait3A_98 = arith.constant 0 : i32
      %dma_wait3A_99 = tpu.memref_slice %arg8[%run_scoped3A_5, %dma_wait3A_97, %dma_wait3A_98] : memref<2x8x128xi32, #tpu.memory_space<vmem>> -> memref<1x8x128xi32, #tpu.memory_space<vmem>>
      %dma_wait3A_100 = tpu.memref_squeeze %dma_wait3A_99 : memref<1x8x128xi32, #tpu.memory_space<vmem>> -> memref<8x128xi32, #tpu.memory_space<vmem>>
      %dma_wait3A_101 = arith.constant 0 : i32
      %dma_wait3A_102 = arith.constant 0 : i32
      %dma_wait3A_103 = tpu.memref_slice %arg4[%add3A, %run_scoped3A_4, %dma_wait3A_101, %dma_wait3A_102] : memref<32x10x8x128xi32, #tpu.memory_space<hbm>> -> memref<1x1x8x128xi32, #tpu.memory_space<hbm>>
      %dma_wait3A_104 = tpu.memref_squeeze %dma_wait3A_103 : memref<1x1x8x128xi32, #tpu.memory_space<hbm>> -> memref<8x128xi32, #tpu.memory_space<hbm>>
      tpu.wait_dma2 semaphore(%run_scoped3A_73 : memref<!tpu.dma_semaphore, #tpu.memory_space<semaphore_mem>>) src(%dma_wait3A_104 : memref<8x128xi32, #tpu.memory_space<hbm>>) dst(%dma_wait3A_100 : memref<8x128xi32, #tpu.memory_space<vmem>>)
      tpu.yield
    }) : () -> ()
    %dma_start3A = arith.constant 1 : i32
    %dma_start3A_6 = arith.constant 1 : i32
    %dma_start3A_7 = arith.constant 0 : i32
    %dma_start3A_8 = arith.constant 0 : i32
    %dma_start3A_9 = tpu.memref_slice %arg7[%dma_start3A_6, %dma_start3A_7, %dma_start3A_8] : memref<2x8x128xi32, #tpu.memory_space<vmem>> -> memref<1x8x128xi32, #tpu.memory_space<vmem>>
    %dma_start3A_10 = tpu.memref_squeeze %dma_start3A_9 : memref<1x8x128xi32, #tpu.memory_space<vmem>> -> memref<8x128xi32, #tpu.memory_space<vmem>>
    %dma_start3A_11 = arith.constant 0 : i32
    %dma_start3A_12 = arith.constant 0 : i32
    %dma_start3A_13 = tpu.memref_slice %arg3[%add3A, %dma_start3A, %dma_start3A_11, %dma_start3A_12] : memref<32x10x8x128xi32, #tpu.memory_space<hbm>> -> memref<1x1x8x128xi32, #tpu.memory_space<hbm>>
    %dma_start3A_14 = tpu.memref_squeeze %dma_start3A_13 : memref<1x1x8x128xi32, #tpu.memory_space<hbm>> -> memref<8x128xi32, #tpu.memory_space<hbm>>
    %dma_start3A_15 = arith.constant 0 : i32
    %dma_start3A_16 = arith.constant 0 : i32
    %dma_start3A_17 = tpu.memref_slice %arg7[%dma_start3A_6, %dma_start3A_15, %dma_start3A_16] : memref<2x8x128xi32, #tpu.memory_space<vmem>> -> memref<1x8x128xi32, #tpu.memory_space<vmem>>
    %dma_start3A_18 = tpu.memref_squeeze %dma_start3A_17 : memref<1x8x128xi32, #tpu.memory_space<vmem>> -> memref<8x128xi32, #tpu.memory_space<vmem>>
    %dma_start3A_19 = arith.constant 0 : i32
    %dma_start3A_20 = arith.constant 0 : i32
    %dma_start3A_21 = tpu.memref_slice %arg3[%add3A, %dma_start3A, %dma_start3A_19, %dma_start3A_20] : memref<32x10x8x128xi32, #tpu.memory_space<hbm>> -> memref<1x1x8x128xi32, #tpu.memory_space<hbm>>
    %dma_start3A_22 = tpu.memref_squeeze %dma_start3A_21 : memref<1x1x8x128xi32, #tpu.memory_space<hbm>> -> memref<8x128xi32, #tpu.memory_space<hbm>>
    tpu.enqueue_dma source(%dma_start3A_22 : memref<8x128xi32, #tpu.memory_space<hbm>>) target(%dma_start3A_18 : memref<8x128xi32, #tpu.memory_space<vmem>>) target_semaphore(%arg14 : memref<!tpu.dma_semaphore, #tpu.memory_space<semaphore_mem>>)
    %dma_start3A_23 = arith.constant 1 : i32
    %dma_start3A_24 = arith.constant 1 : i32
    %dma_start3A_25 = arith.constant 0 : i32
    %dma_start3A_26 = arith.constant 0 : i32
    %dma_start3A_27 = tpu.memref_slice %arg8[%dma_start3A_24, %dma_start3A_25, %dma_start3A_26] : memref<2x8x128xi32, #tpu.memory_space<vmem>> -> memref<1x8x128xi32, #tpu.memory_space<vmem>>
    %dma_start3A_28 = tpu.memref_squeeze %dma_start3A_27 : memref<1x8x128xi32, #tpu.memory_space<vmem>> -> memref<8x128xi32, #tpu.memory_space<vmem>>
    %dma_start3A_29 = arith.constant 0 : i32
    %dma_start3A_30 = arith.constant 0 : i32
    %dma_start3A_31 = tpu.memref_slice %arg4[%add3A, %dma_start3A_23, %dma_start3A_29, %dma_start3A_30] : memref<32x10x8x128xi32, #tpu.memory_space<hbm>> -> memref<1x1x8x128xi32, #tpu.memory_space<hbm>>
    %dma_start3A_32 = tpu.memref_squeeze %dma_start3A_31 : memref<1x1x8x128xi32, #tpu.memory_space<hbm>> -> memref<8x128xi32, #tpu.memory_space<hbm>>
    %dma_start3A_33 = arith.constant 0 : i32
    %dma_start3A_34 = arith.constant 0 : i32
    %dma_start3A_35 = tpu.memref_slice %arg8[%dma_start3A_24, %dma_start3A_33, %dma_start3A_34] : memref<2x8x128xi32, #tpu.memory_space<vmem>> -> memref<1x8x128xi32, #tpu.memory_space<vmem>>
    %dma_start3A_36 = tpu.memref_squeeze %dma_start3A_35 : memref<1x8x128xi32, #tpu.memory_space<vmem>> -> memref<8x128xi32, #tpu.memory_space<vmem>>
    %dma_start3A_37 = arith.constant 0 : i32
    %dma_start3A_38 = arith.constant 0 : i32
    %dma_start3A_39 = tpu.memref_slice %arg4[%add3A, %dma_start3A_23, %dma_start3A_37, %dma_start3A_38] : memref<32x10x8x128xi32, #tpu.memory_space<hbm>> -> memref<1x1x8x128xi32, #tpu.memory_space<hbm>>
    %dma_start3A_40 = tpu.memref_squeeze %dma_start3A_39 : memref<1x1x8x128xi32, #tpu.memory_space<hbm>> -> memref<8x128xi32, #tpu.memory_space<hbm>>
    tpu.enqueue_dma source(%dma_start3A_40 : memref<8x128xi32, #tpu.memory_space<hbm>>) target(%dma_start3A_36 : memref<8x128xi32, #tpu.memory_space<vmem>>) target_semaphore(%arg14 : memref<!tpu.dma_semaphore, #tpu.memory_space<semaphore_mem>>)
    %barrier3A = arith.constant 0 : index
    tpu.barrier barrier_id(%barrier3A)
    %dma_start3A_41 = arith.constant 0 : i32
    %dma_start3A_42 = arith.constant 0 : i32
    %dma_start3A_43 = arith.constant 0 : i32
    %dma_start3A_44 = arith.constant 0 : i32
    %dma_start3A_45 = tpu.memref_slice %arg9[%dma_start3A_43, %dma_start3A_44] : memref<128x128xf32, #tpu.memory_space<vmem>> -> memref<128x128xf32, #tpu.memory_space<vmem>>
    %dma_start3A_46 = arith.constant 0 : i32
    %dma_start3A_47 = tpu.memref_slice %arg7[%dma_start3A_41, %dma_start3A_42, %dma_start3A_46] : memref<2x8x128xi32, #tpu.memory_space<vmem>> -> memref<1x1x128xi32, #tpu.memory_space<vmem>>
    %dma_start3A_48 = tpu.memref_squeeze %dma_start3A_47 : memref<1x1x128xi32, #tpu.memory_space<vmem>> -> memref<128xi32, #tpu.memory_space<vmem>>
    %dma_start3A_49 = arith.constant 0 : i32
    %dma_start3A_50 = arith.constant 0 : i32
    %dma_start3A_51 = tpu.memref_slice %arg2[%dma_start3A_49, %dma_start3A_50] : memref<10112x128xf32, #tpu.memory_space<hbm>> -> memref<10112x128xf32, #tpu.memory_space<hbm>>
    tpu.enqueue_indirect_dma source(%dma_start3A_51 : memref<10112x128xf32, #tpu.memory_space<hbm>>) target(%dma_start3A_45 : memref<128x128xf32, #tpu.memory_space<vmem>>) offsets(%dma_start3A_48 : memref<128xi32, #tpu.memory_space<vmem>>) semaphore(%arg12 : memref<!tpu.dma_semaphore, #tpu.memory_space<semaphore_mem>>)
    %dma_start3A_52 = arith.constant 0 : i32
    %dma_start3A_53 = arith.constant 1 : i32
    %dma_start3A_54 = arith.constant 0 : i32
    %dma_start3A_55 = arith.constant 0 : i32
    %dma_start3A_56 = tpu.memref_slice %arg10[%dma_start3A_54, %dma_start3A_55] : memref<128x128xf32, #tpu.memory_space<vmem>> -> memref<128x128xf32, #tpu.memory_space<vmem>>
    %dma_start3A_57 = arith.constant 0 : i32
    %dma_start3A_58 = tpu.memref_slice %arg7[%dma_start3A_52, %dma_start3A_53, %dma_start3A_57] : memref<2x8x128xi32, #tpu.memory_space<vmem>> -> memref<1x1x128xi32, #tpu.memory_space<vmem>>
    %dma_start3A_59 = tpu.memref_squeeze %dma_start3A_58 : memref<1x1x128xi32, #tpu.memory_space<vmem>> -> memref<128xi32, #tpu.memory_space<vmem>>
    %dma_start3A_60 = arith.constant 0 : i32
    %dma_start3A_61 = arith.constant 0 : i32
    %dma_start3A_62 = tpu.memref_slice %arg2[%dma_start3A_60, %dma_start3A_61] : memref<10112x128xf32, #tpu.memory_space<hbm>> -> memref<10112x128xf32, #tpu.memory_space<hbm>>
    tpu.enqueue_indirect_dma source(%dma_start3A_62 : memref<10112x128xf32, #tpu.memory_space<hbm>>) target(%dma_start3A_56 : memref<128x128xf32, #tpu.memory_space<vmem>>) offsets(%dma_start3A_59 : memref<128xi32, #tpu.memory_space<vmem>>) semaphore(%arg13 : memref<!tpu.dma_semaphore, #tpu.memory_space<semaphore_mem>>)
    %scan3A = arith.constant 0 : i32
    %scan3A_63 = arith.constant 0 : i32
    %scan3A_64 = arith.constant 10 : i32
    %scan3A_65 = arith.addi %scan3A_63, %scan3A_64 : i32
    %scan3A_66 = arith.constant 1 : i32
    scf.for %scan3A_73 = %scan3A_63 to %scan3A_65 step %scan3A_66  : i32 {
      %jit3A = arith.constant 2 : i32
      %eq3A = arith.constant 0 : i32
      %eq3A_74 = arith.cmpi eq, %jit3A, %eq3A : i32
      %jit3A_75 = arith.constant 1 : i32
      %select_n3A = arith.select %eq3A_74, %jit3A_75, %jit3A : i32
      %rem3A = arith.remsi %scan3A_73, %select_n3A : i32
      %ne3A = arith.constant 0 : i32
      %ne3A_76 = arith.cmpi ne, %rem3A, %ne3A : i32
      %lt3A = arith.constant 0 : i32
      %lt3A_77 = arith.cmpi slt, %rem3A, %lt3A : i32
      %lt3A_78 = arith.constant 0 : i32
      %lt3A_79 = arith.cmpi slt, %select_n3A, %lt3A_78 : i32
      %ne3A_80 = arith.xori %lt3A_77, %lt3A_79 : i1
      %and3A = arith.andi %ne3A_80, %ne3A_76 : i1
      %add3A_81 = arith.addi %rem3A, %select_n3A : i32
      %select_n3A_82 = arith.select %and3A, %add3A_81, %rem3A : i32
      %sub3A = arith.constant 1 : i32
      %sub3A_83 = arith.subi %sub3A, %select_n3A_82 : i32
      %dma_wait3A = arith.constant 0 : i32
      %dma_wait3A_84 = arith.constant 0 : i32
      %dma_wait3A_85 = tpu.memref_slice %arg5[%dma_wait3A, %dma_wait3A_84] : memref<632x128xf32, #tpu.memory_space<hbm>> -> memref<128x128xf32, #tpu.memory_space<hbm>>
      %dma_wait3A_86 = arith.constant 0 : i32
      %dma_wait3A_87 = arith.constant 0 : i32
      %dma_wait3A_88 = tpu.memref_slice %arg5[%dma_wait3A_86, %dma_wait3A_87] : memref<632x128xf32, #tpu.memory_space<hbm>> -> memref<128x128xf32, #tpu.memory_space<hbm>>
      tpu.wait_dma2 semaphore(%arg12 : memref<!tpu.dma_semaphore, #tpu.memory_space<semaphore_mem>>) src(%dma_wait3A_88 : memref<128x128xf32, #tpu.memory_space<hbm>>) dst(%arg9 : memref<128x128xf32, #tpu.memory_space<vmem>>)
      %run_scoped3A_89 = arith.constant 0 : i32
      "tpu.region"() ({
        %run_scoped3A_225 = tpu.sem_alloc : memref<!tpu.dma_semaphore, #tpu.memory_space<semaphore_mem>>
        %dma_start3A_226 = arith.constant 0 : i32
        %dma_start3A_227 = tpu.memref_slice %arg8[%select_n3A_82, %run_scoped3A_89, %dma_start3A_226] : memref<2x8x128xi32, #tpu.memory_space<vmem>> -> memref<1x1x128xi32, #tpu.memory_space<vmem>>
        %dma_start3A_228 = tpu.memref_squeeze %dma_start3A_227 : memref<1x1x128xi32, #tpu.memory_space<vmem>> -> memref<128xi32, #tpu.memory_space<vmem>>
        %dma_start3A_229 = arith.constant 0 : i32
        %dma_start3A_230 = arith.constant 0 : i32
        %dma_start3A_231 = tpu.memref_slice %arg11[%dma_start3A_229, %dma_start3A_230] : memref<10112x128xf32, #tpu.memory_space<vmem_shared>> -> memref<10112x128xf32, #tpu.memory_space<vmem_shared>>
        tpu.enqueue_indirect_dma source(%arg9 : memref<128x128xf32, #tpu.memory_space<vmem>>) target(%dma_start3A_231 : memref<10112x128xf32, #tpu.memory_space<vmem_shared>>) offsets(%dma_start3A_228 : memref<128xi32, #tpu.memory_space<vmem>>) semaphore(%run_scoped3A_225 : memref<!tpu.dma_semaphore, #tpu.memory_space<semaphore_mem>>) {add = true}
        %dma_wait3A_232 = arith.constant 0 : i32
        %dma_wait3A_233 = tpu.memref_slice %arg8[%select_n3A_82, %run_scoped3A_89, %dma_wait3A_232] : memref<2x8x128xi32, #tpu.memory_space<vmem>> -> memref<1x1x128xi32, #tpu.memory_space<vmem>>
        %dma_wait3A_234 = tpu.memref_squeeze %dma_wait3A_233 : memref<1x1x128xi32, #tpu.memory_space<vmem>> -> memref<128xi32, #tpu.memory_space<vmem>>
        %dma_wait3A_235 = arith.constant 0 : i32
        %dma_wait3A_236 = arith.constant 0 : i32
        %dma_wait3A_237 = tpu.memref_slice %arg11[%dma_wait3A_235, %dma_wait3A_236] : memref<10112x128xf32, #tpu.memory_space<vmem_shared>> -> memref<10112x128xf32, #tpu.memory_space<vmem_shared>>
        tpu.wait_indirect_dma semaphore(%run_scoped3A_225 : memref<!tpu.dma_semaphore, #tpu.memory_space<semaphore_mem>>) src(%arg9 : memref<128x128xf32, #tpu.memory_space<vmem>>) dst(%dma_wait3A_237 : memref<10112x128xf32, #tpu.memory_space<vmem_shared>>)
        tpu.yield
      }) : () -> ()
      %dma_start3A_90 = arith.constant 2 : i32
      %dma_start3A_91 = arith.constant 0 : i32
      %dma_start3A_92 = arith.constant 0 : i32
      %dma_start3A_93 = tpu.memref_slice %arg9[%dma_start3A_91, %dma_start3A_92] : memref<128x128xf32, #tpu.memory_space<vmem>> -> memref<128x128xf32, #tpu.memory_space<vmem>>
      %dma_start3A_94 = arith.constant 0 : i32
      %dma_start3A_95 = tpu.memref_slice %arg7[%select_n3A_82, %dma_start3A_90, %dma_start3A_94] : memref<2x8x128xi32, #tpu.memory_space<vmem>> -> memref<1x1x128xi32, #tpu.memory_space<vmem>>
      %dma_start3A_96 = tpu.memref_squeeze %dma_start3A_95 : memref<1x1x128xi32, #tpu.memory_space<vmem>> -> memref<128xi32, #tpu.memory_space<vmem>>
      %dma_start3A_97 = arith.constant 0 : i32
      %dma_start3A_98 = arith.constant 0 : i32
      %dma_start3A_99 = tpu.memref_slice %arg2[%dma_start3A_97, %dma_start3A_98] : memref<10112x128xf32, #tpu.memory_space<hbm>> -> memref<10112x128xf32, #tpu.memory_space<hbm>>
      tpu.enqueue_indirect_dma source(%dma_start3A_99 : memref<10112x128xf32, #tpu.memory_space<hbm>>) target(%dma_start3A_93 : memref<128x128xf32, #tpu.memory_space<vmem>>) offsets(%dma_start3A_96 : memref<128xi32, #tpu.memory_space<vmem>>) semaphore(%arg12 : memref<!tpu.dma_semaphore, #tpu.memory_space<semaphore_mem>>)
      %dma_wait3A_100 = arith.constant 0 : i32
      %dma_wait3A_101 = arith.constant 0 : i32
      %dma_wait3A_102 = tpu.memref_slice %arg5[%dma_wait3A_100, %dma_wait3A_101] : memref<632x128xf32, #tpu.memory_space<hbm>> -> memref<128x128xf32, #tpu.memory_space<hbm>>
      %dma_wait3A_103 = arith.constant 0 : i32
      %dma_wait3A_104 = arith.constant 0 : i32
      %dma_wait3A_105 = tpu.memref_slice %arg5[%dma_wait3A_103, %dma_wait3A_104] : memref<632x128xf32, #tpu.memory_space<hbm>> -> memref<128x128xf32, #tpu.memory_space<hbm>>
      tpu.wait_dma2 semaphore(%arg13 : memref<!tpu.dma_semaphore, #tpu.memory_space<semaphore_mem>>) src(%dma_wait3A_105 : memref<128x128xf32, #tpu.memory_space<hbm>>) dst(%arg10 : memref<128x128xf32, #tpu.memory_space<vmem>>)
      %run_scoped3A_106 = arith.constant 1 : i32
      "tpu.region"() ({
        %run_scoped3A_225 = tpu.sem_alloc : memref<!tpu.dma_semaphore, #tpu.memory_space<semaphore_mem>>
        %dma_start3A_226 = arith.constant 0 : i32
        %dma_start3A_227 = tpu.memref_slice %arg8[%select_n3A_82, %run_scoped3A_106, %dma_start3A_226] : memref<2x8x128xi32, #tpu.memory_space<vmem>> -> memref<1x1x128xi32, #tpu.memory_space<vmem>>
        %dma_start3A_228 = tpu.memref_squeeze %dma_start3A_227 : memref<1x1x128xi32, #tpu.memory_space<vmem>> -> memref<128xi32, #tpu.memory_space<vmem>>
        %dma_start3A_229 = arith.constant 0 : i32
        %dma_start3A_230 = arith.constant 0 : i32
        %dma_start3A_231 = tpu.memref_slice %arg11[%dma_start3A_229, %dma_start3A_230] : memref<10112x128xf32, #tpu.memory_space<vmem_shared>> -> memref<10112x128xf32, #tpu.memory_space<vmem_shared>>
        tpu.enqueue_indirect_dma source(%arg10 : memref<128x128xf32, #tpu.memory_space<vmem>>) target(%dma_start3A_231 : memref<10112x128xf32, #tpu.memory_space<vmem_shared>>) offsets(%dma_start3A_228 : memref<128xi32, #tpu.memory_space<vmem>>) semaphore(%run_scoped3A_225 : memref<!tpu.dma_semaphore, #tpu.memory_space<semaphore_mem>>) {add = true}
        %dma_wait3A_232 = arith.constant 0 : i32
        %dma_wait3A_233 = tpu.memref_slice %arg8[%select_n3A_82, %run_scoped3A_106, %dma_wait3A_232] : memref<2x8x128xi32, #tpu.memory_space<vmem>> -> memref<1x1x128xi32, #tpu.memory_space<vmem>>
        %dma_wait3A_234 = tpu.memref_squeeze %dma_wait3A_233 : memref<1x1x128xi32, #tpu.memory_space<vmem>> -> memref<128xi32, #tpu.memory_space<vmem>>
        %dma_wait3A_235 = arith.constant 0 : i32
        %dma_wait3A_236 = arith.constant 0 : i32
        %dma_wait3A_237 = tpu.memref_slice %arg11[%dma_wait3A_235, %dma_wait3A_236] : memref<10112x128xf32, #tpu.memory_space<vmem_shared>> -> memref<10112x128xf32, #tpu.memory_space<vmem_shared>>
        tpu.wait_indirect_dma semaphore(%run_scoped3A_225 : memref<!tpu.dma_semaphore, #tpu.memory_space<semaphore_mem>>) src(%arg10 : memref<128x128xf32, #tpu.memory_space<vmem>>) dst(%dma_wait3A_237 : memref<10112x128xf32, #tpu.memory_space<vmem_shared>>)
        tpu.yield
      }) : () -> ()
      %dma_start3A_107 = arith.constant 3 : i32
      %dma_start3A_108 = arith.constant 0 : i32
      %dma_start3A_109 = arith.constant 0 : i32
      %dma_start3A_110 = tpu.memref_slice %arg10[%dma_start3A_108, %dma_start3A_109] : memref<128x128xf32, #tpu.memory_space<vmem>> -> memref<128x128xf32, #tpu.memory_space<vmem>>
      %dma_start3A_111 = arith.constant 0 : i32
      %dma_start3A_112 = tpu.memref_slice %arg7[%select_n3A_82, %dma_start3A_107, %dma_start3A_111] : memref<2x8x128xi32, #tpu.memory_space<vmem>> -> memref<1x1x128xi32, #tpu.memory_space<vmem>>
      %dma_start3A_113 = tpu.memref_squeeze %dma_start3A_112 : memref<1x1x128xi32, #tpu.memory_space<vmem>> -> memref<128xi32, #tpu.memory_space<vmem>>
      %dma_start3A_114 = arith.constant 0 : i32
      %dma_start3A_115 = arith.constant 0 : i32
      %dma_start3A_116 = tpu.memref_slice %arg2[%dma_start3A_114, %dma_start3A_115] : memref<10112x128xf32, #tpu.memory_space<hbm>> -> memref<10112x128xf32, #tpu.memory_space<hbm>>
      tpu.enqueue_indirect_dma source(%dma_start3A_116 : memref<10112x128xf32, #tpu.memory_space<hbm>>) target(%dma_start3A_110 : memref<128x128xf32, #tpu.memory_space<vmem>>) offsets(%dma_start3A_113 : memref<128xi32, #tpu.memory_space<vmem>>) semaphore(%arg13 : memref<!tpu.dma_semaphore, #tpu.memory_space<semaphore_mem>>)
      %dma_wait3A_117 = arith.constant 0 : i32
      %dma_wait3A_118 = arith.constant 0 : i32
      %dma_wait3A_119 = tpu.memref_slice %arg5[%dma_wait3A_117, %dma_wait3A_118] : memref<632x128xf32, #tpu.memory_space<hbm>> -> memref<128x128xf32, #tpu.memory_space<hbm>>
      %dma_wait3A_120 = arith.constant 0 : i32
      %dma_wait3A_121 = arith.constant 0 : i32
      %dma_wait3A_122 = tpu.memref_slice %arg5[%dma_wait3A_120, %dma_wait3A_121] : memref<632x128xf32, #tpu.memory_space<hbm>> -> memref<128x128xf32, #tpu.memory_space<hbm>>
      tpu.wait_dma2 semaphore(%arg12 : memref<!tpu.dma_semaphore, #tpu.memory_space<semaphore_mem>>) src(%dma_wait3A_122 : memref<128x128xf32, #tpu.memory_space<hbm>>) dst(%arg9 : memref<128x128xf32, #tpu.memory_space<vmem>>)
      %run_scoped3A_123 = arith.constant 2 : i32
      "tpu.region"() ({
        %run_scoped3A_225 = tpu.sem_alloc : memref<!tpu.dma_semaphore, #tpu.memory_space<semaphore_mem>>
        %dma_start3A_226 = arith.constant 0 : i32
        %dma_start3A_227 = tpu.memref_slice %arg8[%select_n3A_82, %run_scoped3A_123, %dma_start3A_226] : memref<2x8x128xi32, #tpu.memory_space<vmem>> -> memref<1x1x128xi32, #tpu.memory_space<vmem>>
        %dma_start3A_228 = tpu.memref_squeeze %dma_start3A_227 : memref<1x1x128xi32, #tpu.memory_space<vmem>> -> memref<128xi32, #tpu.memory_space<vmem>>
        %dma_start3A_229 = arith.constant 0 : i32
        %dma_start3A_230 = arith.constant 0 : i32
        %dma_start3A_231 = tpu.memref_slice %arg11[%dma_start3A_229, %dma_start3A_230] : memref<10112x128xf32, #tpu.memory_space<vmem_shared>> -> memref<10112x128xf32, #tpu.memory_space<vmem_shared>>
        tpu.enqueue_indirect_dma source(%arg9 : memref<128x128xf32, #tpu.memory_space<vmem>>) target(%dma_start3A_231 : memref<10112x128xf32, #tpu.memory_space<vmem_shared>>) offsets(%dma_start3A_228 : memref<128xi32, #tpu.memory_space<vmem>>) semaphore(%run_scoped3A_225 : memref<!tpu.dma_semaphore, #tpu.memory_space<semaphore_mem>>) {add = true}
        %dma_wait3A_232 = arith.constant 0 : i32
        %dma_wait3A_233 = tpu.memref_slice %arg8[%select_n3A_82, %run_scoped3A_123, %dma_wait3A_232] : memref<2x8x128xi32, #tpu.memory_space<vmem>> -> memref<1x1x128xi32, #tpu.memory_space<vmem>>
        %dma_wait3A_234 = tpu.memref_squeeze %dma_wait3A_233 : memref<1x1x128xi32, #tpu.memory_space<vmem>> -> memref<128xi32, #tpu.memory_space<vmem>>
        %dma_wait3A_235 = arith.constant 0 : i32
        %dma_wait3A_236 = arith.constant 0 : i32
        %dma_wait3A_237 = tpu.memref_slice %arg11[%dma_wait3A_235, %dma_wait3A_236] : memref<10112x128xf32, #tpu.memory_space<vmem_shared>> -> memref<10112x128xf32, #tpu.memory_space<vmem_shared>>
        tpu.wait_indirect_dma semaphore(%run_scoped3A_225 : memref<!tpu.dma_semaphore, #tpu.memory_space<semaphore_mem>>) src(%arg9 : memref<128x128xf32, #tpu.memory_space<vmem>>) dst(%dma_wait3A_237 : memref<10112x128xf32, #tpu.memory_space<vmem_shared>>)
        tpu.yield
      }) : () -> ()
      %dma_start3A_124 = arith.constant 4 : i32
      %dma_start3A_125 = arith.constant 0 : i32
      %dma_start3A_126 = arith.constant 0 : i32
      %dma_start3A_127 = tpu.memref_slice %arg9[%dma_start3A_125, %dma_start3A_126] : memref<128x128xf32, #tpu.memory_space<vmem>> -> memref<128x128xf32, #tpu.memory_space<vmem>>
      %dma_start3A_128 = arith.constant 0 : i32
      %dma_start3A_129 = tpu.memref_slice %arg7[%select_n3A_82, %dma_start3A_124, %dma_start3A_128] : memref<2x8x128xi32, #tpu.memory_space<vmem>> -> memref<1x1x128xi32, #tpu.memory_space<vmem>>
      %dma_start3A_130 = tpu.memref_squeeze %dma_start3A_129 : memref<1x1x128xi32, #tpu.memory_space<vmem>> -> memref<128xi32, #tpu.memory_space<vmem>>
      %dma_start3A_131 = arith.constant 0 : i32
      %dma_start3A_132 = arith.constant 0 : i32
      %dma_start3A_133 = tpu.memref_slice %arg2[%dma_start3A_131, %dma_start3A_132] : memref<10112x128xf32, #tpu.memory_space<hbm>> -> memref<10112x128xf32, #tpu.memory_space<hbm>>
      tpu.enqueue_indirect_dma source(%dma_start3A_133 : memref<10112x128xf32, #tpu.memory_space<hbm>>) target(%dma_start3A_127 : memref<128x128xf32, #tpu.memory_space<vmem>>) offsets(%dma_start3A_130 : memref<128xi32, #tpu.memory_space<vmem>>) semaphore(%arg12 : memref<!tpu.dma_semaphore, #tpu.memory_space<semaphore_mem>>)
      %dma_wait3A_134 = arith.constant 0 : i32
      %dma_wait3A_135 = arith.constant 0 : i32
      %dma_wait3A_136 = tpu.memref_slice %arg5[%dma_wait3A_134, %dma_wait3A_135] : memref<632x128xf32, #tpu.memory_space<hbm>> -> memref<128x128xf32, #tpu.memory_space<hbm>>
      %dma_wait3A_137 = arith.constant 0 : i32
      %dma_wait3A_138 = arith.constant 0 : i32
      %dma_wait3A_139 = tpu.memref_slice %arg5[%dma_wait3A_137, %dma_wait3A_138] : memref<632x128xf32, #tpu.memory_space<hbm>> -> memref<128x128xf32, #tpu.memory_space<hbm>>
      tpu.wait_dma2 semaphore(%arg13 : memref<!tpu.dma_semaphore, #tpu.memory_space<semaphore_mem>>) src(%dma_wait3A_139 : memref<128x128xf32, #tpu.memory_space<hbm>>) dst(%arg10 : memref<128x128xf32, #tpu.memory_space<vmem>>)
      %run_scoped3A_140 = arith.constant 3 : i32
      "tpu.region"() ({
        %run_scoped3A_225 = tpu.sem_alloc : memref<!tpu.dma_semaphore, #tpu.memory_space<semaphore_mem>>
        %dma_start3A_226 = arith.constant 0 : i32
        %dma_start3A_227 = tpu.memref_slice %arg8[%select_n3A_82, %run_scoped3A_140, %dma_start3A_226] : memref<2x8x128xi32, #tpu.memory_space<vmem>> -> memref<1x1x128xi32, #tpu.memory_space<vmem>>
        %dma_start3A_228 = tpu.memref_squeeze %dma_start3A_227 : memref<1x1x128xi32, #tpu.memory_space<vmem>> -> memref<128xi32, #tpu.memory_space<vmem>>
        %dma_start3A_229 = arith.constant 0 : i32
        %dma_start3A_230 = arith.constant 0 : i32
        %dma_start3A_231 = tpu.memref_slice %arg11[%dma_start3A_229, %dma_start3A_230] : memref<10112x128xf32, #tpu.memory_space<vmem_shared>> -> memref<10112x128xf32, #tpu.memory_space<vmem_shared>>
        tpu.enqueue_indirect_dma source(%arg10 : memref<128x128xf32, #tpu.memory_space<vmem>>) target(%dma_start3A_231 : memref<10112x128xf32, #tpu.memory_space<vmem_shared>>) offsets(%dma_start3A_228 : memref<128xi32, #tpu.memory_space<vmem>>) semaphore(%run_scoped3A_225 : memref<!tpu.dma_semaphore, #tpu.memory_space<semaphore_mem>>) {add = true}
        %dma_wait3A_232 = arith.constant 0 : i32
        %dma_wait3A_233 = tpu.memref_slice %arg8[%select_n3A_82, %run_scoped3A_140, %dma_wait3A_232] : memref<2x8x128xi32, #tpu.memory_space<vmem>> -> memref<1x1x128xi32, #tpu.memory_space<vmem>>
        %dma_wait3A_234 = tpu.memref_squeeze %dma_wait3A_233 : memref<1x1x128xi32, #tpu.memory_space<vmem>> -> memref<128xi32, #tpu.memory_space<vmem>>
        %dma_wait3A_235 = arith.constant 0 : i32
        %dma_wait3A_236 = arith.constant 0 : i32
        %dma_wait3A_237 = tpu.memref_slice %arg11[%dma_wait3A_235, %dma_wait3A_236] : memref<10112x128xf32, #tpu.memory_space<vmem_shared>> -> memref<10112x128xf32, #tpu.memory_space<vmem_shared>>
        tpu.wait_indirect_dma semaphore(%run_scoped3A_225 : memref<!tpu.dma_semaphore, #tpu.memory_space<semaphore_mem>>) src(%arg10 : memref<128x128xf32, #tpu.memory_space<vmem>>) dst(%dma_wait3A_237 : memref<10112x128xf32, #tpu.memory_space<vmem_shared>>)
        tpu.yield
      }) : () -> ()
      %dma_start3A_141 = arith.constant 5 : i32
      %dma_start3A_142 = arith.constant 0 : i32
      %dma_start3A_143 = arith.constant 0 : i32
      %dma_start3A_144 = tpu.memref_slice %arg10[%dma_start3A_142, %dma_start3A_143] : memref<128x128xf32, #tpu.memory_space<vmem>> -> memref<128x128xf32, #tpu.memory_space<vmem>>
      %dma_start3A_145 = arith.constant 0 : i32
      %dma_start3A_146 = tpu.memref_slice %arg7[%select_n3A_82, %dma_start3A_141, %dma_start3A_145] : memref<2x8x128xi32, #tpu.memory_space<vmem>> -> memref<1x1x128xi32, #tpu.memory_space<vmem>>
      %dma_start3A_147 = tpu.memref_squeeze %dma_start3A_146 : memref<1x1x128xi32, #tpu.memory_space<vmem>> -> memref<128xi32, #tpu.memory_space<vmem>>
      %dma_start3A_148 = arith.constant 0 : i32
      %dma_start3A_149 = arith.constant 0 : i32
      %dma_start3A_150 = tpu.memref_slice %arg2[%dma_start3A_148, %dma_start3A_149] : memref<10112x128xf32, #tpu.memory_space<hbm>> -> memref<10112x128xf32, #tpu.memory_space<hbm>>
      tpu.enqueue_indirect_dma source(%dma_start3A_150 : memref<10112x128xf32, #tpu.memory_space<hbm>>) target(%dma_start3A_144 : memref<128x128xf32, #tpu.memory_space<vmem>>) offsets(%dma_start3A_147 : memref<128xi32, #tpu.memory_space<vmem>>) semaphore(%arg13 : memref<!tpu.dma_semaphore, #tpu.memory_space<semaphore_mem>>)
      %dma_wait3A_151 = arith.constant 0 : i32
      %dma_wait3A_152 = arith.constant 0 : i32
      %dma_wait3A_153 = tpu.memref_slice %arg5[%dma_wait3A_151, %dma_wait3A_152] : memref<632x128xf32, #tpu.memory_space<hbm>> -> memref<128x128xf32, #tpu.memory_space<hbm>>
      %dma_wait3A_154 = arith.constant 0 : i32
      %dma_wait3A_155 = arith.constant 0 : i32
      %dma_wait3A_156 = tpu.memref_slice %arg5[%dma_wait3A_154, %dma_wait3A_155] : memref<632x128xf32, #tpu.memory_space<hbm>> -> memref<128x128xf32, #tpu.memory_space<hbm>>
      tpu.wait_dma2 semaphore(%arg12 : memref<!tpu.dma_semaphore, #tpu.memory_space<semaphore_mem>>) src(%dma_wait3A_156 : memref<128x128xf32, #tpu.memory_space<hbm>>) dst(%arg9 : memref<128x128xf32, #tpu.memory_space<vmem>>)
      %run_scoped3A_157 = arith.constant 4 : i32
      "tpu.region"() ({
        %run_scoped3A_225 = tpu.sem_alloc : memref<!tpu.dma_semaphore, #tpu.memory_space<semaphore_mem>>
        %dma_start3A_226 = arith.constant 0 : i32
        %dma_start3A_227 = tpu.memref_slice %arg8[%select_n3A_82, %run_scoped3A_157, %dma_start3A_226] : memref<2x8x128xi32, #tpu.memory_space<vmem>> -> memref<1x1x128xi32, #tpu.memory_space<vmem>>
        %dma_start3A_228 = tpu.memref_squeeze %dma_start3A_227 : memref<1x1x128xi32, #tpu.memory_space<vmem>> -> memref<128xi32, #tpu.memory_space<vmem>>
        %dma_start3A_229 = arith.constant 0 : i32
        %dma_start3A_230 = arith.constant 0 : i32
        %dma_start3A_231 = tpu.memref_slice %arg11[%dma_start3A_229, %dma_start3A_230] : memref<10112x128xf32, #tpu.memory_space<vmem_shared>> -> memref<10112x128xf32, #tpu.memory_space<vmem_shared>>
        tpu.enqueue_indirect_dma source(%arg9 : memref<128x128xf32, #tpu.memory_space<vmem>>) target(%dma_start3A_231 : memref<10112x128xf32, #tpu.memory_space<vmem_shared>>) offsets(%dma_start3A_228 : memref<128xi32, #tpu.memory_space<vmem>>) semaphore(%run_scoped3A_225 : memref<!tpu.dma_semaphore, #tpu.memory_space<semaphore_mem>>) {add = true}
        %dma_wait3A_232 = arith.constant 0 : i32
        %dma_wait3A_233 = tpu.memref_slice %arg8[%select_n3A_82, %run_scoped3A_157, %dma_wait3A_232] : memref<2x8x128xi32, #tpu.memory_space<vmem>> -> memref<1x1x128xi32, #tpu.memory_space<vmem>>
        %dma_wait3A_234 = tpu.memref_squeeze %dma_wait3A_233 : memref<1x1x128xi32, #tpu.memory_space<vmem>> -> memref<128xi32, #tpu.memory_space<vmem>>
        %dma_wait3A_235 = arith.constant 0 : i32
        %dma_wait3A_236 = arith.constant 0 : i32
        %dma_wait3A_237 = tpu.memref_slice %arg11[%dma_wait3A_235, %dma_wait3A_236] : memref<10112x128xf32, #tpu.memory_space<vmem_shared>> -> memref<10112x128xf32, #tpu.memory_space<vmem_shared>>
        tpu.wait_indirect_dma semaphore(%run_scoped3A_225 : memref<!tpu.dma_semaphore, #tpu.memory_space<semaphore_mem>>) src(%arg9 : memref<128x128xf32, #tpu.memory_space<vmem>>) dst(%dma_wait3A_237 : memref<10112x128xf32, #tpu.memory_space<vmem_shared>>)
        tpu.yield
      }) : () -> ()
      %dma_start3A_158 = arith.constant 6 : i32
      %dma_start3A_159 = arith.constant 0 : i32
      %dma_start3A_160 = arith.constant 0 : i32
      %dma_start3A_161 = tpu.memref_slice %arg9[%dma_start3A_159, %dma_start3A_160] : memref<128x128xf32, #tpu.memory_space<vmem>> -> memref<128x128xf32, #tpu.memory_space<vmem>>
      %dma_start3A_162 = arith.constant 0 : i32
      %dma_start3A_163 = tpu.memref_slice %arg7[%select_n3A_82, %dma_start3A_158, %dma_start3A_162] : memref<2x8x128xi32, #tpu.memory_space<vmem>> -> memref<1x1x128xi32, #tpu.memory_space<vmem>>
      %dma_start3A_164 = tpu.memref_squeeze %dma_start3A_163 : memref<1x1x128xi32, #tpu.memory_space<vmem>> -> memref<128xi32, #tpu.memory_space<vmem>>
      %dma_start3A_165 = arith.constant 0 : i32
      %dma_start3A_166 = arith.constant 0 : i32
      %dma_start3A_167 = tpu.memref_slice %arg2[%dma_start3A_165, %dma_start3A_166] : memref<10112x128xf32, #tpu.memory_space<hbm>> -> memref<10112x128xf32, #tpu.memory_space<hbm>>
      tpu.enqueue_indirect_dma source(%dma_start3A_167 : memref<10112x128xf32, #tpu.memory_space<hbm>>) target(%dma_start3A_161 : memref<128x128xf32, #tpu.memory_space<vmem>>) offsets(%dma_start3A_164 : memref<128xi32, #tpu.memory_space<vmem>>) semaphore(%arg12 : memref<!tpu.dma_semaphore, #tpu.memory_space<semaphore_mem>>)
      %dma_wait3A_168 = arith.constant 0 : i32
      %dma_wait3A_169 = arith.constant 0 : i32
      %dma_wait3A_170 = tpu.memref_slice %arg5[%dma_wait3A_168, %dma_wait3A_169] : memref<632x128xf32, #tpu.memory_space<hbm>> -> memref<128x128xf32, #tpu.memory_space<hbm>>
      %dma_wait3A_171 = arith.constant 0 : i32
      %dma_wait3A_172 = arith.constant 0 : i32
      %dma_wait3A_173 = tpu.memref_slice %arg5[%dma_wait3A_171, %dma_wait3A_172] : memref<632x128xf32, #tpu.memory_space<hbm>> -> memref<128x128xf32, #tpu.memory_space<hbm>>
      tpu.wait_dma2 semaphore(%arg13 : memref<!tpu.dma_semaphore, #tpu.memory_space<semaphore_mem>>) src(%dma_wait3A_173 : memref<128x128xf32, #tpu.memory_space<hbm>>) dst(%arg10 : memref<128x128xf32, #tpu.memory_space<vmem>>)
      %run_scoped3A_174 = arith.constant 5 : i32
      "tpu.region"() ({
        %run_scoped3A_225 = tpu.sem_alloc : memref<!tpu.dma_semaphore, #tpu.memory_space<semaphore_mem>>
        %dma_start3A_226 = arith.constant 0 : i32
        %dma_start3A_227 = tpu.memref_slice %arg8[%select_n3A_82, %run_scoped3A_174, %dma_start3A_226] : memref<2x8x128xi32, #tpu.memory_space<vmem>> -> memref<1x1x128xi32, #tpu.memory_space<vmem>>
        %dma_start3A_228 = tpu.memref_squeeze %dma_start3A_227 : memref<1x1x128xi32, #tpu.memory_space<vmem>> -> memref<128xi32, #tpu.memory_space<vmem>>
        %dma_start3A_229 = arith.constant 0 : i32
        %dma_start3A_230 = arith.constant 0 : i32
        %dma_start3A_231 = tpu.memref_slice %arg11[%dma_start3A_229, %dma_start3A_230] : memref<10112x128xf32, #tpu.memory_space<vmem_shared>> -> memref<10112x128xf32, #tpu.memory_space<vmem_shared>>
        tpu.enqueue_indirect_dma source(%arg10 : memref<128x128xf32, #tpu.memory_space<vmem>>) target(%dma_start3A_231 : memref<10112x128xf32, #tpu.memory_space<vmem_shared>>) offsets(%dma_start3A_228 : memref<128xi32, #tpu.memory_space<vmem>>) semaphore(%run_scoped3A_225 : memref<!tpu.dma_semaphore, #tpu.memory_space<semaphore_mem>>) {add = true}
        %dma_wait3A_232 = arith.constant 0 : i32
        %dma_wait3A_233 = tpu.memref_slice %arg8[%select_n3A_82, %run_scoped3A_174, %dma_wait3A_232] : memref<2x8x128xi32, #tpu.memory_space<vmem>> -> memref<1x1x128xi32, #tpu.memory_space<vmem>>
        %dma_wait3A_234 = tpu.memref_squeeze %dma_wait3A_233 : memref<1x1x128xi32, #tpu.memory_space<vmem>> -> memref<128xi32, #tpu.memory_space<vmem>>
        %dma_wait3A_235 = arith.constant 0 : i32
        %dma_wait3A_236 = arith.constant 0 : i32
        %dma_wait3A_237 = tpu.memref_slice %arg11[%dma_wait3A_235, %dma_wait3A_236] : memref<10112x128xf32, #tpu.memory_space<vmem_shared>> -> memref<10112x128xf32, #tpu.memory_space<vmem_shared>>
        tpu.wait_indirect_dma semaphore(%run_scoped3A_225 : memref<!tpu.dma_semaphore, #tpu.memory_space<semaphore_mem>>) src(%arg10 : memref<128x128xf32, #tpu.memory_space<vmem>>) dst(%dma_wait3A_237 : memref<10112x128xf32, #tpu.memory_space<vmem_shared>>)
        tpu.yield
      }) : () -> ()
      %dma_start3A_175 = arith.constant 7 : i32
      %dma_start3A_176 = arith.constant 0 : i32
      %dma_start3A_177 = arith.constant 0 : i32
      %dma_start3A_178 = tpu.memref_slice %arg10[%dma_start3A_176, %dma_start3A_177] : memref<128x128xf32, #tpu.memory_space<vmem>> -> memref<128x128xf32, #tpu.memory_space<vmem>>
      %dma_start3A_179 = arith.constant 0 : i32
      %dma_start3A_180 = tpu.memref_slice %arg7[%select_n3A_82, %dma_start3A_175, %dma_start3A_179] : memref<2x8x128xi32, #tpu.memory_space<vmem>> -> memref<1x1x128xi32, #tpu.memory_space<vmem>>
      %dma_start3A_181 = tpu.memref_squeeze %dma_start3A_180 : memref<1x1x128xi32, #tpu.memory_space<vmem>> -> memref<128xi32, #tpu.memory_space<vmem>>
      %dma_start3A_182 = arith.constant 0 : i32
      %dma_start3A_183 = arith.constant 0 : i32
      %dma_start3A_184 = tpu.memref_slice %arg2[%dma_start3A_182, %dma_start3A_183] : memref<10112x128xf32, #tpu.memory_space<hbm>> -> memref<10112x128xf32, #tpu.memory_space<hbm>>
      tpu.enqueue_indirect_dma source(%dma_start3A_184 : memref<10112x128xf32, #tpu.memory_space<hbm>>) target(%dma_start3A_178 : memref<128x128xf32, #tpu.memory_space<vmem>>) offsets(%dma_start3A_181 : memref<128xi32, #tpu.memory_space<vmem>>) semaphore(%arg13 : memref<!tpu.dma_semaphore, #tpu.memory_space<semaphore_mem>>)
      %dma_wait3A_185 = arith.constant 0 : i32
      %dma_wait3A_186 = arith.constant 0 : i32
      %dma_wait3A_187 = tpu.memref_slice %arg5[%dma_wait3A_185, %dma_wait3A_186] : memref<632x128xf32, #tpu.memory_space<hbm>> -> memref<128x128xf32, #tpu.memory_space<hbm>>
      %dma_wait3A_188 = arith.constant 0 : i32
      %dma_wait3A_189 = arith.constant 0 : i32
      %dma_wait3A_190 = tpu.memref_slice %arg5[%dma_wait3A_188, %dma_wait3A_189] : memref<632x128xf32, #tpu.memory_space<hbm>> -> memref<128x128xf32, #tpu.memory_space<hbm>>
      tpu.wait_dma2 semaphore(%arg12 : memref<!tpu.dma_semaphore, #tpu.memory_space<semaphore_mem>>) src(%dma_wait3A_190 : memref<128x128xf32, #tpu.memory_space<hbm>>) dst(%arg9 : memref<128x128xf32, #tpu.memory_space<vmem>>)
      %run_scoped3A_191 = arith.constant 6 : i32
      "tpu.region"() ({
        %run_scoped3A_225 = tpu.sem_alloc : memref<!tpu.dma_semaphore, #tpu.memory_space<semaphore_mem>>
        %dma_start3A_226 = arith.constant 0 : i32
        %dma_start3A_227 = tpu.memref_slice %arg8[%select_n3A_82, %run_scoped3A_191, %dma_start3A_226] : memref<2x8x128xi32, #tpu.memory_space<vmem>> -> memref<1x1x128xi32, #tpu.memory_space<vmem>>
        %dma_start3A_228 = tpu.memref_squeeze %dma_start3A_227 : memref<1x1x128xi32, #tpu.memory_space<vmem>> -> memref<128xi32, #tpu.memory_space<vmem>>
        %dma_start3A_229 = arith.constant 0 : i32
        %dma_start3A_230 = arith.constant 0 : i32
        %dma_start3A_231 = tpu.memref_slice %arg11[%dma_start3A_229, %dma_start3A_230] : memref<10112x128xf32, #tpu.memory_space<vmem_shared>> -> memref<10112x128xf32, #tpu.memory_space<vmem_shared>>
        tpu.enqueue_indirect_dma source(%arg9 : memref<128x128xf32, #tpu.memory_space<vmem>>) target(%dma_start3A_231 : memref<10112x128xf32, #tpu.memory_space<vmem_shared>>) offsets(%dma_start3A_228 : memref<128xi32, #tpu.memory_space<vmem>>) semaphore(%run_scoped3A_225 : memref<!tpu.dma_semaphore, #tpu.memory_space<semaphore_mem>>) {add = true}
        %dma_wait3A_232 = arith.constant 0 : i32
        %dma_wait3A_233 = tpu.memref_slice %arg8[%select_n3A_82, %run_scoped3A_191, %dma_wait3A_232] : memref<2x8x128xi32, #tpu.memory_space<vmem>> -> memref<1x1x128xi32, #tpu.memory_space<vmem>>
        %dma_wait3A_234 = tpu.memref_squeeze %dma_wait3A_233 : memref<1x1x128xi32, #tpu.memory_space<vmem>> -> memref<128xi32, #tpu.memory_space<vmem>>
        %dma_wait3A_235 = arith.constant 0 : i32
        %dma_wait3A_236 = arith.constant 0 : i32
        %dma_wait3A_237 = tpu.memref_slice %arg11[%dma_wait3A_235, %dma_wait3A_236] : memref<10112x128xf32, #tpu.memory_space<vmem_shared>> -> memref<10112x128xf32, #tpu.memory_space<vmem_shared>>
        tpu.wait_indirect_dma semaphore(%run_scoped3A_225 : memref<!tpu.dma_semaphore, #tpu.memory_space<semaphore_mem>>) src(%arg9 : memref<128x128xf32, #tpu.memory_space<vmem>>) dst(%dma_wait3A_237 : memref<10112x128xf32, #tpu.memory_space<vmem_shared>>)
        tpu.yield
      }) : () -> ()
      %add3A_192 = arith.constant 1 : i32
      %add3A_193 = arith.addi %scan3A_73, %add3A_192 : i32
      %lt3A_194 = arith.constant 10 : i32
      %lt3A_195 = arith.cmpi slt, %add3A_193, %lt3A_194 : i32
      %convert_element_type3A = arith.extui %lt3A_195 : i1 to i32
      %cond3A = arith.constant 0 : i32
      %cond3A_196 = arith.cmpi ne, %convert_element_type3A, %cond3A : i32
      scf.if %cond3A_196 {
        %dma_wait3A_225 = arith.constant 0 : i32
        %dma_wait3A_226 = arith.constant 0 : i32
        %dma_wait3A_227 = arith.constant 0 : i32
        %dma_wait3A_228 = tpu.memref_slice %arg7[%sub3A_83, %dma_wait3A_226, %dma_wait3A_227] : memref<2x8x128xi32, #tpu.memory_space<vmem>> -> memref<1x8x128xi32, #tpu.memory_space<vmem>>
        %dma_wait3A_229 = tpu.memref_squeeze %dma_wait3A_228 : memref<1x8x128xi32, #tpu.memory_space<vmem>> -> memref<8x128xi32, #tpu.memory_space<vmem>>
        %dma_wait3A_230 = arith.constant 0 : i32
        %dma_wait3A_231 = arith.constant 0 : i32
        %dma_wait3A_232 = tpu.memref_slice %arg3[%add3A, %dma_wait3A_225, %dma_wait3A_230, %dma_wait3A_231] : memref<32x10x8x128xi32, #tpu.memory_space<hbm>> -> memref<1x1x8x128xi32, #tpu.memory_space<hbm>>
        %dma_wait3A_233 = tpu.memref_squeeze %dma_wait3A_232 : memref<1x1x8x128xi32, #tpu.memory_space<hbm>> -> memref<8x128xi32, #tpu.memory_space<hbm>>
        %dma_wait3A_234 = arith.constant 0 : i32
        %dma_wait3A_235 = arith.constant 0 : i32
        %dma_wait3A_236 = tpu.memref_slice %arg7[%sub3A_83, %dma_wait3A_234, %dma_wait3A_235] : memref<2x8x128xi32, #tpu.memory_space<vmem>> -> memref<1x8x128xi32, #tpu.memory_space<vmem>>
        %dma_wait3A_237 = tpu.memref_squeeze %dma_wait3A_236 : memref<1x8x128xi32, #tpu.memory_space<vmem>> -> memref<8x128xi32, #tpu.memory_space<vmem>>
        %dma_wait3A_238 = arith.constant 0 : i32
        %dma_wait3A_239 = arith.constant 0 : i32
        %dma_wait3A_240 = tpu.memref_slice %arg3[%add3A, %dma_wait3A_225, %dma_wait3A_238, %dma_wait3A_239] : memref<32x10x8x128xi32, #tpu.memory_space<hbm>> -> memref<1x1x8x128xi32, #tpu.memory_space<hbm>>
        %dma_wait3A_241 = tpu.memref_squeeze %dma_wait3A_240 : memref<1x1x8x128xi32, #tpu.memory_space<hbm>> -> memref<8x128xi32, #tpu.memory_space<hbm>>
        tpu.wait_dma2 semaphore(%arg14 : memref<!tpu.dma_semaphore, #tpu.memory_space<semaphore_mem>>) src(%dma_wait3A_241 : memref<8x128xi32, #tpu.memory_space<hbm>>) dst(%dma_wait3A_237 : memref<8x128xi32, #tpu.memory_space<vmem>>)
        %dma_wait3A_242 = arith.constant 0 : i32
        %dma_wait3A_243 = arith.constant 0 : i32
        %dma_wait3A_244 = arith.constant 0 : i32
        %dma_wait3A_245 = tpu.memref_slice %arg8[%sub3A_83, %dma_wait3A_243, %dma_wait3A_244] : memref<2x8x128xi32, #tpu.memory_space<vmem>> -> memref<1x8x128xi32, #tpu.memory_space<vmem>>
        %dma_wait3A_246 = tpu.memref_squeeze %dma_wait3A_245 : memref<1x8x128xi32, #tpu.memory_space<vmem>> -> memref<8x128xi32, #tpu.memory_space<vmem>>
        %dma_wait3A_247 = arith.constant 0 : i32
        %dma_wait3A_248 = arith.constant 0 : i32
        %dma_wait3A_249 = tpu.memref_slice %arg4[%add3A, %dma_wait3A_242, %dma_wait3A_247, %dma_wait3A_248] : memref<32x10x8x128xi32, #tpu.memory_space<hbm>> -> memref<1x1x8x128xi32, #tpu.memory_space<hbm>>
        %dma_wait3A_250 = tpu.memref_squeeze %dma_wait3A_249 : memref<1x1x8x128xi32, #tpu.memory_space<hbm>> -> memref<8x128xi32, #tpu.memory_space<hbm>>
        %dma_wait3A_251 = arith.constant 0 : i32
        %dma_wait3A_252 = arith.constant 0 : i32
        %dma_wait3A_253 = tpu.memref_slice %arg8[%sub3A_83, %dma_wait3A_251, %dma_wait3A_252] : memref<2x8x128xi32, #tpu.memory_space<vmem>> -> memref<1x8x128xi32, #tpu.memory_space<vmem>>
        %dma_wait3A_254 = tpu.memref_squeeze %dma_wait3A_253 : memref<1x8x128xi32, #tpu.memory_space<vmem>> -> memref<8x128xi32, #tpu.memory_space<vmem>>
        %dma_wait3A_255 = arith.constant 0 : i32
        %dma_wait3A_256 = arith.constant 0 : i32
        %dma_wait3A_257 = tpu.memref_slice %arg4[%add3A, %dma_wait3A_242, %dma_wait3A_255, %dma_wait3A_256] : memref<32x10x8x128xi32, #tpu.memory_space<hbm>> -> memref<1x1x8x128xi32, #tpu.memory_space<hbm>>
        %dma_wait3A_258 = tpu.memref_squeeze %dma_wait3A_257 : memref<1x1x8x128xi32, #tpu.memory_space<hbm>> -> memref<8x128xi32, #tpu.memory_space<hbm>>
        tpu.wait_dma2 semaphore(%arg14 : memref<!tpu.dma_semaphore, #tpu.memory_space<semaphore_mem>>) src(%dma_wait3A_258 : memref<8x128xi32, #tpu.memory_space<hbm>>) dst(%dma_wait3A_254 : memref<8x128xi32, #tpu.memory_space<vmem>>)
      } else {
      }
      %add3A_197 = arith.constant 1 : i32
      %add3A_198 = arith.addi %scan3A_73, %add3A_197 : i32
      %lt3A_199 = arith.constant 10 : i32
      %lt3A_200 = arith.cmpi slt, %add3A_198, %lt3A_199 : i32
      %convert_element_type3A_201 = arith.extui %lt3A_200 : i1 to i32
      %cond3A_202 = arith.constant 0 : i32
      %cond3A_203 = arith.cmpi ne, %convert_element_type3A_201, %cond3A_202 : i32
      scf.if %cond3A_203 {
        %dma_start3A_225 = arith.constant 0 : i32
        %dma_start3A_226 = arith.constant 0 : i32
        %dma_start3A_227 = arith.constant 0 : i32
        %dma_start3A_228 = tpu.memref_slice %arg9[%dma_start3A_226, %dma_start3A_227] : memref<128x128xf32, #tpu.memory_space<vmem>> -> memref<128x128xf32, #tpu.memory_space<vmem>>
        %dma_start3A_229 = arith.constant 0 : i32
        %dma_start3A_230 = tpu.memref_slice %arg7[%sub3A_83, %dma_start3A_225, %dma_start3A_229] : memref<2x8x128xi32, #tpu.memory_space<vmem>> -> memref<1x1x128xi32, #tpu.memory_space<vmem>>
        %dma_start3A_231 = tpu.memref_squeeze %dma_start3A_230 : memref<1x1x128xi32, #tpu.memory_space<vmem>> -> memref<128xi32, #tpu.memory_space<vmem>>
        %dma_start3A_232 = arith.constant 0 : i32
        %dma_start3A_233 = arith.constant 0 : i32
        %dma_start3A_234 = tpu.memref_slice %arg2[%dma_start3A_232, %dma_start3A_233] : memref<10112x128xf32, #tpu.memory_space<hbm>> -> memref<10112x128xf32, #tpu.memory_space<hbm>>
        tpu.enqueue_indirect_dma source(%dma_start3A_234 : memref<10112x128xf32, #tpu.memory_space<hbm>>) target(%dma_start3A_228 : memref<128x128xf32, #tpu.memory_space<vmem>>) offsets(%dma_start3A_231 : memref<128xi32, #tpu.memory_space<vmem>>) semaphore(%arg12 : memref<!tpu.dma_semaphore, #tpu.memory_space<semaphore_mem>>)
      } else {
      }
      %dma_wait3A_204 = arith.constant 0 : i32
      %dma_wait3A_205 = arith.constant 0 : i32
      %dma_wait3A_206 = tpu.memref_slice %arg5[%dma_wait3A_204, %dma_wait3A_205] : memref<632x128xf32, #tpu.memory_space<hbm>> -> memref<128x128xf32, #tpu.memory_space<hbm>>
      %dma_wait3A_207 = arith.constant 0 : i32
      %dma_wait3A_208 = arith.constant 0 : i32
      %dma_wait3A_209 = tpu.memref_slice %arg5[%dma_wait3A_207, %dma_wait3A_208] : memref<632x128xf32, #tpu.memory_space<hbm>> -> memref<128x128xf32, #tpu.memory_space<hbm>>
      tpu.wait_dma2 semaphore(%arg13 : memref<!tpu.dma_semaphore, #tpu.memory_space<semaphore_mem>>) src(%dma_wait3A_209 : memref<128x128xf32, #tpu.memory_space<hbm>>) dst(%arg10 : memref<128x128xf32, #tpu.memory_space<vmem>>)
      %run_scoped3A_210 = arith.constant 7 : i32
      "tpu.region"() ({
        %run_scoped3A_225 = tpu.sem_alloc : memref<!tpu.dma_semaphore, #tpu.memory_space<semaphore_mem>>
        %dma_start3A_226 = arith.constant 0 : i32
        %dma_start3A_227 = tpu.memref_slice %arg8[%select_n3A_82, %run_scoped3A_210, %dma_start3A_226] : memref<2x8x128xi32, #tpu.memory_space<vmem>> -> memref<1x1x128xi32, #tpu.memory_space<vmem>>
        %dma_start3A_228 = tpu.memref_squeeze %dma_start3A_227 : memref<1x1x128xi32, #tpu.memory_space<vmem>> -> memref<128xi32, #tpu.memory_space<vmem>>
        %dma_start3A_229 = arith.constant 0 : i32
        %dma_start3A_230 = arith.constant 0 : i32
        %dma_start3A_231 = tpu.memref_slice %arg11[%dma_start3A_229, %dma_start3A_230] : memref<10112x128xf32, #tpu.memory_space<vmem_shared>> -> memref<10112x128xf32, #tpu.memory_space<vmem_shared>>
        tpu.enqueue_indirect_dma source(%arg10 : memref<128x128xf32, #tpu.memory_space<vmem>>) target(%dma_start3A_231 : memref<10112x128xf32, #tpu.memory_space<vmem_shared>>) offsets(%dma_start3A_228 : memref<128xi32, #tpu.memory_space<vmem>>) semaphore(%run_scoped3A_225 : memref<!tpu.dma_semaphore, #tpu.memory_space<semaphore_mem>>) {add = true}
        %dma_wait3A_232 = arith.constant 0 : i32
        %dma_wait3A_233 = tpu.memref_slice %arg8[%select_n3A_82, %run_scoped3A_210, %dma_wait3A_232] : memref<2x8x128xi32, #tpu.memory_space<vmem>> -> memref<1x1x128xi32, #tpu.memory_space<vmem>>
        %dma_wait3A_234 = tpu.memref_squeeze %dma_wait3A_233 : memref<1x1x128xi32, #tpu.memory_space<vmem>> -> memref<128xi32, #tpu.memory_space<vmem>>
        %dma_wait3A_235 = arith.constant 0 : i32
        %dma_wait3A_236 = arith.constant 0 : i32
        %dma_wait3A_237 = tpu.memref_slice %arg11[%dma_wait3A_235, %dma_wait3A_236] : memref<10112x128xf32, #tpu.memory_space<vmem_shared>> -> memref<10112x128xf32, #tpu.memory_space<vmem_shared>>
        tpu.wait_indirect_dma semaphore(%run_scoped3A_225 : memref<!tpu.dma_semaphore, #tpu.memory_space<semaphore_mem>>) src(%arg10 : memref<128x128xf32, #tpu.memory_space<vmem>>) dst(%dma_wait3A_237 : memref<10112x128xf32, #tpu.memory_space<vmem_shared>>)
        tpu.yield
      }) : () -> ()
      %add3A_211 = arith.constant 1 : i32
      %add3A_212 = arith.addi %scan3A_73, %add3A_211 : i32
      %lt3A_213 = arith.constant 10 : i32
      %lt3A_214 = arith.cmpi slt, %add3A_212, %lt3A_213 : i32
      %convert_element_type3A_215 = arith.extui %lt3A_214 : i1 to i32
      %cond3A_216 = arith.constant 0 : i32
      %cond3A_217 = arith.cmpi ne, %convert_element_type3A_215, %cond3A_216 : i32
      scf.if %cond3A_217 {
        %dma_start3A_225 = arith.constant 1 : i32
        %dma_start3A_226 = arith.constant 0 : i32
        %dma_start3A_227 = arith.constant 0 : i32
        %dma_start3A_228 = tpu.memref_slice %arg10[%dma_start3A_226, %dma_start3A_227] : memref<128x128xf32, #tpu.memory_space<vmem>> -> memref<128x128xf32, #tpu.memory_space<vmem>>
        %dma_start3A_229 = arith.constant 0 : i32
        %dma_start3A_230 = tpu.memref_slice %arg7[%sub3A_83, %dma_start3A_225, %dma_start3A_229] : memref<2x8x128xi32, #tpu.memory_space<vmem>> -> memref<1x1x128xi32, #tpu.memory_space<vmem>>
        %dma_start3A_231 = tpu.memref_squeeze %dma_start3A_230 : memref<1x1x128xi32, #tpu.memory_space<vmem>> -> memref<128xi32, #tpu.memory_space<vmem>>
        %dma_start3A_232 = arith.constant 0 : i32
        %dma_start3A_233 = arith.constant 0 : i32
        %dma_start3A_234 = tpu.memref_slice %arg2[%dma_start3A_232, %dma_start3A_233] : memref<10112x128xf32, #tpu.memory_space<hbm>> -> memref<10112x128xf32, #tpu.memory_space<hbm>>
        tpu.enqueue_indirect_dma source(%dma_start3A_234 : memref<10112x128xf32, #tpu.memory_space<hbm>>) target(%dma_start3A_228 : memref<128x128xf32, #tpu.memory_space<vmem>>) offsets(%dma_start3A_231 : memref<128xi32, #tpu.memory_space<vmem>>) semaphore(%arg13 : memref<!tpu.dma_semaphore, #tpu.memory_space<semaphore_mem>>)
      } else {
      }
      %add3A_218 = arith.constant 2 : i32
      %add3A_219 = arith.addi %scan3A_73, %add3A_218 : i32
      %lt3A_220 = arith.constant 10 : i32
      %lt3A_221 = arith.cmpi slt, %add3A_219, %lt3A_220 : i32
      %convert_element_type3A_222 = arith.extui %lt3A_221 : i1 to i32
      %cond3A_223 = arith.constant 0 : i32
      %cond3A_224 = arith.cmpi ne, %convert_element_type3A_222, %cond3A_223 : i32
      scf.if %cond3A_224 {
        %add3A_225 = arith.constant 2 : i32
        %add3A_226 = arith.addi %scan3A_73, %add3A_225 : i32
        %dma_start3A_227 = arith.constant 0 : i32
        %dma_start3A_228 = arith.constant 0 : i32
        %dma_start3A_229 = tpu.memref_slice %arg7[%select_n3A_82, %dma_start3A_227, %dma_start3A_228] : memref<2x8x128xi32, #tpu.memory_space<vmem>> -> memref<1x8x128xi32, #tpu.memory_space<vmem>>
        %dma_start3A_230 = tpu.memref_squeeze %dma_start3A_229 : memref<1x8x128xi32, #tpu.memory_space<vmem>> -> memref<8x128xi32, #tpu.memory_space<vmem>>
        %dma_start3A_231 = arith.constant 0 : i32
        %dma_start3A_232 = arith.constant 0 : i32
        %dma_start3A_233 = tpu.memref_slice %arg3[%add3A, %add3A_226, %dma_start3A_231, %dma_start3A_232] : memref<32x10x8x128xi32, #tpu.memory_space<hbm>> -> memref<1x1x8x128xi32, #tpu.memory_space<hbm>>
        %dma_start3A_234 = tpu.memref_squeeze %dma_start3A_233 : memref<1x1x8x128xi32, #tpu.memory_space<hbm>> -> memref<8x128xi32, #tpu.memory_space<hbm>>
        %dma_start3A_235 = arith.constant 0 : i32
        %dma_start3A_236 = arith.constant 0 : i32
        %dma_start3A_237 = tpu.memref_slice %arg7[%select_n3A_82, %dma_start3A_235, %dma_start3A_236] : memref<2x8x128xi32, #tpu.memory_space<vmem>> -> memref<1x8x128xi32, #tpu.memory_space<vmem>>
        %dma_start3A_238 = tpu.memref_squeeze %dma_start3A_237 : memref<1x8x128xi32, #tpu.memory_space<vmem>> -> memref<8x128xi32, #tpu.memory_space<vmem>>
        %dma_start3A_239 = arith.constant 0 : i32
        %dma_start3A_240 = arith.constant 0 : i32
        %dma_start3A_241 = tpu.memref_slice %arg3[%add3A, %add3A_226, %dma_start3A_239, %dma_start3A_240] : memref<32x10x8x128xi32, #tpu.memory_space<hbm>> -> memref<1x1x8x128xi32, #tpu.memory_space<hbm>>
        %dma_start3A_242 = tpu.memref_squeeze %dma_start3A_241 : memref<1x1x8x128xi32, #tpu.memory_space<hbm>> -> memref<8x128xi32, #tpu.memory_space<hbm>>
        tpu.enqueue_dma source(%dma_start3A_242 : memref<8x128xi32, #tpu.memory_space<hbm>>) target(%dma_start3A_238 : memref<8x128xi32, #tpu.memory_space<vmem>>) target_semaphore(%arg14 : memref<!tpu.dma_semaphore, #tpu.memory_space<semaphore_mem>>)
        %add3A_243 = arith.constant 2 : i32
        %add3A_244 = arith.addi %scan3A_73, %add3A_243 : i32
        %dma_start3A_245 = arith.constant 0 : i32
        %dma_start3A_246 = arith.constant 0 : i32
        %dma_start3A_247 = tpu.memref_slice %arg8[%select_n3A_82, %dma_start3A_245, %dma_start3A_246] : memref<2x8x128xi32, #tpu.memory_space<vmem>> -> memref<1x8x128xi32, #tpu.memory_space<vmem>>
        %dma_start3A_248 = tpu.memref_squeeze %dma_start3A_247 : memref<1x8x128xi32, #tpu.memory_space<vmem>> -> memref<8x128xi32, #tpu.memory_space<vmem>>
        %dma_start3A_249 = arith.constant 0 : i32
        %dma_start3A_250 = arith.constant 0 : i32
        %dma_start3A_251 = tpu.memref_slice %arg4[%add3A, %add3A_244, %dma_start3A_249, %dma_start3A_250] : memref<32x10x8x128xi32, #tpu.memory_space<hbm>> -> memref<1x1x8x128xi32, #tpu.memory_space<hbm>>
        %dma_start3A_252 = tpu.memref_squeeze %dma_start3A_251 : memref<1x1x8x128xi32, #tpu.memory_space<hbm>> -> memref<8x128xi32, #tpu.memory_space<hbm>>
        %dma_start3A_253 = arith.constant 0 : i32
        %dma_start3A_254 = arith.constant 0 : i32
        %dma_start3A_255 = tpu.memref_slice %arg8[%select_n3A_82, %dma_start3A_253, %dma_start3A_254] : memref<2x8x128xi32, #tpu.memory_space<vmem>> -> memref<1x8x128xi32, #tpu.memory_space<vmem>>
        %dma_start3A_256 = tpu.memref_squeeze %dma_start3A_255 : memref<1x8x128xi32, #tpu.memory_space<vmem>> -> memref<8x128xi32, #tpu.memory_space<vmem>>
        %dma_start3A_257 = arith.constant 0 : i32
        %dma_start3A_258 = arith.constant 0 : i32
        %dma_start3A_259 = tpu.memref_slice %arg4[%add3A, %add3A_244, %dma_start3A_257, %dma_start3A_258] : memref<32x10x8x128xi32, #tpu.memory_space<hbm>> -> memref<1x1x8x128xi32, #tpu.memory_space<hbm>>
        %dma_start3A_260 = tpu.memref_squeeze %dma_start3A_259 : memref<1x1x8x128xi32, #tpu.memory_space<hbm>> -> memref<8x128xi32, #tpu.memory_space<hbm>>
        tpu.enqueue_dma source(%dma_start3A_260 : memref<8x128xi32, #tpu.memory_space<hbm>>) target(%dma_start3A_256 : memref<8x128xi32, #tpu.memory_space<vmem>>) target_semaphore(%arg14 : memref<!tpu.dma_semaphore, #tpu.memory_space<semaphore_mem>>)
      } else {
      }
    }
    %scan3A_67 = arith.constant 10 : i32
    %barrier3A_68 = arith.constant 0 : index
    tpu.barrier barrier_id(%barrier3A_68)
    %mul3A_69 = arith.constant 632 : i32
    %mul3A_70 = arith.muli %arg1, %mul3A_69 : i32
    %mul3A_71 = arith.constant 632 : i32
    %mul3A_72 = arith.muli %arg1, %mul3A_71 : i32
    "tpu.region"() ({
      %run_scoped3A_73 = tpu.sem_alloc : memref<!tpu.dma_semaphore, #tpu.memory_space<semaphore_mem>>
      %dma_start3A_74 = arith.constant 0 : i32
      %dma_start3A_75 = tpu.memref_slice %arg6[%arg0, %mul3A_72, %dma_start3A_74] : memref<2x10112x128xf32, #tpu.memory_space<hbm>> -> memref<1x632x128xf32, #tpu.memory_space<hbm>>
      %dma_start3A_76 = tpu.memref_squeeze %dma_start3A_75 : memref<1x632x128xf32, #tpu.memory_space<hbm>> -> memref<632x128xf32, #tpu.memory_space<hbm>>
      %dma_start3A_77 = arith.constant 0 : i32
      %dma_start3A_78 = tpu.memref_slice %arg11[%mul3A_70, %dma_start3A_77] : memref<10112x128xf32, #tpu.memory_space<vmem_shared>> -> memref<632x128xf32, #tpu.memory_space<vmem_shared>>
      tpu.enqueue_dma source(%dma_start3A_78 : memref<632x128xf32, #tpu.memory_space<vmem_shared>>) target(%dma_start3A_76 : memref<632x128xf32, #tpu.memory_space<hbm>>) target_semaphore(%run_scoped3A_73 : memref<!tpu.dma_semaphore, #tpu.memory_space<semaphore_mem>>)
      %dma_wait3A = arith.constant 0 : i32
      %dma_wait3A_79 = tpu.memref_slice %arg6[%arg0, %mul3A_72, %dma_wait3A] : memref<2x10112x128xf32, #tpu.memory_space<hbm>> -> memref<1x632x128xf32, #tpu.memory_space<hbm>>
      %dma_wait3A_80 = tpu.memref_squeeze %dma_wait3A_79 : memref<1x632x128xf32, #tpu.memory_space<hbm>> -> memref<632x128xf32, #tpu.memory_space<hbm>>
      %dma_wait3A_81 = arith.constant 0 : i32
      %dma_wait3A_82 = tpu.memref_slice %arg11[%mul3A_70, %dma_wait3A_81] : memref<10112x128xf32, #tpu.memory_space<vmem_shared>> -> memref<632x128xf32, #tpu.memory_space<vmem_shared>>
      tpu.wait_dma2 semaphore(%run_scoped3A_73 : memref<!tpu.dma_semaphore, #tpu.memory_space<semaphore_mem>>) src(%dma_wait3A_82 : memref<632x128xf32, #tpu.memory_space<vmem_shared>>) dst(%dma_wait3A_80 : memref<632x128xf32, #tpu.memory_space<hbm>>)
      tpu.yield
    }) : () -> ()
    return
  }
}

module attributes {stable_mosaic.version = 14 : i64} {
  func.func @_mm_scale_body(%arg0: i32, %arg1: memref<1264x128xf32, #tpu.memory_space<vmem>>, %arg2: memref<128x128xf32, #tpu.memory_space<vmem>>, %arg3: memref<2x1264x128xf32, #tpu.memory_space<vmem>>, %arg4: memref<1264x128xf32, #tpu.memory_space<vmem>>) attributes {dimension_semantics = [#tpu.dimension_semantics<arbitrary>], iteration_bounds = array<i64: 8>, scalar_prefetch = 0 : i64, scratch_operands = 0 : i64, tpu.core_type = #tpu.core_type<tc>, window_params = [{transform_indices = @transform_0, window_bounds = array<i64: 1264, 128>}, {pipeline_mode = #tpu.pipeline_mode<synchronous>, transform_indices = @transform_1, window_bounds = array<i64: 128, 128>}, {transform_indices = @transform_2, window_bounds = array<i64: 2, 1264, 128>}, {transform_indices = @transform_3, window_bounds = array<i64: 1264, 128>}]} {
    %get3A = arith.constant 0 : index
    %get3A_0 = arith.constant 0 : index
    %get3A_1 = vector.load %arg1[%get3A, %get3A_0] : memref<1264x128xf32, #tpu.memory_space<vmem>>, vector<1264x128xf32>
    %get3A_2 = arith.constant 0 : index
    %get3A_3 = arith.constant 0 : index
    %get3A_4 = vector.load %arg2[%get3A_2, %get3A_3] : memref<128x128xf32, #tpu.memory_space<vmem>>, vector<128x128xf32>
    %dot_general3A = arith.constant dense<0.000000e+00> : vector<1264x128xf32>
    %dot_general3A_5 = tpu.matmul %get3A_1, %get3A_4, %dot_general3A {dimension_numbers = #tpu.dot_dimension_numbers<[1], [0], [0], [1], [0, 0, 1, 1], [], []>, transpose_lhs_hint = false} : vector<1264x128xf32>, vector<128x128xf32>, vector<1264x128xf32> -> vector<1264x128xf32>
    %get3A_6 = arith.constant 0 : index
    %get3A_7 = arith.constant 0 : index
    %get3A_8 = arith.constant 0 : index
    %get3A_9 = vector.load %arg3[%get3A_6, %get3A_7, %get3A_8] : memref<2x1264x128xf32, #tpu.memory_space<vmem>>, vector<1x1264x1xf32>
    %get3A_10 = vector.shape_cast %get3A_9 : vector<1x1264x1xf32> to vector<1264x1xf32>
    %get3A_11 = arith.constant 1 : index
    %get3A_12 = arith.constant 0 : index
    %get3A_13 = arith.constant 0 : index
    %get3A_14 = vector.load %arg3[%get3A_11, %get3A_12, %get3A_13] : memref<2x1264x128xf32, #tpu.memory_space<vmem>>, vector<1x1264x1xf32>
    %get3A_15 = vector.shape_cast %get3A_14 : vector<1x1264x1xf32> to vector<1264x1xf32>
    %add3A = arith.addf %get3A_10, %get3A_15 : vector<1264x1xf32>
    %add3A_16 = arith.constant 1.000000e+00 : f32
    %add3A_17 = vector.broadcast %add3A_16 : f32 to vector<1264x1xf32>
    %add3A_18 = arith.addf %add3A, %add3A_17 : vector<1264x1xf32>
    %rsqrt3A = math.rsqrt %add3A_18 : vector<1264x1xf32>
    %mul3A = vector.broadcast %rsqrt3A : vector<1264x1xf32> to vector<1264x128xf32>
    %mul3A_19 = arith.mulf %dot_general3A_5, %mul3A : vector<1264x128xf32>
    %swap3A = arith.constant 0 : index
    %swap3A_20 = arith.constant 0 : index
    %swap3A_21 = vector.load %arg4[%swap3A, %swap3A_20] : memref<1264x128xf32, #tpu.memory_space<vmem>>, vector<1264x128xf32>
    tpu.vector_store %arg4[%swap3A, %swap3A_20], %mul3A_19 {strides = array<i32>} : memref<1264x128xf32, #tpu.memory_space<vmem>>, vector<1264x128xf32>,
    return
  }
  func.func @transform_0(%arg0: i32) -> (i32, i32) {
    %c0_i32 = arith.constant 0 : i32
    %c0_i32_0 = arith.constant 0 : i32
    return %arg0, %c0_i32 : i32, i32
  }
  func.func @transform_1(%arg0: i32) -> (i32, i32) {
    %c0_i32 = arith.constant 0 : i32
    %c0_i32_0 = arith.constant 0 : i32
    %c0_i32_1 = arith.constant 0 : i32
    return %c0_i32, %c0_i32_0 : i32, i32
  }
  func.func @transform_2(%arg0: i32) -> (i32, i32, i32) {
    %c0_i32 = arith.constant 0 : i32
    %c0_i32_0 = arith.constant 0 : i32
    %c0_i32_1 = arith.constant 0 : i32
    return %c0_i32, %arg0, %c0_i32_0 : i32, i32, i32
  }
  func.func @transform_3(%arg0: i32) -> (i32, i32) {
    %c0_i32 = arith.constant 0 : i32
    %c0_i32_0 = arith.constant 0 : i32
    return %arg0, %c0_i32 : i32, i32
  }
}

module attributes {stable_mosaic.version = 14 : i64} {
  func.func @_combine_mm_body(%arg0: i32, %arg1: memref<2x1264x128xf32, #tpu.memory_space<vmem>>, %arg2: memref<1264x128xf32, #tpu.memory_space<vmem>>, %arg3: memref<2x1264x128xf32, #tpu.memory_space<vmem>>, %arg4: memref<1x128xf32, #tpu.memory_space<vmem>>, %arg5: memref<128x128xf32, #tpu.memory_space<vmem>>, %arg6: memref<1264x128xf32, #tpu.memory_space<vmem>>) attributes {dimension_semantics = [#tpu.dimension_semantics<arbitrary>], iteration_bounds = array<i64: 8>, scalar_prefetch = 0 : i64, scratch_operands = 0 : i64, tpu.core_type = #tpu.core_type<tc>, window_params = [{transform_indices = @transform_0, window_bounds = array<i64: 2, 1264, 128>}, {transform_indices = @transform_1, window_bounds = array<i64: 1264, 128>}, {transform_indices = @transform_2, window_bounds = array<i64: 2, 1264, 128>}, {pipeline_mode = #tpu.pipeline_mode<synchronous>, transform_indices = @transform_3, window_bounds = array<i64: 1, 128>}, {pipeline_mode = #tpu.pipeline_mode<synchronous>, transform_indices = @transform_4, window_bounds = array<i64: 128, 128>}, {transform_indices = @transform_5, window_bounds = array<i64: 1264, 128>}]} {
    %get3A = arith.constant 0 : index
    %get3A_0 = arith.constant 0 : index
    %get3A_1 = arith.constant 0 : index
    %get3A_2 = vector.load %arg3[%get3A, %get3A_0, %get3A_1] : memref<2x1264x128xf32, #tpu.memory_space<vmem>>, vector<1x1264x1xf32>
    %get3A_3 = vector.shape_cast %get3A_2 : vector<1x1264x1xf32> to vector<1264x1xf32>
    %get3A_4 = arith.constant 1 : index
    %get3A_5 = arith.constant 0 : index
    %get3A_6 = arith.constant 0 : index
    %get3A_7 = vector.load %arg3[%get3A_4, %get3A_5, %get3A_6] : memref<2x1264x128xf32, #tpu.memory_space<vmem>>, vector<1x1264x1xf32>
    %get3A_8 = vector.shape_cast %get3A_7 : vector<1x1264x1xf32> to vector<1264x1xf32>
    %add3A = arith.addf %get3A_3, %get3A_8 : vector<1264x1xf32>
    %add3A_9 = arith.constant 1.000000e+00 : f32
    %add3A_10 = vector.broadcast %add3A_9 : f32 to vector<1264x1xf32>
    %add3A_11 = arith.addf %add3A, %add3A_10 : vector<1264x1xf32>
    %rsqrt3A = math.rsqrt %add3A_11 : vector<1264x1xf32>
    %get3A_12 = arith.constant 0 : index
    %get3A_13 = arith.constant 0 : index
    %get3A_14 = arith.constant 0 : index
    %get3A_15 = vector.load %arg1[%get3A_12, %get3A_13, %get3A_14] : memref<2x1264x128xf32, #tpu.memory_space<vmem>>, vector<1x1264x128xf32>
    %get3A_16 = vector.shape_cast %get3A_15 : vector<1x1264x128xf32> to vector<1264x128xf32>
    %get3A_17 = arith.constant 1 : index
    %get3A_18 = arith.constant 0 : index
    %get3A_19 = arith.constant 0 : index
    %get3A_20 = vector.load %arg1[%get3A_17, %get3A_18, %get3A_19] : memref<2x1264x128xf32, #tpu.memory_space<vmem>>, vector<1x1264x128xf32>
    %get3A_21 = vector.shape_cast %get3A_20 : vector<1x1264x128xf32> to vector<1264x128xf32>
    %add3A_22 = arith.addf %get3A_16, %get3A_21 : vector<1264x128xf32>
    %get3A_23 = arith.constant 0 : index
    %get3A_24 = arith.constant 0 : index
    %get3A_25 = vector.load %arg2[%get3A_23, %get3A_24] : memref<1264x128xf32, #tpu.memory_space<vmem>>, vector<1264x128xf32>
    %add3A_26 = arith.addf %add3A_22, %get3A_25 : vector<1264x128xf32>
    %mul3A = vector.broadcast %rsqrt3A : vector<1264x1xf32> to vector<1264x128xf32>
    %mul3A_27 = arith.mulf %add3A_26, %mul3A : vector<1264x128xf32>
    %get3A_28 = arith.constant 0 : index
    %get3A_29 = arith.constant 0 : index
    %get3A_30 = vector.load %arg4[%get3A_28, %get3A_29] : memref<1x128xf32, #tpu.memory_space<vmem>>, vector<1x128xf32>
    %add3A_31 = vector.broadcast %get3A_30 : vector<1x128xf32> to vector<1264x128xf32>
    %add3A_32 = arith.addf %mul3A_27, %add3A_31 : vector<1264x128xf32>
    %max3A = arith.constant 0.000000e+00 : f32
    %max3A_33 = vector.broadcast %max3A : f32 to vector<1264x128xf32>
    %max3A_34 = arith.maximumf %add3A_32, %max3A_33 : vector<1264x128xf32>
    %get3A_35 = arith.constant 0 : index
    %get3A_36 = arith.constant 0 : index
    %get3A_37 = vector.load %arg5[%get3A_35, %get3A_36] : memref<128x128xf32, #tpu.memory_space<vmem>>, vector<128x128xf32>
    %dot_general3A = arith.constant dense<0.000000e+00> : vector<1264x128xf32>
    %dot_general3A_38 = tpu.matmul %max3A_34, %get3A_37, %dot_general3A {dimension_numbers = #tpu.dot_dimension_numbers<[1], [0], [0], [1], [0, 0, 1, 1], [], []>, transpose_lhs_hint = false} : vector<1264x128xf32>, vector<128x128xf32>, vector<1264x128xf32> -> vector<1264x128xf32>
    %mul3A_39 = vector.broadcast %rsqrt3A : vector<1264x1xf32> to vector<1264x128xf32>
    %mul3A_40 = arith.mulf %dot_general3A_38, %mul3A_39 : vector<1264x128xf32>
    %swap3A = arith.constant 0 : index
    %swap3A_41 = arith.constant 0 : index
    %swap3A_42 = vector.load %arg6[%swap3A, %swap3A_41] : memref<1264x128xf32, #tpu.memory_space<vmem>>, vector<1264x128xf32>
    tpu.vector_store %arg6[%swap3A, %swap3A_41], %mul3A_40 {strides = array<i32>} : memref<1264x128xf32, #tpu.memory_space<vmem>>, vector<1264x128xf32>,
    return
  }
  func.func @transform_0(%arg0: i32) -> (i32, i32, i32) {
    %c0_i32 = arith.constant 0 : i32
    %c0_i32_0 = arith.constant 0 : i32
    %c0_i32_1 = arith.constant 0 : i32
    return %c0_i32, %arg0, %c0_i32_0 : i32, i32, i32
  }
  func.func @transform_1(%arg0: i32) -> (i32, i32) {
    %c0_i32 = arith.constant 0 : i32
    %c0_i32_0 = arith.constant 0 : i32
    return %arg0, %c0_i32 : i32, i32
  }
  func.func @transform_2(%arg0: i32) -> (i32, i32, i32) {
    %c0_i32 = arith.constant 0 : i32
    %c0_i32_0 = arith.constant 0 : i32
    %c0_i32_1 = arith.constant 0 : i32
    return %c0_i32, %arg0, %c0_i32_0 : i32, i32, i32
  }
  func.func @transform_3(%arg0: i32) -> (i32, i32) {
    %c0_i32 = arith.constant 0 : i32
    %c0_i32_0 = arith.constant 0 : i32
    %c0_i32_1 = arith.constant 0 : i32
    return %c0_i32, %c0_i32_0 : i32, i32
  }
  func.func @transform_4(%arg0: i32) -> (i32, i32) {
    %c0_i32 = arith.constant 0 : i32
    %c0_i32_0 = arith.constant 0 : i32
    %c0_i32_1 = arith.constant 0 : i32
    return %c0_i32, %c0_i32_0 : i32, i32
  }
  func.func @transform_5(%arg0: i32) -> (i32, i32) {
    %c0_i32 = arith.constant 0 : i32
    %c0_i32_0 = arith.constant 0 : i32
    return %arg0, %c0_i32 : i32, i32
  }
}

module attributes {stable_mosaic.version = 14 : i64} {
  func.func @_combine_pool_body(%arg0: i32, %arg1: memref<2x1264x128xf32, #tpu.memory_space<vmem>>, %arg2: memref<1264x128xf32, #tpu.memory_space<vmem>>, %arg3: memref<2x1264x128xf32, #tpu.memory_space<vmem>>, %arg4: memref<1x128xf32, #tpu.memory_space<vmem>>, %arg5: memref<1264x64xi32, #tpu.memory_space<vmem>>, %arg6: memref<64x128xf32, #tpu.memory_space<vmem>>, %arg7: memref<64x128xf32, #tpu.memory_space<vmem>>, %arg8: memref<64x128xf32, #tpu.memory_space<vmem>>) attributes {dimension_semantics = [#tpu.dimension_semantics<arbitrary>], iteration_bounds = array<i64: 8>, scalar_prefetch = 0 : i64, scratch_operands = 2 : i64, tpu.core_type = #tpu.core_type<tc>, window_params = [{transform_indices = @transform_0, window_bounds = array<i64: 2, 1264, 128>}, {transform_indices = @transform_1, window_bounds = array<i64: 1264, 128>}, {transform_indices = @transform_2, window_bounds = array<i64: 2, 1264, 128>}, {pipeline_mode = #tpu.pipeline_mode<synchronous>, transform_indices = @transform_3, window_bounds = array<i64: 1, 128>}, {transform_indices = @transform_4, window_bounds = array<i64: 1264, 64>}, {pipeline_mode = #tpu.pipeline_mode<synchronous>, transform_indices = @transform_5, window_bounds = array<i64: 64, 128>}]} {
    %eq3A = arith.constant 0 : i32
    %eq3A_0 = arith.cmpi eq, %arg0, %eq3A : i32
    %convert_element_type3A = arith.extui %eq3A_0 : i1 to i32
    %cond3A = arith.constant 0 : i32
    %cond3A_1 = arith.cmpi ne, %convert_element_type3A, %cond3A : i32
    scf.if %cond3A_1 {
      %broadcast_in_dim3A_65 = arith.constant 0.000000e+00 : f32
      %broadcast_in_dim3A_66 = vector.broadcast %broadcast_in_dim3A_65 : f32 to vector<64x128xf32>
      %swap3A_67 = arith.constant 0 : index
      %swap3A_68 = arith.constant 0 : index
      %swap3A_69 = vector.load %arg7[%swap3A_67, %swap3A_68] : memref<64x128xf32, #tpu.memory_space<vmem>>, vector<64x128xf32>
      tpu.vector_store %arg7[%swap3A_67, %swap3A_68], %broadcast_in_dim3A_66 {strides = array<i32>} : memref<64x128xf32, #tpu.memory_space<vmem>>, vector<64x128xf32>,
      %broadcast_in_dim3A_70 = arith.constant 0.000000e+00 : f32
      %broadcast_in_dim3A_71 = vector.broadcast %broadcast_in_dim3A_70 : f32 to vector<64x128xf32>
      %swap3A_72 = arith.constant 0 : index
      %swap3A_73 = arith.constant 0 : index
      %swap3A_74 = vector.load %arg8[%swap3A_72, %swap3A_73] : memref<64x128xf32, #tpu.memory_space<vmem>>, vector<64x128xf32>
      tpu.vector_store %arg8[%swap3A_72, %swap3A_73], %broadcast_in_dim3A_71 {strides = array<i32>} : memref<64x128xf32, #tpu.memory_space<vmem>>, vector<64x128xf32>,
    } else {
    }
    %get3A = arith.constant 0 : index
    %get3A_2 = arith.constant 0 : index
    %get3A_3 = arith.constant 0 : index
    %get3A_4 = vector.load %arg3[%get3A, %get3A_2, %get3A_3] : memref<2x1264x128xf32, #tpu.memory_space<vmem>>, vector<1x1264x1xf32>
    %get3A_5 = vector.shape_cast %get3A_4 : vector<1x1264x1xf32> to vector<1264x1xf32>
    %get3A_6 = arith.constant 1 : index
    %get3A_7 = arith.constant 0 : index
    %get3A_8 = arith.constant 0 : index
    %get3A_9 = vector.load %arg3[%get3A_6, %get3A_7, %get3A_8] : memref<2x1264x128xf32, #tpu.memory_space<vmem>>, vector<1x1264x1xf32>
    %get3A_10 = vector.shape_cast %get3A_9 : vector<1x1264x1xf32> to vector<1264x1xf32>
    %add3A = arith.addf %get3A_5, %get3A_10 : vector<1264x1xf32>
    %add3A_11 = arith.constant 1.000000e+00 : f32
    %add3A_12 = vector.broadcast %add3A_11 : f32 to vector<1264x1xf32>
    %add3A_13 = arith.addf %add3A, %add3A_12 : vector<1264x1xf32>
    %rsqrt3A = math.rsqrt %add3A_13 : vector<1264x1xf32>
    %get3A_14 = arith.constant 0 : index
    %get3A_15 = arith.constant 0 : index
    %get3A_16 = arith.constant 0 : index
    %get3A_17 = vector.load %arg1[%get3A_14, %get3A_15, %get3A_16] : memref<2x1264x128xf32, #tpu.memory_space<vmem>>, vector<1x1264x128xf32>
    %get3A_18 = vector.shape_cast %get3A_17 : vector<1x1264x128xf32> to vector<1264x128xf32>
    %get3A_19 = arith.constant 1 : index
    %get3A_20 = arith.constant 0 : index
    %get3A_21 = arith.constant 0 : index
    %get3A_22 = vector.load %arg1[%get3A_19, %get3A_20, %get3A_21] : memref<2x1264x128xf32, #tpu.memory_space<vmem>>, vector<1x1264x128xf32>
    %get3A_23 = vector.shape_cast %get3A_22 : vector<1x1264x128xf32> to vector<1264x128xf32>
    %add3A_24 = arith.addf %get3A_18, %get3A_23 : vector<1264x128xf32>
    %get3A_25 = arith.constant 0 : index
    %get3A_26 = arith.constant 0 : index
    %get3A_27 = vector.load %arg2[%get3A_25, %get3A_26] : memref<1264x128xf32, #tpu.memory_space<vmem>>, vector<1264x128xf32>
    %add3A_28 = arith.addf %add3A_24, %get3A_27 : vector<1264x128xf32>
    %mul3A = vector.broadcast %rsqrt3A : vector<1264x1xf32> to vector<1264x128xf32>
    %mul3A_29 = arith.mulf %add3A_28, %mul3A : vector<1264x128xf32>
    %get3A_30 = arith.constant 0 : index
    %get3A_31 = arith.constant 0 : index
    %get3A_32 = vector.load %arg4[%get3A_30, %get3A_31] : memref<1x128xf32, #tpu.memory_space<vmem>>, vector<1x128xf32>
    %add3A_33 = vector.broadcast %get3A_32 : vector<1x128xf32> to vector<1264x128xf32>
    %add3A_34 = arith.addf %mul3A_29, %add3A_33 : vector<1264x128xf32>
    %max3A = arith.constant 0.000000e+00 : f32
    %max3A_35 = vector.broadcast %max3A : f32 to vector<1264x128xf32>
    %max3A_36 = arith.maximumf %add3A_34, %max3A_35 : vector<1264x128xf32>
    %get3A_37 = arith.constant 0 : index
    %get3A_38 = arith.constant 0 : index
    %get3A_39 = vector.load %arg5[%get3A_37, %get3A_38] : memref<1264x64xi32, #tpu.memory_space<vmem>>, vector<1264x64xi32>
    %iota3A = tpu.iota {dimensions = array<i32: 1>} : vector<1264x64xi32>
    %eq3A_40 = arith.cmpi eq, %get3A_39, %iota3A : vector<1264x64xi32>
    %convert_element_type3A_41 = arith.extui %eq3A_40 : vector<1264x64xi1> to vector<1264x64xi32>
    %convert_element_type3A_42 = arith.sitofp %convert_element_type3A_41 : vector<1264x64xi32> to vector<1264x64xf32>
    %get3A_43 = arith.constant 0 : index
    %get3A_44 = arith.constant 0 : index
    %get3A_45 = vector.load %arg7[%get3A_43, %get3A_44] : memref<64x128xf32, #tpu.memory_space<vmem>>, vector<64x128xf32>
    %dot_general3A = arith.constant dense<0.000000e+00> : vector<64x128xf32>
    %dot_general3A_46 = tpu.matmul %convert_element_type3A_42, %max3A_36, %dot_general3A {dimension_numbers = #tpu.dot_dimension_numbers<[0], [0], [1], [1], [0, 1, 1, 1], [], []>, transpose_lhs_hint = false} : vector<1264x64xf32>, vector<1264x128xf32>, vector<64x128xf32> -> vector<64x128xf32>
    %add3A_47 = arith.addf %get3A_45, %dot_general3A_46 : vector<64x128xf32>
    %swap3A = arith.constant 0 : index
    %swap3A_48 = arith.constant 0 : index
    %swap3A_49 = vector.load %arg7[%swap3A, %swap3A_48] : memref<64x128xf32, #tpu.memory_space<vmem>>, vector<64x128xf32>
    tpu.vector_store %arg7[%swap3A, %swap3A_48], %add3A_47 {strides = array<i32>} : memref<64x128xf32, #tpu.memory_space<vmem>>, vector<64x128xf32>,
    %get3A_50 = arith.constant 0 : index
    %get3A_51 = arith.constant 0 : index
    %get3A_52 = vector.load %arg8[%get3A_50, %get3A_51] : memref<64x128xf32, #tpu.memory_space<vmem>>, vector<64x128xf32>
    %reduce_sum3A = arith.constant dense<0.000000e+00> : vector<64xf32>
    %reduce_sum3A_53 = vector.multi_reduction <add>, %convert_element_type3A_42, %reduce_sum3A [0] : vector<1264x64xf32> to vector<64xf32>
    %broadcast_in_dim3A = vector.shape_cast %reduce_sum3A_53 : vector<64xf32> to vector<64x1xf32>
    %broadcast_in_dim3A_54 = vector.shape_cast %broadcast_in_dim3A : vector<64x1xf32> to vector<64x1xf32>
    %broadcast_in_dim3A_55 = vector.broadcast %broadcast_in_dim3A_54 : vector<64x1xf32> to vector<64x128xf32>
    %add3A_56 = arith.addf %get3A_52, %broadcast_in_dim3A_55 : vector<64x128xf32>
    %swap3A_57 = arith.constant 0 : index
    %swap3A_58 = arith.constant 0 : index
    %swap3A_59 = vector.load %arg8[%swap3A_57, %swap3A_58] : memref<64x128xf32, #tpu.memory_space<vmem>>, vector<64x128xf32>
    tpu.vector_store %arg8[%swap3A_57, %swap3A_58], %add3A_56 {strides = array<i32>} : memref<64x128xf32, #tpu.memory_space<vmem>>, vector<64x128xf32>,
    %eq3A_60 = arith.constant 7 : i32
    %eq3A_61 = arith.cmpi eq, %arg0, %eq3A_60 : i32
    %convert_element_type3A_62 = arith.extui %eq3A_61 : i1 to i32
    %cond3A_63 = arith.constant 0 : i32
    %cond3A_64 = arith.cmpi ne, %convert_element_type3A_62, %cond3A_63 : i32
    scf.if %cond3A_64 {
      %get3A_65 = arith.constant 0 : index
      %get3A_66 = arith.constant 0 : index
      %get3A_67 = vector.load %arg7[%get3A_65, %get3A_66] : memref<64x128xf32, #tpu.memory_space<vmem>>, vector<64x128xf32>
      %get3A_68 = arith.constant 0 : index
      %get3A_69 = arith.constant 0 : index
      %get3A_70 = vector.load %arg8[%get3A_68, %get3A_69] : memref<64x128xf32, #tpu.memory_space<vmem>>, vector<64x128xf32>
      %max3A_71 = arith.constant 1.000000e+00 : f32
      %max3A_72 = vector.broadcast %max3A_71 : f32 to vector<64x128xf32>
      %max3A_73 = arith.maximumf %get3A_70, %max3A_72 : vector<64x128xf32>
      %div3A = arith.divf %get3A_67, %max3A_73 : vector<64x128xf32>
      %swap3A_74 = arith.constant 0 : index
      %swap3A_75 = arith.constant 0 : index
      %swap3A_76 = vector.load %arg6[%swap3A_74, %swap3A_75] : memref<64x128xf32, #tpu.memory_space<vmem>>, vector<64x128xf32>
      tpu.vector_store %arg6[%swap3A_74, %swap3A_75], %div3A {strides = array<i32>} : memref<64x128xf32, #tpu.memory_space<vmem>>, vector<64x128xf32>,
    } else {
    }
    return
  }
  func.func @transform_0(%arg0: i32) -> (i32, i32, i32) {
    %c0_i32 = arith.constant 0 : i32
    %c0_i32_0 = arith.constant 0 : i32
    %c0_i32_1 = arith.constant 0 : i32
    return %c0_i32, %arg0, %c0_i32_0 : i32, i32, i32
  }
  func.func @transform_1(%arg0: i32) -> (i32, i32) {
    %c0_i32 = arith.constant 0 : i32
    %c0_i32_0 = arith.constant 0 : i32
    return %arg0, %c0_i32 : i32, i32
  }
  func.func @transform_2(%arg0: i32) -> (i32, i32, i32) {
    %c0_i32 = arith.constant 0 : i32
    %c0_i32_0 = arith.constant 0 : i32
    %c0_i32_1 = arith.constant 0 : i32
    return %c0_i32, %arg0, %c0_i32_0 : i32, i32, i32
  }
  func.func @transform_3(%arg0: i32) -> (i32, i32) {
    %c0_i32 = arith.constant 0 : i32
    %c0_i32_0 = arith.constant 0 : i32
    %c0_i32_1 = arith.constant 0 : i32
    return %c0_i32, %c0_i32_0 : i32, i32
  }
  func.func @transform_4(%arg0: i32) -> (i32, i32) {
    %c0_i32 = arith.constant 0 : i32
    %c0_i32_0 = arith.constant 0 : i32
    return %arg0, %c0_i32 : i32, i32
  }
  func.func @transform_5(%arg0: i32) -> (i32, i32) {
    %c0_i32 = arith.constant 0 : i32
    %c0_i32_0 = arith.constant 0 : i32
    %c0_i32_1 = arith.constant 0 : i32
    return %c0_i32, %c0_i32_0 : i32, i32
  }
}

</mosaic_0001>

<sc_bundles>
// kernel: kernel.11.cloned.1.call-start
scs
__scs_entry_jumppad:
0x0: {  	(pc) =	sbr.rel $0x88, $3  }
0x1: {  	(tag) =	ssettag $0x0;
	lr =	simm.s32 $0x1  }
0x2: {  	[smem:$0x3F9A] =	sst lr;
	_ =	strace $0xD0000000  }
0x3: {  	_ = 	snop  }
0x4: {  	_ = 	snop  }
0x5: {  	_ = 	snop  }
0x6: {  	_ = 	snop  }
0x7: {  	_ = 	snop  }
__scs_overlays_trampoline_lowered:
0x8: {  	[smem:$0x3FA9] =	sst s0  }
0x9: {  	[smem:$0x3FAA] =	sst s1  }
0xa: {  	[smem:$0x3FAB] =	sst s2  }
0xb: {  	[smem:$0x3FAC] =	sst s3  }
0xc: {  	[smem:$0x3FAD] =	sst s4  }
0xd: {  	[smem:$0x3FAE] =	sst s5  }
0xe: {  	[smem:$0x3FAF] =	sst s6  }
0xf: {  	[smem:$0x3FB0] =	sst s7  }
0x10: {  	[smem:$0x3FB1] =	sst s8  }
0x11: {  	[smem:$0x3FB2] =	sst s9;
	s0 =	simm.s32 @!p0 $0x0  }
0x12: {  	s1 =	sld [smem:$0x3F98];
	s0 =	simm.s32 @p0 $0x1  }
0x13: {  	[smem:$0x3FB3] =	sst s0;
	s0 =	simm.s32 @!p1 $0x0  }
0x14: {  	s2 =	sld [smem:$0x3F97];
	s0 =	simm.s32 @p1 $0x1  }
0x15: {  	[smem:$0x3FB4] =	sst s0;
	s0 =	simm.s32 @!p2 $0x0  }
0x16: {  	s3 =	sld [smem:$0x3FDB];
	s0 =	simm.s32 @p2 $0x1  }
0x17: {  	s4 =	simm.s32 $0x1BF5;
	[smem:$0x3FB6] =	sst s0  }
0x18: {  	s0 =	sld [smem:$0x3F99];
	_ =	swait.ge [sflag:s4], $0x0  }
0x19: {  	s7 =	sld [smem:$0x3F9A]  }
0x1a: {  	s8 =	sadd.s32 $0xFFFFE003, lr  }
0x1b: {  	s9 =	sadd.s32 $0xFFFFFEF7, lr;
	s5 =	simm.s32 $0xFFFFFFFF;
	p2 =	slt.u32 s8, $0xFFFFF086  }
0x1c: {  	p1 =	slt.u32 s9, $0xF7A;
	s5 =	simm.s32 @!p2 $0x0  }
0x1d: {  	s5 =	simm.s32 @p1 $0x1;
	p0 =	seq.s32 s7, s2  }
0x1e: {  	s7 =	smul.u32 @!p0 $0xF7A, s2;
	p2 =	seq.s32 @!p0 s5, $0x0  }
0x1f: {  	s9 =	smul.u32 $0xF7A, s1;
	s8 =	simm.s32 @!p0 $0x1BF5;
	p2 =	por !p2, p0  }
0x20: {  	[sflag:s8] =	ssyncset.s32 @!p0 $0xFFFFF086;
	s6 =	sadd.s32 @!p0 s3, s7;
	s7 =	simm.s32 @!p0 $0x108  }
0x21: {  	s3 =	sadd.s32 s3, s9;
	s6 =	sadd.s32 @!p0 $0x88, s6;
	s7 =	simm.s32 @p2 $0x1082  }
0x22: {  	[simem:s7], [sflag:s8] =	dma.local @!p0 [hbm:s6], $0xF7A  }
0x23: {  	s9 =	sor.u32 $0xD0000000, s2;
	s6 =	simm.s32 $0x108;
	_ =	swait.ge @!p0 [sflag:s8], $0x0  }
0x24: {  	s3 =	sadd.s32 $0x88, s3;
	s6 =	simm.s32 @!p1 $0x1082;
	[sflag:s4] =	ssyncset.s32 $0xFFFFF086  }
0x25: {  	[simem:s6], [sflag:s4] =	dma.local [hbm:s3], $0xF7A  }
0x26: {  	[smem:$0x3F9A] =	sst s1;
	(tag) =	ssettag s2;
	_ =	strace s9  }
0x27: {  	s1 =	sld [smem:$0x3FAA]  }
0x28: {  	s2 =	sld [smem:$0x3FAB]  }
0x29: {  	s4 =	sld [smem:$0x3FAD]  }
0x2a: {  	p0 =	seq.s32 s5, $0x0;
	s5 =	sld [smem:$0x3FAE]  }
0x2b: {  	s6 =	sld [smem:$0x3FAF]  }
0x2c: {  	s7 =	sld [smem:$0x3FB0]  }
0x2d: {  	s3 =	simm.s32 $0x108;
	s8 =	sld [smem:$0x3FB1]  }
0x2e: {  	s3 =	simm.s32 @!p0 $0x1082;
	s9 =	sld [smem:$0x3FB2]  }
0x2f: {  	lr =	sadd.s32 s0, s3;
	s0 =	sld [smem:$0x3FA9]  }
0x30: {  	s3 =	sld [smem:$0x3FAC]  }
0x31: {  	[smem:$0x3FB5] =	sst s10  }
0x32: {  	s10 =	sld [smem:$0x3FB3];
	_ =	sdelay $0x3  }
0x33: {  	p0 =	seq.s32 s10, $0x1;
	s10 =	sld [smem:$0x3FB5];
	_ =	sdelay $0x3  }
0x34: {  	[smem:$0x3FB5] =	sst s10  }
0x35: {  	s10 =	sld [smem:$0x3FB4];
	_ =	sdelay $0x3  }
0x36: {  	p1 =	seq.s32 s10, $0x1;
	s10 =	sld [smem:$0x3FB5];
	_ =	sdelay $0x3  }
0x37: {  	[smem:$0x3FB5] =	sst s10  }
0x38: {  	s10 =	sld [smem:$0x3FB6]  }
0x39: {  	_ = 	snop;
	(pc) =	sbr.ind lr, $3  }
0x3a: {  	_ = 	snop  }
0x3b: {  	_ = 	snop  }
0x3c: {  	p2 =	seq.s32 s10, $0x1;
	s10 =	sld [smem:$0x3FB5]  }
0x3d: {  	_ =	shalt  }
0x3e: {  	_ =	shalt  }
0x3f: {  	_ =	shalt  }
0x40: {  	_ =	shalt  }
0x41: {  	_ =	shalt  }
0x42: {  	_ =	shalt  }
0x43: {  	_ =	shalt  }
0x44: {  	_ =	shalt  }
0x45: {  	_ =	shalt  }
0x46: {  	_ =	shalt  }
0x47: {  	_ =	shalt  }
0x48: {  	_ =	shalt  }
0x49: {  	_ =	shalt  }
0x4a: {  	_ =	shalt  }
0x4b: {  	_ =	shalt  }
0x4c: {  	_ =	shalt  }
0x4d: {  	_ =	shalt  }
0x4e: {  	_ =	shalt  }
0x4f: {  	_ =	shalt  }
0x50: {  	_ =	shalt  }
0x51: {  	_ =	shalt  }
0x52: {  	_ =	shalt  }
0x53: {  	_ =	shalt  }
0x54: {  	_ =	shalt  }
0x55: {  	_ =	shalt  }
0x56: {  	_ =	shalt  }
0x57: {  	_ =	shalt  }
0x58: {  	_ =	shalt  }
0x59: {  	_ =	shalt  }
0x5a: {  	_ =	shalt  }
0x5b: {  	_ =	shalt  }
0x5c: {  	_ =	shalt  }
0x5d: {  	_ =	shalt  }
0x5e: {  	_ =	shalt  }
0x5f: {  	_ =	shalt  }
0x60: {  	_ =	shalt  }
0x61: {  	_ =	shalt  }
0x62: {  	_ =	shalt  }
0x63: {  	_ =	shalt  }
0x64: {  	_ =	shalt  }
0x65: {  	_ =	shalt  }
0x66: {  	_ =	shalt  }
0x67: {  	_ =	shalt  }
0x68: {  	_ =	shalt  }
0x69: {  	_ =	shalt  }
0x6a: {  	_ =	shalt  }
0x6b: {  	_ =	shalt  }
0x6c: {  	_ =	shalt  }
0x6d: {  	_ =	shalt  }
0x6e: {  	_ =	shalt  }
0x6f: {  	_ =	shalt  }
0x70: {  	_ =	shalt  }
0x71: {  	_ =	shalt  }
0x72: {  	_ =	shalt  }
0x73: {  	_ =	shalt  }
0x74: {  	_ =	shalt  }
0x75: {  	_ =	shalt  }
0x76: {  	_ =	shalt  }
0x77: {  	_ =	shalt  }
0x78: {  	_ =	shalt  }
0x79: {  	_ =	shalt  }
0x7a: {  	_ =	shalt  }
0x7b: {  	_ =	shalt  }
0x7c: {  	_ =	shalt  }
0x7d: {  	_ =	shalt  }
0x7e: {  	_ =	shalt  }
0x7f: {  	_ =	shalt  }
0x80: {  	_ =	shalt  }
0x81: {  	_ =	shalt  }
0x82: {  	_ =	shalt  }
0x83: {  	_ =	shalt  }
0x84: {  	_ =	shalt  }
0x85: {  	_ =	shalt  }
0x86: {  	_ =	shalt  }
0x87: {  	_ =	shalt  }
.Lfunc_end0:
.L_simem_size_0:
called_computation.1_lowered:
.L_overlay_start_0:
0x88: {  	s2 =	sld [smem:$0x3FD9]  }
0x89: {  	s3 =	sld [smem:$0x3FFE];
	_ =	sdelay $0x1  }
0x8a: {  	s1 =	srdreg.scid  }
0x8b: {  	s0 =	sand.u32 $0x1, s1  }
0x8c: {  	s16 =	sshll.u32 s0, $0xA;
	s2 =	sadd.s32 s3, s2  }
0x8d: {  	s2 =	sadd.s32 s2, s16  }
0x8e: {  	[smem:$0x3FC1] =	sst s2  }
0x8f: {  	_ = 	snop  }
0x90: {  	(tm) =	ssettm $0x1  }
0x91: {  	s17 =	sld [smem:$0x3FFB];
	_ =	sdelay $0x3  }
0x92: {  	_ =	strace s17  }
0x93: {  	s2 =	sld [smem:$0x3FFC];
	_ =	sdelay $0x3  }
0x94: {  	_ =	strace s2  }
0x95: {  	s2 =	sld [smem:$0x3FFD];
	_ =	sdelay $0x3  }
0x96: {  	_ =	strace s2  }
0x97: {  	_ =	strace $0x8FFFFFFF  }
0x98: {  	s18 =	sld [smem:$0x3FDB];
	_ =	sdelay $0x1  }
0x99: {  	s19 =	simm.s32 $_scs_section_size  }
0x9a: {  	s4 =	simm.s32 $_size__tile_overlayer_lowered;
	s5 =	simm.s32 $_tile_overlayer_lowered  }
0x9b: {  	s22 =	simm.s32 $0x1BFF;
	s21 =	sshll.u32 s5, $0x1;
	s2 =	sadd.s32 s19, s18  }
0x9c: {  	s6 =	simm.s32 $0x0;
	s20 =	sshll.u32 s4, $0x1;
	s4 =	sadd.s32 s21, s2  }
0x9d: {  	[timem:s6], [sflag:s22] =	dma.local [hbm:s4], s20  }
0x9e: {  	_ =	swait.ge [sflag:s22], s20  }
0x9f: {  	s3 =	ssub.s32 $0x0, s20;
	[sflag:s22] =	ssyncset.done $0x0  }
0xa0: {  	[sflag:s22] =	ssyncadd.s32 s3;
	_ =	sdelay $0x1  }
0xa1: {  	s23 =	simm.s32 $0x1B8B  }
0xa2: {  	_ =	swait.ge [sflag:s23], $0x1  }
0xa3: {  	[sflag:s23] =	ssyncset.done $0x0  }
0xa4: {  	s25 =	simm.s32 $0x1B8E;
	s24 =	sld [smem:$0x3FFE];
	[sflag:s23] =	ssyncadd.s32 $0xFFFFFFFF  }
0xa5: {  	s26 =	simm.s32 $execute0_lowered;
	[smem:$0x3FD2] =	sst s25  }
0xa6: {  	s4 =	sshll.u32 s26, $0x1;
	_ =	strace $0x80000049;
	[dreg:$0x1] =	wrdreg $0xFFFFFFFF  }
0xa7: {  	s28 =	simm.s32 $_size_execute0_lowered;
	s2 =	sadd.s32 s2, s4;
	[dreg:$0x0] =	wrdreg $0x0  }
0xa8: {  	s4 =	sshll.u32 s28, $0x1;
	[dreg:$0x2] =	wrdreg s2  }
0xa9: {  	[dreg:$0x3] =	wrdreg s4  }
0xaa: {  	[dreg:$0x4] =	wrdreg $0xC0  }
0xab: {  	_ =	task [dreg:s6], $0x5FFFF  }
0xac: {  	[dreg:$0x1] =	wrdreg $0xFFFFFFFF  }
0xad: {  	[dreg:$0x0] =	wrdreg $0x60  }
0xae: {  	[dreg:$0x2] =	wrdreg s24  }
0xaf: {  	[dreg:$0x3] =	wrdreg $0x90000  }
0xb0: {  	[dreg:$0x4] =	wrdreg $0x9  }
0xb1: {  	_ =	task.clear_ibuf [dreg:s6], $0x5FFFF;
	_ =	strace $0x90000049  }
0xb2: {  	s29 =	simm.s32 $0x9;
	_ =	strace $0x8000004B  }
0xb3: {  	_ =	swait.ge [sflag:s29], $0x1  }
0xb4: {  	[sflag:s29] =	ssyncadd.s32 $0xFFFFFFFF  }
0xb5: {  	_ =	strace $0x9000004B  }
0xb6: {  	_ =	sfence  }
0xb7: {  	s30 =	sld [smem:$0x0];
	_ =	sdelay $0x2  }
0xb8: {  	s31 =	sshll.u32 s1, $0xD;
	s1 =	sshrl.u32 s1, $0x2  }
0xb9: {  	s3 =	sand.u32 $0x4000, s31;
	s1 =	sadd.s32 s1, s30  }
0xba: {  	s0 =	sor.u32 s3, s0;
	s1 =	sshll.u32 s1, $0x11  }
0xbb: {  	s0 =	sor.u32 s1, s0  }
0xbc: {  	s0 =	sadd.s32 $0x8F2B, s0  }
0xbd: {  	[sflag:s0] =	ssyncadd.remote.s32 $0x1  }
0xbe: {  	_ =	sfence.sel $0xFFFF  }
0xbf: {  	[dreg:$0x0] =	wrdreg $0xFFFFFFFF;
	(pc) =	sbr.abs _section_cstart, $3  }
0xc0: {  	[dreg:$0x1] =	wrdreg $0xFFFFFFFF  }
0xc1: {  	_ =	task.clear_ibuf [dreg:s6], $0x2FFFF;
	_ =	strace $0x9FFFFFFF  }
0xc2: {  	(tm) =	ssettm $0x7FFFFFFF  }
0xc3: {  	_ =	shalt  }
tec
execute0_lowered:
.L_overlay_start_1:
0x0: {  	(tag) =	ssettag $0x1  }
0x1: {  	s0 =	rddreg [dreg:$0x0]  }
0x2: {  	s1 =	rddreg [dreg:$0x1];
	s3 =	simm.s32 $0x0;
	s2 =	srdreg.scid  }
0x3: {  	s11 =	stileid.u32;
	s16 =	simm.s32 $0x4;
	s18 =	simm.s32 $0x400  }
0x4: {  	s19 =	simm.s32 $0xC00;
	s20 =	simm.s32 $0x80;
	s21 =	simm.s32 $0x1000  }
0x5: {  	s22 =	simm.s32 $0x5000;
	s23 =	simm.s32 $0x1;
	[smem:$0x7FF] =	sst s3  }
0x6: {  	s2 =	sand.u32 $0x1, s2;
	s7 =	smul.u32 $0x13C00, s11;
	s4 =	sadd.s32 $0x68A00, s0  }
0x7: {  	s14 =	sadd.s32 $0x5EA00, s0;
	s13 =	sadd.s32 $0x2A00, s0;
	s9 =	smul.u32 $0x4F000, s11  }
0x8: {  	s5 =	sadd.s32 $0xCA00, s0;
	s26 =	sshll.u32 s11, $0x6;
	s28 =	smul.u32 $0x2800, s11  }
0x9: {  	s6 =	smul.u32 $0x13C000, s2;
	_ =	strace $0x8000004A;
	s8 =	ssub.s32 $0x2, s2  }
0xa: {  	s24 =	sshll.u32 s2, $0x4;
	s2 =	smul.u32 $0x28000, s2;
	s10 =	sshrl.u32 s8, $0x1  }
0xb: {  	s25 =	sshrl.u32 s9, $0x2;
	s6 =	sadd.s32 s7, s6;
	s7 =	sor.u32 s11, s24  }
0xc: {  	s12 =	ssub.s32 s8, s10;
	s15 =	sadd.s32 s25, s1;
	s2 =	sadd.s32 s28, s2  }
0xd: {  	s24 =	simm.s32 $0x2;
	s25 =	simm.s32 $0x3;
	s6 =	sshrl.u32 s6, $0x3  }
0xe: {  	s7 =	smul.u32 $0x2800, s7;
	s2 =	sadd.s32 $0x800, s2;
	s12 =	smax.u32 s12, $0x1  }
.Ltmp0:
0xf: {  	s15 =	sshrl.u32 s15, $0x3;
	s0 =	sadd.s32 s6, s0;
	(pc) =	sbr.rel .LBB2_1-.Ltmp0, $4  }
0x10: {  	s6 =	sor.u32 $0x1C04, s26;
	s31 =	sshrl.u32 s2, $0x3;
	s29 =	sshrl.u32 s7, $0x3  }
0x11: {  	s26 =	simm.s32 $0x0;
	s11 =	sadd.s32 $0x90200, s0;
	s30 =	sor.u32 $0x80, s29  }
0x12: {  	s7 =	sadd.s32 s14, s29;
	s8 =	sadd.s32 s13, s29;
	s9 =	sadd.s32 s14, s30  }
0x13: {  	s10 =	sadd.s32 s13, s30;
	s13 =	sadd.s32 s31, s13;
	s14 =	sadd.s32 s31, s14  }
.LBB2_3:
0x14: {  	_ =	swait.ge [sflag:s24], $0x4000  }
0x15: {  	[sflag:s24] =	ssyncset.done $0x0  }
0x16: {  	s0 =	sor.u32 $0x800, s2;
	[sflag:s24] =	ssyncadd.s32 $0xFFFFC000  }
0x17: {  	[spmem:s1] =	stream.indirect.scatter.add.f32 [tilespmem:s22], [sflag:$0x4], $0x80, s0, s20, $0xb8;
	[tilespmem:$0x1CC00] =	vst v63  }
0x18: {  	_ =	swait.ge [sflag:s16], $0x4000  }
0x19: {  	[sflag:s16] =	ssyncset.done $0x0  }
0x1a: {  	[sflag:s16] =	ssyncadd.s32 $0xFFFFC000  }
.LBB2_5:
0x1b: {  	s26 =	sadd.s32 $0x1, s26  }
0x1c: {  	p0 =	sne.s32 s26, s12  }
.Ltmp1:
0x1d: {  	[bflag:$0x0] =	sbarrier.arrive $0xFFFF;
	(pc) =	sbr.rel @!p0 .LBB2_6-.Ltmp1, $4  }
0x1e: {  	[hbm:s11], [sflag:s6] =	dma.local [spmem:s15], $0x2780  }
0x1f: {  	_ =	swait.ge [sflag:s16], $0x2780  }
0x20: {  	[sflag:s16] =	ssyncset.done $0x0  }
0x21: {  	[sflag:s16] =	ssyncadd.s32 $0xFFFFD880  }
.LBB2_1:
0x22: {  	[spmem:s15], [sflag:s6] =	dma.local [hbm:s5], $0x2780  }
0x23: {  	_ =	swait.ge [sflag:s16], $0x2780  }
0x24: {  	[sflag:s16] =	ssyncset.done $0x0  }
0x25: {  	[sflag:s16] =	ssyncadd.s32 $0xFFFFD880  }
0x26: {  	[tilespmem:s3], [sflag:$0x4] =	stream.linear.gather [hbm4b:s7+s3], $0x400, $0x38;
	[tilespmem:$0x1CC00] =	vst v63  }
0x27: {  	_ =	swait.ge [sflag:s16], $0x400  }
0x28: {  	[sflag:s16] =	ssyncset.done $0x0  }
0x29: {  	s0 =	simm.s32 $0x800;
	[sflag:s16] =	ssyncadd.s32 $0xFFFFFC00  }
0x2a: {  	[tilespmem:s0], [sflag:$0x4] =	stream.linear.gather [hbm4b:s8+s3], $0x400, $0x38;
	[tilespmem:$0x1CC00] =	vst v63  }
0x2b: {  	_ =	swait.ge [sflag:s16], $0x400  }
0x2c: {  	[sflag:s16] =	ssyncset.done $0x0  }
0x2d: {  	[sflag:s16] =	ssyncadd.s32 $0xFFFFFC00  }
0x2e: {  	[tilespmem:s18], [sflag:$0x3] =	stream.linear.gather [hbm4b:s9+s3], $0x400, $0x38;
	[tilespmem:$0x1CC00] =	vst v63  }
0x2f: {  	_ = 	snop  }
0x30: {  	[tilespmem:s19], [sflag:$0x3] =	stream.linear.gather [hbm4b:s10+s3], $0x400, $0x38;
	[tilespmem:$0x1CC00] =	vst v63  }
0x31: {  	[bflag:$0x0] =	sbarrier.arrive $0xFFFF  }
0x32: {  	[tilespmem:s21], [sflag:$0x1] =	stream.indirect.gather [hbm4b:s4+s20], $0x80, s3, s20, $0xb8;
	[tilespmem:$0x1CC00] =	vst v63  }
0x33: {  	s28 =	smov.u32 s14;
	s29 =	smov.u32 s13;
	s30 =	simm.s32 $0x0  }
0x34: {  	[tilespmem:s22], [sflag:$0x2] =	stream.indirect.gather [hbm4b:s4+s20], $0x80, s20, s20, $0xb8;
	[tilespmem:$0x1CC00] =	vst v63  }
.LBB2_2:
0x35: {  	s0 =	sand.u32 $0x1, s30;
	_ =	swait.ge [sflag:s23], $0x4000  }
0x36: {  	[sflag:s23] =	ssyncset.done $0x0;
	s31 =	sshll.u32 s0, $0xA  }
0x37: {  	[sflag:s23] =	ssyncadd.s32 $0xFFFFC000;
	s0 =	sor.u32 $0x800, s31  }
0x38: {  	[spmem:s1] =	stream.indirect.scatter.add.f32 [tilespmem:s21], [sflag:$0x4], $0x80, s0, s20, $0xb8;
	[tilespmem:$0x1CC00] =	vst v63  }
0x39: {  	_ =	swait.ge [sflag:s16], $0x4000  }
0x3a: {  	[sflag:s16] =	ssyncset.done $0x0  }
0x3b: {  	s2 =	sor.u32 $0x100, s31;
	[sflag:s16] =	ssyncadd.s32 $0xFFFFC000  }
0x3c: {  	[tilespmem:s21], [sflag:$0x1] =	stream.indirect.gather [hbm4b:s4+s20], $0x80, s2, s20, $0xb8;
	[tilespmem:$0x1CC00] =	vst v63  }
0x3d: {  	_ =	swait.ge [sflag:s24], $0x4000  }
0x3e: {  	[sflag:s24] =	ssyncset.done $0x0  }
0x3f: {  	s17 =	sor.u32 $0x880, s31;
	[sflag:s24] =	ssyncadd.s32 $0xFFFFC000  }
0x40: {  	[spmem:s1] =	stream.indirect.scatter.add.f32 [tilespmem:s22], [sflag:$0x4], $0x80, s17, s20, $0xb8;
	[tilespmem:$0x1CC00] =	vst v63  }
0x41: {  	_ =	swait.ge [sflag:s16], $0x4000  }
0x42: {  	[sflag:s16] =	ssyncset.done $0x0  }
0x43: {  	s17 =	sor.u32 $0x180, s31;
	[sflag:s16] =	ssyncadd.s32 $0xFFFFC000  }
0x44: {  	[tilespmem:s22], [sflag:$0x2] =	stream.indirect.gather [hbm4b:s4+s20], $0x80, s17, s20, $0xb8;
	[tilespmem:$0x1CC00] =	vst v63  }
0x45: {  	_ =	swait.ge [sflag:s23], $0x4000  }
0x46: {  	[sflag:s23] =	ssyncset.done $0x0  }
0x47: {  	s17 =	sor.u32 $0x900, s31;
	[sflag:s23] =	ssyncadd.s32 $0xFFFFC000  }
0x48: {  	[spmem:s1] =	stream.indirect.scatter.add.f32 [tilespmem:s21], [sflag:$0x4], $0x80, s17, s20, $0xb8;
	[tilespmem:$0x1CC00] =	vst v63  }
0x49: {  	_ =	swait.ge [sflag:s16], $0x4000  }
0x4a: {  	[sflag:s16] =	ssyncset.done $0x0  }
0x4b: {  	s17 =	sor.u32 $0x200, s31;
	[sflag:s16] =	ssyncadd.s32 $0xFFFFC000  }
0x4c: {  	[tilespmem:s21], [sflag:$0x1] =	stream.indirect.gather [hbm4b:s4+s20], $0x80, s17, s20, $0xb8;
	[tilespmem:$0x1CC00] =	vst v63  }
0x4d: {  	_ =	swait.ge [sflag:s24], $0x4000  }
0x4e: {  	[sflag:s24] =	ssyncset.done $0x0  }
0x4f: {  	s17 =	sor.u32 $0x980, s31;
	[sflag:s24] =	ssyncadd.s32 $0xFFFFC000  }
0x50: {  	[spmem:s1] =	stream.indirect.scatter.add.f32 [tilespmem:s22], [sflag:$0x4], $0x80, s17, s20, $0xb8;
	[tilespmem:$0x1CC00] =	vst v63  }
0x51: {  	_ =	swait.ge [sflag:s16], $0x4000  }
0x52: {  	[sflag:s16] =	ssyncset.done $0x0  }
0x53: {  	s17 =	sor.u32 $0x280, s31;
	[sflag:s16] =	ssyncadd.s32 $0xFFFFC000  }
0x54: {  	[tilespmem:s22], [sflag:$0x2] =	stream.indirect.gather [hbm4b:s4+s20], $0x80, s17, s20, $0xb8;
	[tilespmem:$0x1CC00] =	vst v63  }
0x55: {  	_ =	swait.ge [sflag:s23], $0x4000  }
0x56: {  	[sflag:s23] =	ssyncset.done $0x0  }
0x57: {  	s17 =	sor.u32 $0xA00, s31;
	[sflag:s23] =	ssyncadd.s32 $0xFFFFC000  }
0x58: {  	[spmem:s1] =	stream.indirect.scatter.add.f32 [tilespmem:s21], [sflag:$0x4], $0x80, s17, s20, $0xb8;
	[tilespmem:$0x1CC00] =	vst v63  }
0x59: {  	_ =	swait.ge [sflag:s16], $0x4000  }
0x5a: {  	[sflag:s16] =	ssyncset.done $0x0  }
0x5b: {  	s17 =	sor.u32 $0x300, s31;
	[sflag:s16] =	ssyncadd.s32 $0xFFFFC000  }
0x5c: {  	[tilespmem:s21], [sflag:$0x1] =	stream.indirect.gather [hbm4b:s4+s20], $0x80, s17, s20, $0xb8;
	[tilespmem:$0x1CC00] =	vst v63  }
0x5d: {  	_ =	swait.ge [sflag:s24], $0x4000  }
0x5e: {  	[sflag:s24] =	ssyncset.done $0x0  }
0x5f: {  	s17 =	sor.u32 $0xA80, s31;
	[sflag:s24] =	ssyncadd.s32 $0xFFFFC000  }
0x60: {  	[spmem:s1] =	stream.indirect.scatter.add.f32 [tilespmem:s22], [sflag:$0x4], $0x80, s17, s20, $0xb8;
	[tilespmem:$0x1CC00] =	vst v63  }
0x61: {  	_ =	swait.ge [sflag:s16], $0x4000  }
0x62: {  	[sflag:s16] =	ssyncset.done $0x0  }
0x63: {  	s2 =	sor.u32 $0x380, s31;
	[sflag:s16] =	ssyncadd.s32 $0xFFFFC000  }
0x64: {  	[tilespmem:s22], [sflag:$0x2] =	stream.indirect.gather [hbm4b:s4+s20], $0x80, s2, s20, $0xb8;
	[tilespmem:$0x1CC00] =	vst v63  }
0x65: {  	_ =	swait.ge [sflag:s23], $0x4000  }
0x66: {  	p0 =	sne.s32 s30, $0x9;
	[sflag:s23] =	ssyncset.done $0x0  }
.Ltmp2:
0x67: {  	s17 =	sor.u32 $0xB00, s31;
	[sflag:s23] =	ssyncadd.s32 $0xFFFFC000;
	(pc) =	sbr.rel @!p0 .LBB2_3-.Ltmp2, $4  }
0x68: {  	[spmem:s1] =	stream.indirect.scatter.add.f32 [tilespmem:s21], [sflag:$0x4], $0x80, s17, s20, $0xb8;
	[tilespmem:$0x1CC00] =	vst v63  }
0x69: {  	_ =	swait.ge [sflag:s16], $0x4000  }
0x6a: {  	[sflag:s16] =	ssyncset.done $0x0  }
0x6b: {  	[sflag:s16] =	ssyncadd.s32 $0xFFFFC000  }
0x6c: {  	_ =	swait.ge [sflag:s25], $0x400  }
0x6d: {  	[sflag:s25] =	ssyncset.done $0x0  }
0x6e: {  	[sflag:s25] =	ssyncadd.s32 $0xFFFFFC00  }
0x6f: {  	_ =	swait.ge [sflag:s25], $0x400  }
0x70: {  	[sflag:s25] =	ssyncset.done $0x0  }
0x71: {  	s17 =	sxor.u32 $0x400, s31;
	[sflag:s25] =	ssyncadd.s32 $0xFFFFFC00  }
0x72: {  	[tilespmem:s21], [sflag:$0x1] =	stream.indirect.gather [hbm4b:s4+s20], $0x80, s17, s20, $0xb8;
	[tilespmem:$0x1CC00] =	vst v63  }
0x73: {  	_ =	swait.ge [sflag:s24], $0x4000  }
0x74: {  	[sflag:s24] =	ssyncset.done $0x0  }
0x75: {  	s2 =	sor.u32 $0x800, s2;
	[sflag:s24] =	ssyncadd.s32 $0xFFFFC000  }
0x76: {  	[spmem:s1] =	stream.indirect.scatter.add.f32 [tilespmem:s22], [sflag:$0x4], $0x80, s2, s20, $0xb8;
	[tilespmem:$0x1CC00] =	vst v63  }
0x77: {  	_ =	swait.ge [sflag:s16], $0x4000  }
0x78: {  	[sflag:s16] =	ssyncset.done $0x0  }
0x79: {  	p0 =	sgt.u32 s30, $0x7;
	s17 =	sor.u32 $0x80, s17;
	[sflag:s16] =	ssyncadd.s32 $0xFFFFC000  }
0x7a: {  	[tilespmem:s22], [sflag:$0x2] =	stream.indirect.gather [hbm4b:s4+s20], $0x80, s17, s20, $0xb8;
	[tilespmem:$0x1CC00] =	vst v63  }
0x7b: {  	s2 =	simm.s32 @!p0 $0x0  }
0x7c: {  	[tilespmem:s31], [sflag:$0x3] =	stream.linear.gather @!p0 [hbm4b:s28+s2], $0x400, $0x38;
	[tilespmem:$0x1CC00] =	vst v63  }
0x7d: {  	s30 =	sadd.s32 $0x1, s30  }
0x7e: {  	[tilespmem:s0], [sflag:$0x3] =	stream.linear.gather @!p0 [hbm4b:s29+s2], $0x400, $0x38;
	[tilespmem:$0x1CC00] =	vst v63  }
0x7f: {  	p0 =	sne.s32 s30, $0xA  }
.Ltmp3:
0x80: {  	_ = 	snop;
	(pc) =	sbr.rel @p0 .LBB2_2-.Ltmp3, $4  }
.Ltmp4:
0x81: {  	_ = 	snop;
	(pc) =	sbr.rel @!p0 .LBB2_5-.Ltmp4, $4  }
0x82: {  	_ = 	snop  }
0x83: {  	_ = 	snop  }
0x84: {  	s28 =	sadd.s32 $0x80, s28;
	s29 =	sadd.s32 $0x80, s29  }
0x85: {  	_ = 	snop  }
.LBB2_6:
0x86: {  	_ =	sfence.sel $0x180000  }
0x87: {  	[bflag:$0x0] =	sbarrier.arrive $0xFFFF  }
0x88: {  	_ =	strace $0x9000004A  }
0x89: {  	s0 =	stileid.u32;
	[bflag:$0x2] =	sbarrier.arrive $0xFFFF  }
0x8a: {  	p0 =	sne.s32 s0, $0x0;
	s0 =	rddreg [dreg:$0x2]  }
0x8b: {  	s0 =	sadd.s32 @!p0 $0x100000, s0  }
0x8c: {  	[sflag:s0] =	ssyncadd.tile.s32 @!p0 $0x1;
	_ =	shalt  }
.Lfunc_end2:
_tile_overlayer_lowered:
.L_overlay_start_2:
0x8d: {  	(tag) =	ssettag $0x2  }
0x8e: {  	s0 =	rddreg [dreg:$0x0];
	s2 =	stileid.u32  }
0x8f: {  	s1 =	rddreg [dreg:$0x1];
	p0 =	sne.s32 s2, $0x0  }
0x90: {  	s3 =	rddreg [dreg:$0x2];
	[bflag:$0x3] =	sbarrier.arrive $0xFFFF;
	s2 =	simm.s32 @!p0 $0x1C04  }
0x91: {  	[timem:s3], [sflag:s2] =	dma.local @!p0 [hbm:s0], s1  }
0x92: {  	s0 =	simm.s32 @!p0 $0x4  }
0x93: {  	_ =	swait.ge @!p0 [sflag:s0], s1  }
0x94: {  	s1 =	ssub.s32 @!p0 $0x0, s1;
	[sflag:s0] =	ssyncset.done @!p0 $0x0  }
0x95: {  	[sflag:s0] =	ssyncadd.s32 @!p0 s1  }
0x96: {  	[bflag:$0x3] =	sbarrier.arrive $0xFFFF  }
0x97: {  	_ =	shalt  }

// kernel: kernel.14.cloned.1.call-start
scs
__scs_entry_jumppad:
0x0: {  	(pc) =	sbr.rel $0x88, $3  }
0x1: {  	(tag) =	ssettag $0x0;
	lr =	simm.s32 $0x1  }
0x2: {  	[smem:$0x3F9A] =	sst lr;
	_ =	strace $0xD0000000  }
0x3: {  	_ = 	snop  }
0x4: {  	_ = 	snop  }
0x5: {  	_ = 	snop  }
0x6: {  	_ = 	snop  }
0x7: {  	_ = 	snop  }
__scs_overlays_trampoline_lowered:
0x8: {  	[smem:$0x3FA9] =	sst s0  }
0x9: {  	[smem:$0x3FAA] =	sst s1  }
0xa: {  	[smem:$0x3FAB] =	sst s2  }
0xb: {  	[smem:$0x3FAC] =	sst s3  }
0xc: {  	[smem:$0x3FAD] =	sst s4  }
0xd: {  	[smem:$0x3FAE] =	sst s5  }
0xe: {  	[smem:$0x3FAF] =	sst s6  }
0xf: {  	[smem:$0x3FB0] =	sst s7  }
0x10: {  	[smem:$0x3FB1] =	sst s8  }
0x11: {  	[smem:$0x3FB2] =	sst s9;
	s0 =	simm.s32 @!p0 $0x0  }
0x12: {  	s1 =	sld [smem:$0x3F98];
	s0 =	simm.s32 @p0 $0x1  }
0x13: {  	[smem:$0x3FB3] =	sst s0;
	s0 =	simm.s32 @!p1 $0x0  }
0x14: {  	s2 =	sld [smem:$0x3F97];
	s0 =	simm.s32 @p1 $0x1  }
0x15: {  	[smem:$0x3FB4] =	sst s0;
	s0 =	simm.s32 @!p2 $0x0  }
0x16: {  	s3 =	sld [smem:$0x3FDB];
	s0 =	simm.s32 @p2 $0x1  }
0x17: {  	s4 =	simm.s32 $0x1BF5;
	[smem:$0x3FB6] =	sst s0  }
0x18: {  	s0 =	sld [smem:$0x3F99];
	_ =	swait.ge [sflag:s4], $0x0  }
0x19: {  	s7 =	sld [smem:$0x3F9A]  }
0x1a: {  	s8 =	sadd.s32 $0xFFFFE003, lr  }
0x1b: {  	s9 =	sadd.s32 $0xFFFFFEF7, lr;
	s5 =	simm.s32 $0xFFFFFFFF;
	p2 =	slt.u32 s8, $0xFFFFF086  }
0x1c: {  	p1 =	slt.u32 s9, $0xF7A;
	s5 =	simm.s32 @!p2 $0x0  }
0x1d: {  	s5 =	simm.s32 @p1 $0x1;
	p0 =	seq.s32 s7, s2  }
0x1e: {  	s7 =	smul.u32 @!p0 $0xF7A, s2;
	p2 =	seq.s32 @!p0 s5, $0x0  }
0x1f: {  	s9 =	smul.u32 $0xF7A, s1;
	s8 =	simm.s32 @!p0 $0x1BF5;
	p2 =	por !p2, p0  }
0x20: {  	[sflag:s8] =	ssyncset.s32 @!p0 $0xFFFFF086;
	s6 =	sadd.s32 @!p0 s3, s7;
	s7 =	simm.s32 @!p0 $0x108  }
0x21: {  	s3 =	sadd.s32 s3, s9;
	s6 =	sadd.s32 @!p0 $0x88, s6;
	s7 =	simm.s32 @p2 $0x1082  }
0x22: {  	[simem:s7], [sflag:s8] =	dma.local @!p0 [hbm:s6], $0xF7A  }
0x23: {  	s9 =	sor.u32 $0xD0000000, s2;
	s6 =	simm.s32 $0x108;
	_ =	swait.ge @!p0 [sflag:s8], $0x0  }
0x24: {  	s3 =	sadd.s32 $0x88, s3;
	s6 =	simm.s32 @!p1 $0x1082;
	[sflag:s4] =	ssyncset.s32 $0xFFFFF086  }
0x25: {  	[simem:s6], [sflag:s4] =	dma.local [hbm:s3], $0xF7A  }
0x26: {  	[smem:$0x3F9A] =	sst s1;
	(tag) =	ssettag s2;
	_ =	strace s9  }
0x27: {  	s1 =	sld [smem:$0x3FAA]  }
0x28: {  	s2 =	sld [smem:$0x3FAB]  }
0x29: {  	s4 =	sld [smem:$0x3FAD]  }
0x2a: {  	p0 =	seq.s32 s5, $0x0;
	s5 =	sld [smem:$0x3FAE]  }
0x2b: {  	s6 =	sld [smem:$0x3FAF]  }
0x2c: {  	s7 =	sld [smem:$0x3FB0]  }
0x2d: {  	s3 =	simm.s32 $0x108;
	s8 =	sld [smem:$0x3FB1]  }
0x2e: {  	s3 =	simm.s32 @!p0 $0x1082;
	s9 =	sld [smem:$0x3FB2]  }
0x2f: {  	lr =	sadd.s32 s0, s3;
	s0 =	sld [smem:$0x3FA9]  }
0x30: {  	s3 =	sld [smem:$0x3FAC]  }
0x31: {  	[smem:$0x3FB5] =	sst s10  }
0x32: {  	s10 =	sld [smem:$0x3FB3];
	_ =	sdelay $0x3  }
0x33: {  	p0 =	seq.s32 s10, $0x1;
	s10 =	sld [smem:$0x3FB5];
	_ =	sdelay $0x3  }
0x34: {  	[smem:$0x3FB5] =	sst s10  }
0x35: {  	s10 =	sld [smem:$0x3FB4];
	_ =	sdelay $0x3  }
0x36: {  	p1 =	seq.s32 s10, $0x1;
	s10 =	sld [smem:$0x3FB5];
	_ =	sdelay $0x3  }
0x37: {  	[smem:$0x3FB5] =	sst s10  }
0x38: {  	s10 =	sld [smem:$0x3FB6]  }
0x39: {  	_ = 	snop;
	(pc) =	sbr.ind lr, $3  }
0x3a: {  	_ = 	snop  }
0x3b: {  	_ = 	snop  }
0x3c: {  	p2 =	seq.s32 s10, $0x1;
	s10 =	sld [smem:$0x3FB5]  }
0x3d: {  	_ =	shalt  }
0x3e: {  	_ =	shalt  }
0x3f: {  	_ =	shalt  }
0x40: {  	_ =	shalt  }
0x41: {  	_ =	shalt  }
0x42: {  	_ =	shalt  }
0x43: {  	_ =	shalt  }
0x44: {  	_ =	shalt  }
0x45: {  	_ =	shalt  }
0x46: {  	_ =	shalt  }
0x47: {  	_ =	shalt  }
0x48: {  	_ =	shalt  }
0x49: {  	_ =	shalt  }
0x4a: {  	_ =	shalt  }
0x4b: {  	_ =	shalt  }
0x4c: {  	_ =	shalt  }
0x4d: {  	_ =	shalt  }
0x4e: {  	_ =	shalt  }
0x4f: {  	_ =	shalt  }
0x50: {  	_ =	shalt  }
0x51: {  	_ =	shalt  }
0x52: {  	_ =	shalt  }
0x53: {  	_ =	shalt  }
0x54: {  	_ =	shalt  }
0x55: {  	_ =	shalt  }
0x56: {  	_ =	shalt  }
0x57: {  	_ =	shalt  }
0x58: {  	_ =	shalt  }
0x59: {  	_ =	shalt  }
0x5a: {  	_ =	shalt  }
0x5b: {  	_ =	shalt  }
0x5c: {  	_ =	shalt  }
0x5d: {  	_ =	shalt  }
0x5e: {  	_ =	shalt  }
0x5f: {  	_ =	shalt  }
0x60: {  	_ =	shalt  }
0x61: {  	_ =	shalt  }
0x62: {  	_ =	shalt  }
0x63: {  	_ =	shalt  }
0x64: {  	_ =	shalt  }
0x65: {  	_ =	shalt  }
0x66: {  	_ =	shalt  }
0x67: {  	_ =	shalt  }
0x68: {  	_ =	shalt  }
0x69: {  	_ =	shalt  }
0x6a: {  	_ =	shalt  }
0x6b: {  	_ =	shalt  }
0x6c: {  	_ =	shalt  }
0x6d: {  	_ =	shalt  }
0x6e: {  	_ =	shalt  }
0x6f: {  	_ =	shalt  }
0x70: {  	_ =	shalt  }
0x71: {  	_ =	shalt  }
0x72: {  	_ =	shalt  }
0x73: {  	_ =	shalt  }
0x74: {  	_ =	shalt  }
0x75: {  	_ =	shalt  }
0x76: {  	_ =	shalt  }
0x77: {  	_ =	shalt  }
0x78: {  	_ =	shalt  }
0x79: {  	_ =	shalt  }
0x7a: {  	_ =	shalt  }
0x7b: {  	_ =	shalt  }
0x7c: {  	_ =	shalt  }
0x7d: {  	_ =	shalt  }
0x7e: {  	_ =	shalt  }
0x7f: {  	_ =	shalt  }
0x80: {  	_ =	shalt  }
0x81: {  	_ =	shalt  }
0x82: {  	_ =	shalt  }
0x83: {  	_ =	shalt  }
0x84: {  	_ =	shalt  }
0x85: {  	_ =	shalt  }
0x86: {  	_ =	shalt  }
0x87: {  	_ =	shalt  }
.Lfunc_end0:
.L_simem_size_0:
called_computation.2_lowered:
.L_overlay_start_0:
0x88: {  	s2 =	sld [smem:$0x3FD9]  }
0x89: {  	s3 =	sld [smem:$0x3FFE];
	_ =	sdelay $0x1  }
0x8a: {  	s1 =	srdreg.scid  }
0x8b: {  	s0 =	sand.u32 $0x1, s1  }
0x8c: {  	s16 =	sshll.u32 s0, $0xA;
	s2 =	sadd.s32 s3, s2  }
0x8d: {  	s2 =	sadd.s32 s2, s16  }
0x8e: {  	[smem:$0x3FC1] =	sst s2  }
0x8f: {  	_ = 	snop  }
0x90: {  	(tm) =	ssettm $0x1  }
0x91: {  	s17 =	sld [smem:$0x3FFB];
	_ =	sdelay $0x3  }
0x92: {  	_ =	strace s17  }
0x93: {  	s2 =	sld [smem:$0x3FFC];
	_ =	sdelay $0x3  }
0x94: {  	_ =	strace s2  }
0x95: {  	s2 =	sld [smem:$0x3FFD];
	_ =	sdelay $0x3  }
0x96: {  	_ =	strace s2  }
0x97: {  	_ =	strace $0x8FFFFFFF  }
0x98: {  	s18 =	sld [smem:$0x3FDB];
	_ =	sdelay $0x1  }
0x99: {  	s19 =	simm.s32 $_scs_section_size  }
0x9a: {  	s4 =	simm.s32 $_size__tile_overlayer_lowered;
	s5 =	simm.s32 $_tile_overlayer_lowered  }
0x9b: {  	s22 =	simm.s32 $0x1BFF;
	s21 =	sshll.u32 s5, $0x1;
	s2 =	sadd.s32 s19, s18  }
0x9c: {  	s6 =	simm.s32 $0x0;
	s20 =	sshll.u32 s4, $0x1;
	s4 =	sadd.s32 s21, s2  }
0x9d: {  	[timem:s6], [sflag:s22] =	dma.local [hbm:s4], s20  }
0x9e: {  	_ =	swait.ge [sflag:s22], s20  }
0x9f: {  	s3 =	ssub.s32 $0x0, s20;
	[sflag:s22] =	ssyncset.done $0x0  }
0xa0: {  	[sflag:s22] =	ssyncadd.s32 s3;
	_ =	sdelay $0x1  }
0xa1: {  	s23 =	simm.s32 $0x1B8B  }
0xa2: {  	_ =	swait.ge [sflag:s23], $0x1  }
0xa3: {  	[sflag:s23] =	ssyncset.done $0x0  }
0xa4: {  	s25 =	simm.s32 $0x1B8E;
	s24 =	sld [smem:$0x3FFE];
	[sflag:s23] =	ssyncadd.s32 $0xFFFFFFFF  }
0xa5: {  	s26 =	simm.s32 $execute0_lowered;
	[smem:$0x3FD2] =	sst s25  }
0xa6: {  	s4 =	sshll.u32 s26, $0x1;
	_ =	strace $0x8000004C;
	[dreg:$0x1] =	wrdreg $0xFFFFFFFF  }
0xa7: {  	s28 =	simm.s32 $_size_execute0_lowered;
	s2 =	sadd.s32 s2, s4;
	[dreg:$0x0] =	wrdreg $0x0  }
0xa8: {  	s4 =	sshll.u32 s28, $0x1;
	[dreg:$0x2] =	wrdreg s2  }
0xa9: {  	[dreg:$0x3] =	wrdreg s4  }
0xaa: {  	[dreg:$0x4] =	wrdreg $0xC0  }
0xab: {  	_ =	task [dreg:s6], $0x5FFFF  }
0xac: {  	[dreg:$0x1] =	wrdreg $0xFFFFFFFF  }
0xad: {  	[dreg:$0x0] =	wrdreg $0x60  }
0xae: {  	[dreg:$0x2] =	wrdreg s24  }
0xaf: {  	[dreg:$0x3] =	wrdreg $0x90000  }
0xb0: {  	[dreg:$0x4] =	wrdreg $0x9  }
0xb1: {  	_ =	task.clear_ibuf [dreg:s6], $0x5FFFF;
	_ =	strace $0x9000004C  }
0xb2: {  	s29 =	simm.s32 $0x9;
	_ =	strace $0x8000004E  }
0xb3: {  	_ =	swait.ge [sflag:s29], $0x1  }
0xb4: {  	[sflag:s29] =	ssyncadd.s32 $0xFFFFFFFF  }
0xb5: {  	_ =	strace $0x9000004E  }
0xb6: {  	_ =	sfence  }
0xb7: {  	s30 =	sld [smem:$0x0];
	_ =	sdelay $0x2  }
0xb8: {  	s31 =	sshll.u32 s1, $0xD;
	s1 =	sshrl.u32 s1, $0x2  }
0xb9: {  	s3 =	sand.u32 $0x4000, s31;
	s1 =	sadd.s32 s1, s30  }
0xba: {  	s0 =	sor.u32 s3, s0;
	s1 =	sshll.u32 s1, $0x11  }
0xbb: {  	s0 =	sor.u32 s1, s0  }
0xbc: {  	s0 =	sadd.s32 $0x8F2B, s0  }
0xbd: {  	[sflag:s0] =	ssyncadd.remote.s32 $0x1  }
0xbe: {  	_ =	sfence.sel $0xFFFF  }
0xbf: {  	[dreg:$0x0] =	wrdreg $0xFFFFFFFF;
	(pc) =	sbr.abs _section_cstart, $3  }
0xc0: {  	[dreg:$0x1] =	wrdreg $0xFFFFFFFF  }
0xc1: {  	_ =	task.clear_ibuf [dreg:s6], $0x2FFFF;
	_ =	strace $0x9FFFFFFF  }
0xc2: {  	(tm) =	ssettm $0x7FFFFFFF  }
0xc3: {  	_ =	shalt  }
tec
execute0_lowered:
.L_overlay_start_1:
0x0: {  	(tag) =	ssettag $0x1  }
0x1: {  	s0 =	rddreg [dreg:$0x0]  }
0x2: {  	s1 =	rddreg [dreg:$0x1];
	s3 =	simm.s32 $0x0;
	s2 =	srdreg.scid  }
0x3: {  	s11 =	stileid.u32;
	s16 =	simm.s32 $0x4;
	s18 =	simm.s32 $0x400  }
0x4: {  	s19 =	simm.s32 $0xC00;
	s20 =	simm.s32 $0x80;
	s21 =	simm.s32 $0x1000  }
0x5: {  	s22 =	simm.s32 $0x5000;
	s23 =	simm.s32 $0x1;
	[smem:$0x7FF] =	sst s3  }
0x6: {  	s2 =	sand.u32 $0x1, s2;
	s7 =	smul.u32 $0x13C00, s11;
	s4 =	sadd.s32 $0x68A00, s0  }
0x7: {  	s14 =	sadd.s32 $0x5EA00, s0;
	s13 =	sadd.s32 $0x2A00, s0;
	s9 =	smul.u32 $0x4F000, s11  }
0x8: {  	s5 =	sadd.s32 $0xCA00, s0;
	s26 =	sshll.u32 s11, $0x6;
	s28 =	smul.u32 $0x2800, s11  }
0x9: {  	s6 =	smul.u32 $0x13C000, s2;
	_ =	strace $0x8000004D;
	s8 =	ssub.s32 $0x2, s2  }
0xa: {  	s24 =	sshll.u32 s2, $0x4;
	s2 =	smul.u32 $0x28000, s2;
	s10 =	sshrl.u32 s8, $0x1  }
0xb: {  	s25 =	sshrl.u32 s9, $0x2;
	s6 =	sadd.s32 s7, s6;
	s7 =	sor.u32 s11, s24  }
0xc: {  	s12 =	ssub.s32 s8, s10;
	s15 =	sadd.s32 s25, s1;
	s2 =	sadd.s32 s28, s2  }
0xd: {  	s24 =	simm.s32 $0x2;
	s25 =	simm.s32 $0x3;
	s6 =	sshrl.u32 s6, $0x3  }
0xe: {  	s7 =	smul.u32 $0x2800, s7;
	s2 =	sadd.s32 $0x800, s2;
	s12 =	smax.u32 s12, $0x1  }
.Ltmp0:
0xf: {  	s15 =	sshrl.u32 s15, $0x3;
	s0 =	sadd.s32 s6, s0;
	(pc) =	sbr.rel .LBB2_1-.Ltmp0, $4  }
0x10: {  	s6 =	sor.u32 $0x1C04, s26;
	s31 =	sshrl.u32 s2, $0x3;
	s29 =	sshrl.u32 s7, $0x3  }
0x11: {  	s26 =	simm.s32 $0x0;
	s11 =	sadd.s32 $0x90200, s0;
	s30 =	sor.u32 $0x80, s29  }
0x12: {  	s7 =	sadd.s32 s14, s29;
	s8 =	sadd.s32 s13, s29;
	s9 =	sadd.s32 s14, s30  }
0x13: {  	s10 =	sadd.s32 s13, s30;
	s13 =	sadd.s32 s31, s13;
	s14 =	sadd.s32 s31, s14  }
.LBB2_3:
0x14: {  	_ =	swait.ge [sflag:s24], $0x4000  }
0x15: {  	[sflag:s24] =	ssyncset.done $0x0  }
0x16: {  	s0 =	sor.u32 $0x800, s2;
	[sflag:s24] =	ssyncadd.s32 $0xFFFFC000  }
0x17: {  	[spmem:s1] =	stream.indirect.scatter.add.f32 [tilespmem:s22], [sflag:$0x4], $0x80, s0, s20, $0xb8;
	[tilespmem:$0x1CC00] =	vst v63  }
0x18: {  	_ =	swait.ge [sflag:s16], $0x4000  }
0x19: {  	[sflag:s16] =	ssyncset.done $0x0  }
0x1a: {  	[sflag:s16] =	ssyncadd.s32 $0xFFFFC000  }
.LBB2_5:
0x1b: {  	s26 =	sadd.s32 $0x1, s26  }
0x1c: {  	p0 =	sne.s32 s26, s12  }
.Ltmp1:
0x1d: {  	[bflag:$0x0] =	sbarrier.arrive $0xFFFF;
	(pc) =	sbr.rel @!p0 .LBB2_6-.Ltmp1, $4  }
0x1e: {  	[hbm:s11], [sflag:s6] =	dma.local [spmem:s15], $0x2780  }
0x1f: {  	_ =	swait.ge [sflag:s16], $0x2780  }
0x20: {  	[sflag:s16] =	ssyncset.done $0x0  }
0x21: {  	[sflag:s16] =	ssyncadd.s32 $0xFFFFD880  }
.LBB2_1:
0x22: {  	[spmem:s15], [sflag:s6] =	dma.local [hbm:s5], $0x2780  }
0x23: {  	_ =	swait.ge [sflag:s16], $0x2780  }
0x24: {  	[sflag:s16] =	ssyncset.done $0x0  }
0x25: {  	[sflag:s16] =	ssyncadd.s32 $0xFFFFD880  }
0x26: {  	[tilespmem:s3], [sflag:$0x4] =	stream.linear.gather [hbm4b:s7+s3], $0x400, $0x38;
	[tilespmem:$0x1CC00] =	vst v63  }
0x27: {  	_ =	swait.ge [sflag:s16], $0x400  }
0x28: {  	[sflag:s16] =	ssyncset.done $0x0  }
0x29: {  	s0 =	simm.s32 $0x800;
	[sflag:s16] =	ssyncadd.s32 $0xFFFFFC00  }
0x2a: {  	[tilespmem:s0], [sflag:$0x4] =	stream.linear.gather [hbm4b:s8+s3], $0x400, $0x38;
	[tilespmem:$0x1CC00] =	vst v63  }
0x2b: {  	_ =	swait.ge [sflag:s16], $0x400  }
0x2c: {  	[sflag:s16] =	ssyncset.done $0x0  }
0x2d: {  	[sflag:s16] =	ssyncadd.s32 $0xFFFFFC00  }
0x2e: {  	[tilespmem:s18], [sflag:$0x3] =	stream.linear.gather [hbm4b:s9+s3], $0x400, $0x38;
	[tilespmem:$0x1CC00] =	vst v63  }
0x2f: {  	_ = 	snop  }
0x30: {  	[tilespmem:s19], [sflag:$0x3] =	stream.linear.gather [hbm4b:s10+s3], $0x400, $0x38;
	[tilespmem:$0x1CC00] =	vst v63  }
0x31: {  	[bflag:$0x0] =	sbarrier.arrive $0xFFFF  }
0x32: {  	[tilespmem:s21], [sflag:$0x1] =	stream.indirect.gather [hbm4b:s4+s20], $0x80, s3, s20, $0xb8;
	[tilespmem:$0x1CC00] =	vst v63  }
0x33: {  	s28 =	smov.u32 s14;
	s29 =	smov.u32 s13;
	s30 =	simm.s32 $0x0  }
0x34: {  	[tilespmem:s22], [sflag:$0x2] =	stream.indirect.gather [hbm4b:s4+s20], $0x80, s20, s20, $0xb8;
	[tilespmem:$0x1CC00] =	vst v63  }
.LBB2_2:
0x35: {  	s0 =	sand.u32 $0x1, s30;
	_ =	swait.ge [sflag:s23], $0x4000  }
0x36: {  	[sflag:s23] =	ssyncset.done $0x0;
	s31 =	sshll.u32 s0, $0xA  }
0x37: {  	[sflag:s23] =	ssyncadd.s32 $0xFFFFC000;
	s0 =	sor.u32 $0x800, s31  }
0x38: {  	[spmem:s1] =	stream.indirect.scatter.add.f32 [tilespmem:s21], [sflag:$0x4], $0x80, s0, s20, $0xb8;
	[tilespmem:$0x1CC00] =	vst v63  }
0x39: {  	_ =	swait.ge [sflag:s16], $0x4000  }
0x3a: {  	[sflag:s16] =	ssyncset.done $0x0  }
0x3b: {  	s2 =	sor.u32 $0x100, s31;
	[sflag:s16] =	ssyncadd.s32 $0xFFFFC000  }
0x3c: {  	[tilespmem:s21], [sflag:$0x1] =	stream.indirect.gather [hbm4b:s4+s20], $0x80, s2, s20, $0xb8;
	[tilespmem:$0x1CC00] =	vst v63  }
0x3d: {  	_ =	swait.ge [sflag:s24], $0x4000  }
0x3e: {  	[sflag:s24] =	ssyncset.done $0x0  }
0x3f: {  	s17 =	sor.u32 $0x880, s31;
	[sflag:s24] =	ssyncadd.s32 $0xFFFFC000  }
0x40: {  	[spmem:s1] =	stream.indirect.scatter.add.f32 [tilespmem:s22], [sflag:$0x4], $0x80, s17, s20, $0xb8;
	[tilespmem:$0x1CC00] =	vst v63  }
0x41: {  	_ =	swait.ge [sflag:s16], $0x4000  }
0x42: {  	[sflag:s16] =	ssyncset.done $0x0  }
0x43: {  	s17 =	sor.u32 $0x180, s31;
	[sflag:s16] =	ssyncadd.s32 $0xFFFFC000  }
0x44: {  	[tilespmem:s22], [sflag:$0x2] =	stream.indirect.gather [hbm4b:s4+s20], $0x80, s17, s20, $0xb8;
	[tilespmem:$0x1CC00] =	vst v63  }
0x45: {  	_ =	swait.ge [sflag:s23], $0x4000  }
0x46: {  	[sflag:s23] =	ssyncset.done $0x0  }
0x47: {  	s17 =	sor.u32 $0x900, s31;
	[sflag:s23] =	ssyncadd.s32 $0xFFFFC000  }
0x48: {  	[spmem:s1] =	stream.indirect.scatter.add.f32 [tilespmem:s21], [sflag:$0x4], $0x80, s17, s20, $0xb8;
	[tilespmem:$0x1CC00] =	vst v63  }
0x49: {  	_ =	swait.ge [sflag:s16], $0x4000  }
0x4a: {  	[sflag:s16] =	ssyncset.done $0x0  }
0x4b: {  	s17 =	sor.u32 $0x200, s31;
	[sflag:s16] =	ssyncadd.s32 $0xFFFFC000  }
0x4c: {  	[tilespmem:s21], [sflag:$0x1] =	stream.indirect.gather [hbm4b:s4+s20], $0x80, s17, s20, $0xb8;
	[tilespmem:$0x1CC00] =	vst v63  }
0x4d: {  	_ =	swait.ge [sflag:s24], $0x4000  }
0x4e: {  	[sflag:s24] =	ssyncset.done $0x0  }
0x4f: {  	s17 =	sor.u32 $0x980, s31;
	[sflag:s24] =	ssyncadd.s32 $0xFFFFC000  }
0x50: {  	[spmem:s1] =	stream.indirect.scatter.add.f32 [tilespmem:s22], [sflag:$0x4], $0x80, s17, s20, $0xb8;
	[tilespmem:$0x1CC00] =	vst v63  }
0x51: {  	_ =	swait.ge [sflag:s16], $0x4000  }
0x52: {  	[sflag:s16] =	ssyncset.done $0x0  }
0x53: {  	s17 =	sor.u32 $0x280, s31;
	[sflag:s16] =	ssyncadd.s32 $0xFFFFC000  }
0x54: {  	[tilespmem:s22], [sflag:$0x2] =	stream.indirect.gather [hbm4b:s4+s20], $0x80, s17, s20, $0xb8;
	[tilespmem:$0x1CC00] =	vst v63  }
0x55: {  	_ =	swait.ge [sflag:s23], $0x4000  }
0x56: {  	[sflag:s23] =	ssyncset.done $0x0  }
0x57: {  	s17 =	sor.u32 $0xA00, s31;
	[sflag:s23] =	ssyncadd.s32 $0xFFFFC000  }
0x58: {  	[spmem:s1] =	stream.indirect.scatter.add.f32 [tilespmem:s21], [sflag:$0x4], $0x80, s17, s20, $0xb8;
	[tilespmem:$0x1CC00] =	vst v63  }
0x59: {  	_ =	swait.ge [sflag:s16], $0x4000  }
0x5a: {  	[sflag:s16] =	ssyncset.done $0x0  }
0x5b: {  	s17 =	sor.u32 $0x300, s31;
	[sflag:s16] =	ssyncadd.s32 $0xFFFFC000  }
0x5c: {  	[tilespmem:s21], [sflag:$0x1] =	stream.indirect.gather [hbm4b:s4+s20], $0x80, s17, s20, $0xb8;
	[tilespmem:$0x1CC00] =	vst v63  }
0x5d: {  	_ =	swait.ge [sflag:s24], $0x4000  }
0x5e: {  	[sflag:s24] =	ssyncset.done $0x0  }
0x5f: {  	s17 =	sor.u32 $0xA80, s31;
	[sflag:s24] =	ssyncadd.s32 $0xFFFFC000  }
0x60: {  	[spmem:s1] =	stream.indirect.scatter.add.f32 [tilespmem:s22], [sflag:$0x4], $0x80, s17, s20, $0xb8;
	[tilespmem:$0x1CC00] =	vst v63  }
0x61: {  	_ =	swait.ge [sflag:s16], $0x4000  }
0x62: {  	[sflag:s16] =	ssyncset.done $0x0  }
0x63: {  	s2 =	sor.u32 $0x380, s31;
	[sflag:s16] =	ssyncadd.s32 $0xFFFFC000  }
0x64: {  	[tilespmem:s22], [sflag:$0x2] =	stream.indirect.gather [hbm4b:s4+s20], $0x80, s2, s20, $0xb8;
	[tilespmem:$0x1CC00] =	vst v63  }
0x65: {  	_ =	swait.ge [sflag:s23], $0x4000  }
0x66: {  	p0 =	sne.s32 s30, $0x9;
	[sflag:s23] =	ssyncset.done $0x0  }
.Ltmp2:
0x67: {  	s17 =	sor.u32 $0xB00, s31;
	[sflag:s23] =	ssyncadd.s32 $0xFFFFC000;
	(pc) =	sbr.rel @!p0 .LBB2_3-.Ltmp2, $4  }
0x68: {  	[spmem:s1] =	stream.indirect.scatter.add.f32 [tilespmem:s21], [sflag:$0x4], $0x80, s17, s20, $0xb8;
	[tilespmem:$0x1CC00] =	vst v63  }
0x69: {  	_ =	swait.ge [sflag:s16], $0x4000  }
0x6a: {  	[sflag:s16] =	ssyncset.done $0x0  }
0x6b: {  	[sflag:s16] =	ssyncadd.s32 $0xFFFFC000  }
0x6c: {  	_ =	swait.ge [sflag:s25], $0x400  }
0x6d: {  	[sflag:s25] =	ssyncset.done $0x0  }
0x6e: {  	[sflag:s25] =	ssyncadd.s32 $0xFFFFFC00  }
0x6f: {  	_ =	swait.ge [sflag:s25], $0x400  }
0x70: {  	[sflag:s25] =	ssyncset.done $0x0  }
0x71: {  	s17 =	sxor.u32 $0x400, s31;
	[sflag:s25] =	ssyncadd.s32 $0xFFFFFC00  }
0x72: {  	[tilespmem:s21], [sflag:$0x1] =	stream.indirect.gather [hbm4b:s4+s20], $0x80, s17, s20, $0xb8;
	[tilespmem:$0x1CC00] =	vst v63  }
0x73: {  	_ =	swait.ge [sflag:s24], $0x4000  }
0x74: {  	[sflag:s24] =	ssyncset.done $0x0  }
0x75: {  	s2 =	sor.u32 $0x800, s2;
	[sflag:s24] =	ssyncadd.s32 $0xFFFFC000  }
0x76: {  	[spmem:s1] =	stream.indirect.scatter.add.f32 [tilespmem:s22], [sflag:$0x4], $0x80, s2, s20, $0xb8;
	[tilespmem:$0x1CC00] =	vst v63  }
0x77: {  	_ =	swait.ge [sflag:s16], $0x4000  }
0x78: {  	[sflag:s16] =	ssyncset.done $0x0  }
0x79: {  	p0 =	sgt.u32 s30, $0x7;
	s17 =	sor.u32 $0x80, s17;
	[sflag:s16] =	ssyncadd.s32 $0xFFFFC000  }
0x7a: {  	[tilespmem:s22], [sflag:$0x2] =	stream.indirect.gather [hbm4b:s4+s20], $0x80, s17, s20, $0xb8;
	[tilespmem:$0x1CC00] =	vst v63  }
0x7b: {  	s2 =	simm.s32 @!p0 $0x0  }
0x7c: {  	[tilespmem:s31], [sflag:$0x3] =	stream.linear.gather @!p0 [hbm4b:s28+s2], $0x400, $0x38;
	[tilespmem:$0x1CC00] =	vst v63  }
0x7d: {  	s30 =	sadd.s32 $0x1, s30  }
0x7e: {  	[tilespmem:s0], [sflag:$0x3] =	stream.linear.gather @!p0 [hbm4b:s29+s2], $0x400, $0x38;
	[tilespmem:$0x1CC00] =	vst v63  }
0x7f: {  	p0 =	sne.s32 s30, $0xA  }
.Ltmp3:
0x80: {  	_ = 	snop;
	(pc) =	sbr.rel @p0 .LBB2_2-.Ltmp3, $4  }
.Ltmp4:
0x81: {  	_ = 	snop;
	(pc) =	sbr.rel @!p0 .LBB2_5-.Ltmp4, $4  }
0x82: {  	_ = 	snop  }
0x83: {  	_ = 	snop  }
0x84: {  	s28 =	sadd.s32 $0x80, s28;
	s29 =	sadd.s32 $0x80, s29  }
0x85: {  	_ = 	snop  }
.LBB2_6:
0x86: {  	_ =	sfence.sel $0x180000  }
0x87: {  	[bflag:$0x0] =	sbarrier.arrive $0xFFFF  }
0x88: {  	_ =	strace $0x9000004D  }
0x89: {  	s0 =	stileid.u32;
	[bflag:$0x2] =	sbarrier.arrive $0xFFFF  }
0x8a: {  	p0 =	sne.s32 s0, $0x0;
	s0 =	rddreg [dreg:$0x2]  }
0x8b: {  	s0 =	sadd.s32 @!p0 $0x100000, s0  }
0x8c: {  	[sflag:s0] =	ssyncadd.tile.s32 @!p0 $0x1;
	_ =	shalt  }
.Lfunc_end2:
_tile_overlayer_lowered:
.L_overlay_start_2:
0x8d: {  	(tag) =	ssettag $0x2  }
0x8e: {  	s0 =	rddreg [dreg:$0x0];
	s2 =	stileid.u32  }
0x8f: {  	s1 =	rddreg [dreg:$0x1];
	p0 =	sne.s32 s2, $0x0  }
0x90: {  	s3 =	rddreg [dreg:$0x2];
	[bflag:$0x3] =	sbarrier.arrive $0xFFFF;
	s2 =	simm.s32 @!p0 $0x1C04  }
0x91: {  	[timem:s3], [sflag:s2] =	dma.local @!p0 [hbm:s0], s1  }
0x92: {  	s0 =	simm.s32 @!p0 $0x4  }
0x93: {  	_ =	swait.ge @!p0 [sflag:s0], s1  }
0x94: {  	s1 =	ssub.s32 @!p0 $0x0, s1;
	[sflag:s0] =	ssyncset.done @!p0 $0x0  }
0x95: {  	[sflag:s0] =	ssyncadd.s32 @!p0 s1  }
0x96: {  	[bflag:$0x3] =	sbarrier.arrive $0xFFFF  }
0x97: {  	_ =	shalt  }

// kernel: kernel.8.cloned.1.call-start
scs
__scs_entry_jumppad:
0x0: {  	(pc) =	sbr.rel $0x88, $3  }
0x1: {  	(tag) =	ssettag $0x0;
	lr =	simm.s32 $0x1  }
0x2: {  	[smem:$0x3F9A] =	sst lr;
	_ =	strace $0xD0000000  }
0x3: {  	_ = 	snop  }
0x4: {  	_ = 	snop  }
0x5: {  	_ = 	snop  }
0x6: {  	_ = 	snop  }
0x7: {  	_ = 	snop  }
__scs_overlays_trampoline_lowered:
0x8: {  	[smem:$0x3FA9] =	sst s0  }
0x9: {  	[smem:$0x3FAA] =	sst s1  }
0xa: {  	[smem:$0x3FAB] =	sst s2  }
0xb: {  	[smem:$0x3FAC] =	sst s3  }
0xc: {  	[smem:$0x3FAD] =	sst s4  }
0xd: {  	[smem:$0x3FAE] =	sst s5  }
0xe: {  	[smem:$0x3FAF] =	sst s6  }
0xf: {  	[smem:$0x3FB0] =	sst s7  }
0x10: {  	[smem:$0x3FB1] =	sst s8  }
0x11: {  	[smem:$0x3FB2] =	sst s9;
	s0 =	simm.s32 @!p0 $0x0  }
0x12: {  	s1 =	sld [smem:$0x3F98];
	s0 =	simm.s32 @p0 $0x1  }
0x13: {  	[smem:$0x3FB3] =	sst s0;
	s0 =	simm.s32 @!p1 $0x0  }
0x14: {  	s2 =	sld [smem:$0x3F97];
	s0 =	simm.s32 @p1 $0x1  }
0x15: {  	[smem:$0x3FB4] =	sst s0;
	s0 =	simm.s32 @!p2 $0x0  }
0x16: {  	s3 =	sld [smem:$0x3FDB];
	s0 =	simm.s32 @p2 $0x1  }
0x17: {  	s4 =	simm.s32 $0x1BF5;
	[smem:$0x3FB6] =	sst s0  }
0x18: {  	s0 =	sld [smem:$0x3F99];
	_ =	swait.ge [sflag:s4], $0x0  }
0x19: {  	s7 =	sld [smem:$0x3F9A]  }
0x1a: {  	s8 =	sadd.s32 $0xFFFFE003, lr  }
0x1b: {  	s9 =	sadd.s32 $0xFFFFFEF7, lr;
	s5 =	simm.s32 $0xFFFFFFFF;
	p2 =	slt.u32 s8, $0xFFFFF086  }
0x1c: {  	p1 =	slt.u32 s9, $0xF7A;
	s5 =	simm.s32 @!p2 $0x0  }
0x1d: {  	s5 =	simm.s32 @p1 $0x1;
	p0 =	seq.s32 s7, s2  }
0x1e: {  	s7 =	smul.u32 @!p0 $0xF7A, s2;
	p2 =	seq.s32 @!p0 s5, $0x0  }
0x1f: {  	s9 =	smul.u32 $0xF7A, s1;
	s8 =	simm.s32 @!p0 $0x1BF5;
	p2 =	por !p2, p0  }
0x20: {  	[sflag:s8] =	ssyncset.s32 @!p0 $0xFFFFF086;
	s6 =	sadd.s32 @!p0 s3, s7;
	s7 =	simm.s32 @!p0 $0x108  }
0x21: {  	s3 =	sadd.s32 s3, s9;
	s6 =	sadd.s32 @!p0 $0x88, s6;
	s7 =	simm.s32 @p2 $0x1082  }
0x22: {  	[simem:s7], [sflag:s8] =	dma.local @!p0 [hbm:s6], $0xF7A  }
0x23: {  	s9 =	sor.u32 $0xD0000000, s2;
	s6 =	simm.s32 $0x108;
	_ =	swait.ge @!p0 [sflag:s8], $0x0  }
0x24: {  	s3 =	sadd.s32 $0x88, s3;
	s6 =	simm.s32 @!p1 $0x1082;
	[sflag:s4] =	ssyncset.s32 $0xFFFFF086  }
0x25: {  	[simem:s6], [sflag:s4] =	dma.local [hbm:s3], $0xF7A  }
0x26: {  	[smem:$0x3F9A] =	sst s1;
	(tag) =	ssettag s2;
	_ =	strace s9  }
0x27: {  	s1 =	sld [smem:$0x3FAA]  }
0x28: {  	s2 =	sld [smem:$0x3FAB]  }
0x29: {  	s4 =	sld [smem:$0x3FAD]  }
0x2a: {  	p0 =	seq.s32 s5, $0x0;
	s5 =	sld [smem:$0x3FAE]  }
0x2b: {  	s6 =	sld [smem:$0x3FAF]  }
0x2c: {  	s7 =	sld [smem:$0x3FB0]  }
0x2d: {  	s3 =	simm.s32 $0x108;
	s8 =	sld [smem:$0x3FB1]  }
0x2e: {  	s3 =	simm.s32 @!p0 $0x1082;
	s9 =	sld [smem:$0x3FB2]  }
0x2f: {  	lr =	sadd.s32 s0, s3;
	s0 =	sld [smem:$0x3FA9]  }
0x30: {  	s3 =	sld [smem:$0x3FAC]  }
0x31: {  	[smem:$0x3FB5] =	sst s10  }
0x32: {  	s10 =	sld [smem:$0x3FB3];
	_ =	sdelay $0x3  }
0x33: {  	p0 =	seq.s32 s10, $0x1;
	s10 =	sld [smem:$0x3FB5];
	_ =	sdelay $0x3  }
0x34: {  	[smem:$0x3FB5] =	sst s10  }
0x35: {  	s10 =	sld [smem:$0x3FB4];
	_ =	sdelay $0x3  }
0x36: {  	p1 =	seq.s32 s10, $0x1;
	s10 =	sld [smem:$0x3FB5];
	_ =	sdelay $0x3  }
0x37: {  	[smem:$0x3FB5] =	sst s10  }
0x38: {  	s10 =	sld [smem:$0x3FB6]  }
0x39: {  	_ = 	snop;
	(pc) =	sbr.ind lr, $3  }
0x3a: {  	_ = 	snop  }
0x3b: {  	_ = 	snop  }
0x3c: {  	p2 =	seq.s32 s10, $0x1;
	s10 =	sld [smem:$0x3FB5]  }
0x3d: {  	_ =	shalt  }
0x3e: {  	_ =	shalt  }
0x3f: {  	_ =	shalt  }
0x40: {  	_ =	shalt  }
0x41: {  	_ =	shalt  }
0x42: {  	_ =	shalt  }
0x43: {  	_ =	shalt  }
0x44: {  	_ =	shalt  }
0x45: {  	_ =	shalt  }
0x46: {  	_ =	shalt  }
0x47: {  	_ =	shalt  }
0x48: {  	_ =	shalt  }
0x49: {  	_ =	shalt  }
0x4a: {  	_ =	shalt  }
0x4b: {  	_ =	shalt  }
0x4c: {  	_ =	shalt  }
0x4d: {  	_ =	shalt  }
0x4e: {  	_ =	shalt  }
0x4f: {  	_ =	shalt  }
0x50: {  	_ =	shalt  }
0x51: {  	_ =	shalt  }
0x52: {  	_ =	shalt  }
0x53: {  	_ =	shalt  }
0x54: {  	_ =	shalt  }
0x55: {  	_ =	shalt  }
0x56: {  	_ =	shalt  }
0x57: {  	_ =	shalt  }
0x58: {  	_ =	shalt  }
0x59: {  	_ =	shalt  }
0x5a: {  	_ =	shalt  }
0x5b: {  	_ =	shalt  }
0x5c: {  	_ =	shalt  }
0x5d: {  	_ =	shalt  }
0x5e: {  	_ =	shalt  }
0x5f: {  	_ =	shalt  }
0x60: {  	_ =	shalt  }
0x61: {  	_ =	shalt  }
0x62: {  	_ =	shalt  }
0x63: {  	_ =	shalt  }
0x64: {  	_ =	shalt  }
0x65: {  	_ =	shalt  }
0x66: {  	_ =	shalt  }
0x67: {  	_ =	shalt  }
0x68: {  	_ =	shalt  }
0x69: {  	_ =	shalt  }
0x6a: {  	_ =	shalt  }
0x6b: {  	_ =	shalt  }
0x6c: {  	_ =	shalt  }
0x6d: {  	_ =	shalt  }
0x6e: {  	_ =	shalt  }
0x6f: {  	_ =	shalt  }
0x70: {  	_ =	shalt  }
0x71: {  	_ =	shalt  }
0x72: {  	_ =	shalt  }
0x73: {  	_ =	shalt  }
0x74: {  	_ =	shalt  }
0x75: {  	_ =	shalt  }
0x76: {  	_ =	shalt  }
0x77: {  	_ =	shalt  }
0x78: {  	_ =	shalt  }
0x79: {  	_ =	shalt  }
0x7a: {  	_ =	shalt  }
0x7b: {  	_ =	shalt  }
0x7c: {  	_ =	shalt  }
0x7d: {  	_ =	shalt  }
0x7e: {  	_ =	shalt  }
0x7f: {  	_ =	shalt  }
0x80: {  	_ =	shalt  }
0x81: {  	_ =	shalt  }
0x82: {  	_ =	shalt  }
0x83: {  	_ =	shalt  }
0x84: {  	_ =	shalt  }
0x85: {  	_ =	shalt  }
0x86: {  	_ =	shalt  }
0x87: {  	_ =	shalt  }
.Lfunc_end0:
.L_simem_size_0:
called_computation_lowered:
.L_overlay_start_0:
0x88: {  	s2 =	sld [smem:$0x3FD9]  }
0x89: {  	s3 =	sld [smem:$0x3FFE];
	_ =	sdelay $0x1  }
0x8a: {  	s1 =	srdreg.scid  }
0x8b: {  	s0 =	sand.u32 $0x1, s1  }
0x8c: {  	s16 =	sshll.u32 s0, $0xA;
	s2 =	sadd.s32 s3, s2  }
0x8d: {  	s2 =	sadd.s32 s2, s16  }
0x8e: {  	[smem:$0x3FC1] =	sst s2  }
0x8f: {  	_ = 	snop  }
0x90: {  	(tm) =	ssettm $0x1  }
0x91: {  	s17 =	sld [smem:$0x3FFB];
	_ =	sdelay $0x3  }
0x92: {  	_ =	strace s17  }
0x93: {  	s2 =	sld [smem:$0x3FFC];
	_ =	sdelay $0x3  }
0x94: {  	_ =	strace s2  }
0x95: {  	s2 =	sld [smem:$0x3FFD];
	_ =	sdelay $0x3  }
0x96: {  	_ =	strace s2  }
0x97: {  	_ =	strace $0x8FFFFFFF  }
0x98: {  	s18 =	sld [smem:$0x3FDB];
	_ =	sdelay $0x1  }
0x99: {  	s19 =	simm.s32 $_scs_section_size  }
0x9a: {  	s4 =	simm.s32 $_size__tile_overlayer_lowered;
	s5 =	simm.s32 $_tile_overlayer_lowered  }
0x9b: {  	s22 =	simm.s32 $0x1BFF;
	s21 =	sshll.u32 s5, $0x1;
	s2 =	sadd.s32 s19, s18  }
0x9c: {  	s6 =	simm.s32 $0x0;
	s20 =	sshll.u32 s4, $0x1;
	s4 =	sadd.s32 s21, s2  }
0x9d: {  	[timem:s6], [sflag:s22] =	dma.local [hbm:s4], s20  }
0x9e: {  	_ =	swait.ge [sflag:s22], s20  }
0x9f: {  	s3 =	ssub.s32 $0x0, s20;
	[sflag:s22] =	ssyncset.done $0x0  }
0xa0: {  	[sflag:s22] =	ssyncadd.s32 s3;
	_ =	sdelay $0x1  }
0xa1: {  	s23 =	simm.s32 $0x1B8B  }
0xa2: {  	_ =	swait.ge [sflag:s23], $0x1  }
0xa3: {  	[sflag:s23] =	ssyncset.done $0x0  }
0xa4: {  	s25 =	simm.s32 $0x1B8E;
	s24 =	sld [smem:$0x3FFE];
	[sflag:s23] =	ssyncadd.s32 $0xFFFFFFFF  }
0xa5: {  	s26 =	simm.s32 $execute0_lowered;
	[smem:$0x3FD2] =	sst s25  }
0xa6: {  	s4 =	sshll.u32 s26, $0x1;
	_ =	strace $0x80000046;
	[dreg:$0x1] =	wrdreg $0xFFFFFFFF  }
0xa7: {  	s28 =	simm.s32 $_size_execute0_lowered;
	s2 =	sadd.s32 s2, s4;
	[dreg:$0x0] =	wrdreg $0x0  }
0xa8: {  	s4 =	sshll.u32 s28, $0x1;
	[dreg:$0x2] =	wrdreg s2  }
0xa9: {  	[dreg:$0x3] =	wrdreg s4  }
0xaa: {  	[dreg:$0x4] =	wrdreg $0xC0  }
0xab: {  	_ =	task [dreg:s6], $0x5FFFF  }
0xac: {  	[dreg:$0x1] =	wrdreg $0xFFFFFFFF  }
0xad: {  	[dreg:$0x0] =	wrdreg $0x60  }
0xae: {  	[dreg:$0x2] =	wrdreg s24  }
0xaf: {  	[dreg:$0x3] =	wrdreg $0x68000  }
0xb0: {  	[dreg:$0x4] =	wrdreg $0x9  }
0xb1: {  	_ =	task.clear_ibuf [dreg:s6], $0x5FFFF;
	_ =	strace $0x90000046  }
0xb2: {  	s29 =	simm.s32 $0x9;
	_ =	strace $0x80000048  }
0xb3: {  	_ =	swait.ge [sflag:s29], $0x1  }
0xb4: {  	[sflag:s29] =	ssyncadd.s32 $0xFFFFFFFF  }
0xb5: {  	_ =	strace $0x90000048  }
0xb6: {  	_ =	sfence  }
0xb7: {  	s30 =	sld [smem:$0x0];
	_ =	sdelay $0x2  }
0xb8: {  	s31 =	sshll.u32 s1, $0xD;
	s1 =	sshrl.u32 s1, $0x2  }
0xb9: {  	s3 =	sand.u32 $0x4000, s31;
	s1 =	sadd.s32 s1, s30  }
0xba: {  	s0 =	sor.u32 s3, s0;
	s1 =	sshll.u32 s1, $0x11  }
0xbb: {  	s0 =	sor.u32 s1, s0  }
0xbc: {  	s0 =	sadd.s32 $0x8F2B, s0  }
0xbd: {  	[sflag:s0] =	ssyncadd.remote.s32 $0x1  }
0xbe: {  	_ =	sfence.sel $0xFFFF  }
0xbf: {  	[dreg:$0x0] =	wrdreg $0xFFFFFFFF;
	(pc) =	sbr.abs _section_cstart, $3  }
0xc0: {  	[dreg:$0x1] =	wrdreg $0xFFFFFFFF  }
0xc1: {  	_ =	task.clear_ibuf [dreg:s6], $0x2FFFF;
	_ =	strace $0x9FFFFFFF  }
0xc2: {  	(tm) =	ssettm $0x7FFFFFFF  }
0xc3: {  	_ =	shalt  }
tec
execute0_lowered:
.L_overlay_start_1:
0x0: {  	(tag) =	ssettag $0x1  }
0x1: {  	s7 =	rddreg [dreg:$0x0]  }
0x2: {  	s0 =	srdreg.scid;
	s2 =	rddreg [dreg:$0x1]  }
0x3: {  	s3 =	simm.s32 $0x0;
	s13 =	simm.s32 $0x80;
	s6 =	sand.u32 $0x1, s0  }
0x4: {  	s14 =	simm.s32 $0x0;
	s0 =	stileid.u32;
	s5 =	smul.u32 $0x13C000, s6  }
0x5: {  	[smem:$0x7FF] =	sst s3;
	s1 =	sshll.u32 s6, $0x4;
	s8 =	smul.u32 $0x13C00, s0  }
0x6: {  	s10 =	smul.u32 $0x4F000, s0;
	s6 =	ssub.s32 $0x2, s6;
	s11 =	sshll.u32 s0, $0x6  }
0x7: {  	s1 =	sor.u32 s0, s1;
	s31 =	sshrl.u32 s6, $0x1;
	s11 =	sor.u32 $0x1C01, s11  }
0x8: {  	s4 =	smul.u32 $0x500, s1;
	s1 =	rddreg [dreg:$0x2];
	_ =	strace $0x80000047  }
0x9: {  	s8 =	sadd.s32 s8, s5;
	s5 =	sadd.s32 $0xCA00, s7;
	s10 =	sshrl.u32 s10, $0x2  }
0xa: {  	s8 =	sshrl.u32 s8, $0x3;
	s12 =	sadd.s32 s10, s2;
	s10 =	simm.s32 $0x2800  }
0xb: {  	s9 =	sadd.s32 s4, s7;
	s4 =	sadd.s32 $0xF200, s7;
	s7 =	sadd.s32 s8, s7  }
0xc: {  	s8 =	ssub.s32 s6, s31;
	s12 =	sshrl.u32 s12, $0x3;
	s6 =	sadd.s32 $0x2A00, s9  }
0xd: {  	s7 =	sadd.s32 $0xFA00, s7;
	s8 =	smax.u32 s8, $0x1;
	s9 =	simm.s32 $0x1  }
.LBB2_1:
0xe: {  	[tilespmem:s3], [sflag:$0x1] =	stream.linear.gather [hbm4b:s6+s3], $0x2800, $0x38;
	[tilespmem:$0x1A400] =	vst v63  }
0xf: {  	_ =	swait.ge [sflag:s9], $0x2800  }
0x10: {  	[sflag:s9] =	ssyncset.done $0x0  }
0x11: {  	[sflag:s9] =	ssyncadd.s32 $0xFFFFD800  }
0x12: {  	[tilespmem:s10], [sflag:$0x1] =	stream.linear.gather [hbm4b:s4+s3], $0x4000, $0x38;
	[tilespmem:$0x1A400] =	vst v63  }
0x13: {  	_ =	swait.ge [sflag:s9], $0x4000  }
0x14: {  	[sflag:s9] =	ssyncset.done $0x0  }
0x15: {  	[sflag:s9] =	ssyncadd.s32 $0xFFFFC000  }
0x16: {  	[spmem:s12], [sflag:s11] =	dma.local [hbm:s5], $0x2780  }
0x17: {  	_ =	swait.ge [sflag:s9], $0x2780  }
0x18: {  	[sflag:s9] =	ssyncset.done $0x0  }
0x19: {  	[sflag:s9] =	ssyncadd.s32 $0xFFFFD880  }
0x1a: {  	s15 =	simm.s32 $0x0;
	[bflag:$0x0] =	sbarrier.arrive $0xFFFF  }
0x1b: {  	[spmem:s2] =	stream.indirect.scatter.add.f32 [tilespmem:s10], [sflag:$0x1], $0x80, s15, s13, $0xb8;
	[tilespmem:$0x1A400] =	vst v63  }
0x1c: {  	_ =	swait.ge [sflag:s9], $0x4000  }
0x1d: {  	s15 =	simm.s32 $0x200;
	[sflag:s9] =	ssyncset.done $0x0  }
.LBB2_2:
0x1e: {  	s16 =	sshra.s32 s15, $0x2;
	[sflag:s9] =	ssyncadd.s32 $0xFFFFC000;
	p0 =	sne.s32 s15, $0x9E00  }
0x1f: {  	[spmem:s2] =	stream.indirect.scatter.add.f32 [tilespmem:s10], [sflag:$0x1], $0x80, s16, s13, $0xb8;
	[tilespmem:$0x1A400] =	vst v63  }
.Ltmp0:
0x20: {  	_ = 	snop;
	(pc) =	sbr.rel @p0 .LBB2_2-.Ltmp0, $4  }
0x21: {  	_ = 	snop  }
0x22: {  	s15 =	sadd.s32 $0x200, s15  }
0x23: {  	_ =	swait.ge [sflag:s9], $0x4000  }
0x24: {  	[sflag:s9] =	ssyncset.done $0x0  }
0x25: {  	s14 =	sadd.s32 $0x1, s14  }
0x26: {  	[sflag:s9] =	ssyncadd.s32 $0xFFFFC000;
	p0 =	sne.s32 s14, s8  }
.Ltmp1:
0x27: {  	[bflag:$0x0] =	sbarrier.arrive $0xFFFF;
	(pc) =	sbr.rel @p0 .LBB2_1-.Ltmp1, $4  }
0x28: {  	[hbm:s7], [sflag:s11] =	dma.local [spmem:s12], $0x2780  }
0x29: {  	_ =	swait.ge [sflag:s9], $0x2780  }
0x2a: {  	[sflag:s9] =	ssyncset.done $0x0  }
0x2b: {  	[sflag:s9] =	ssyncadd.s32 $0xFFFFD880  }
0x2c: {  	_ =	sfence.sel $0x180000  }
0x2d: {  	[bflag:$0x0] =	sbarrier.arrive $0xFFFF  }
0x2e: {  	p0 =	sne.s32 s0, $0x0;
	_ =	strace $0x90000047  }
0x2f: {  	s0 =	sadd.s32 @!p0 $0x100000, s1;
	[bflag:$0x2] =	sbarrier.arrive $0xFFFF  }
0x30: {  	[sflag:s0] =	ssyncadd.tile.s32 @!p0 $0x1;
	_ =	shalt  }
.Lfunc_end2:
_tile_overlayer_lowered:
.L_overlay_start_2:
0x31: {  	(tag) =	ssettag $0x2  }
0x32: {  	s0 =	rddreg [dreg:$0x0];
	s2 =	stileid.u32  }
0x33: {  	s1 =	rddreg [dreg:$0x1];
	p0 =	sne.s32 s2, $0x0  }
0x34: {  	s3 =	rddreg [dreg:$0x2];
	[bflag:$0x3] =	sbarrier.arrive $0xFFFF;
	s2 =	simm.s32 @!p0 $0x1C01  }
0x35: {  	[timem:s3], [sflag:s2] =	dma.local @!p0 [hbm:s0], s1  }
0x36: {  	s0 =	simm.s32 @!p0 $0x1  }
0x37: {  	_ =	swait.ge @!p0 [sflag:s0], s1  }
0x38: {  	s1 =	ssub.s32 @!p0 $0x0, s1;
	[sflag:s0] =	ssyncset.done @!p0 $0x0  }
0x39: {  	[sflag:s0] =	ssyncadd.s32 @!p0 s1  }
0x3a: {  	[bflag:$0x3] =	sbarrier.arrive $0xFFFF  }
0x3b: {  	_ =	shalt  }

</sc_bundles>
